<compile_context>
chip_gen: v7x
topology: tpu7x:2x2x1
jax: 0.10.2.dev20260603
libtpu: 0.0.44.dev20260713+nightly
codegen_flags: <defaults>
</compile_context>

<pallas_src>
import jax
import jax.numpy as jnp
from jax import lax
from jax.experimental import pallas as pl
from jax.experimental.pallas import tpu as pltpu
from jax.experimental.pallas import tpu_sc as plsc

N = 256
NBINS = 1024
SENT = 1535
HSTRIDE = 1537
LANES = 16
ZPAD = 272
JSTRIP = 32
PLANES_PER_W = 8
NW = 32

_params = pltpu.CompilerParams(use_tc_tiling_on_sc=False,
                               needs_layout_passes=False)


def _bin16(v):
    x = v * jnp.float32(NBINS - 1)
    t = x.astype(jnp.int32)
    return jnp.where(t.astype(jnp.float32) < x, t + 1, t)


def _phase1_body(img, partials, inbuf, binbuf, hist, red, dsem):
    c = lax.axis_index("c")
    s = lax.axis_index("s")
    w = s * 2 + c
    laneoff = lax.iota(jnp.int32, LANES) * HSTRIDE
    pos1 = jnp.full((LANES,), 1, jnp.int32)
    neg1 = jnp.full((LANES,), -1, jnp.int32)
    sent_vec = jnp.full((LANES,), SENT, jnp.int32)
    zero_vec = jnp.zeros((LANES,), jnp.int32)

    nzero = (HSTRIDE * LANES + LANES - 1) // LANES

    def _zero(b, _):
        for u in range(8):
            hist[pl.ds((b * 8 + u) * LANES, LANES)] = zero_vec
        return 0

    lax.fori_loop(0, nzero // 8, _zero, 0)
    for u in range(nzero - nzero // 8 * 8):
        hist[pl.ds((nzero // 8 * 8 + u) * LANES, LANES)] = zero_vec

    def _dma(ip, slot, s_idx, j0, wait):
        @pl.when(ip <= N - 1)
        def _():
            @pl.when(s_idx < 7)
            def _():
                d = pltpu.make_async_copy(
                    img.at[pl.ds(ip, 1), pl.ds(j0, JSTRIP + 1), :],
                    inbuf.at[pl.ds(slot, 1)], dsem)
                d.wait() if wait else d.start()

            @pl.when(s_idx == 7)
            def _():
                d = pltpu.make_async_copy(
                    img.at[pl.ds(ip, 1), pl.ds(j0, JSTRIP), :],
                    inbuf.at[pl.ds(slot, 1), pl.ds(0, JSTRIP)], dsem)
                d.wait() if wait else d.start()

    def bin_plane(ip, slot, s_idx):
        @pl.when(ip <= N - 1)
        def _():
            nrows = jnp.where(s_idx < 7, JSTRIP + 1, JSTRIP)

            @plsc.parallel_loop(0, nrows)
            def _binrow(r):
                vals = [_bin16(inbuf[slot, r, pl.ds(t * LANES, LANES)])
                        for t in range(N // LANES)]
                for t in range(N // LANES):
                    binbuf[slot, r, pl.ds(t * LANES, LANES)] = vals[t]
                binbuf[slot, r, pl.ds(N, LANES)] = sent_vec

            @pl.when(s_idx == 7)
            def _():
                for t in range(ZPAD // LANES):
                    binbuf[slot, JSTRIP, pl.ds(t * LANES, LANES)] = sent_vec

        @pl.when(ip > N - 1)
        def _():
            def _sentrow(r, _):
                for t in range(ZPAD // LANES):
                    binbuf[slot, r, pl.ds(t * LANES, LANES)] = sent_vec
                return 0

            lax.fori_loop(0, JSTRIP + 1, _sentrow, 0)

    def anchor_pass(pa, pb):
        def _scatter_cells(jj, k):
            a = binbuf[pa, jj, pl.ds(k, LANES)]
            az = binbuf[pa, jj, pl.ds(k + 1, LANES)]
            cc = binbuf[pa, jj + 1, pl.ds(k, LANES)]
            cz = binbuf[pa, jj + 1, pl.ds(k + 1, LANES)]
            b = binbuf[pb, jj, pl.ds(k, LANES)]
            bz = binbuf[pb, jj, pl.ds(k + 1, LANES)]
            dd = binbuf[pb, jj + 1, pl.ds(k, LANES)]
            dz = binbuf[pb, jj + 1, pl.ds(k + 1, LANES)]
            m_ab = jnp.maximum(a, b)
            m_cd = jnp.maximum(cc, dd)
            m_abz = jnp.maximum(az, bz)
            m_cdz = jnp.maximum(cz, dz)
            ey = jnp.maximum(a, cc)
            m_acz = jnp.maximum(az, cz)
            sq_z = jnp.maximum(m_ab, m_cd)
            m_z2 = jnp.maximum(m_abz, m_cdz)
            k1 = az > a
            k2 = m_abz > m_ab
            k3 = m_acz > ey
            k4 = m_z2 > sq_z
            plsc.addupdate_scatter(hist, [a + laneoff], pos1, mask=k1)
            plsc.addupdate_scatter(hist, [az + laneoff], neg1, mask=k1)
            plsc.addupdate_scatter(hist, [m_ab + laneoff], neg1, mask=k2)
            plsc.addupdate_scatter(hist, [m_abz + laneoff], pos1, mask=k2)
            plsc.addupdate_scatter(hist, [ey + laneoff], neg1, mask=k3)
            plsc.addupdate_scatter(hist, [m_acz + laneoff], pos1, mask=k3)
            plsc.addupdate_scatter(hist, [sq_z + laneoff], pos1, mask=k4)
            plsc.addupdate_scatter(hist, [m_z2 + laneoff], neg1, mask=k4)

        def _row(jj, _):
            @plsc.parallel_loop(0, N // LANES, unroll=4)
            def _col(t):
                _scatter_cells(jj, t * LANES)

            return 0

        lax.fori_loop(0, JSTRIP, _row, 0)

    def _strip(s_idx, _):
        j0 = s_idx * JSTRIP
        base = w * PLANES_PER_W
        _dma(base, jnp.int32(0), s_idx, j0, False)
        _dma(base, jnp.int32(0), s_idx, j0, True)
        _dma(base + 1, jnp.int32(1), s_idx, j0, False)
        bin_plane(base, jnp.int32(0), s_idx)

        def _plane(pp, _):
            slot = pp & 1
            _dma(base + pp, slot, s_idx, j0, True)

            @pl.when(pp < PLANES_PER_W)
            def _():
                _dma(base + pp + 1, 1 - slot, s_idx, j0, False)

            bin_plane(base + pp, slot, s_idx)
            anchor_pass(1 - slot, slot)
            return 0

        lax.fori_loop(1, PLANES_PER_W + 1, _plane, 0)
        return 0

    lax.fori_loop(0, 8, _strip, 0)

    def _reduce(cb, _):
        acc = zero_vec
        for l in range(LANES):
            acc = acc + hist[pl.ds(l * HSTRIDE + cb * LANES, LANES)]
        red[pl.ds(cb * LANES, LANES)] = acc
        return 0

    lax.fori_loop(0, NBINS // LANES, _reduce, 0)
    pltpu.sync_copy(red, partials.at[w])


def _phase2_body(partials, out, buf, red):
    c = lax.axis_index("c")
    s = lax.axis_index("s")
    w = s * 2 + c

    @pl.when(w == 0)
    def _():
        pltpu.sync_copy(partials, buf)

        def _chunk(cb, _):
            acc = jnp.zeros((LANES,), jnp.int32)
            for r in range(NW):
                acc = acc + buf[r, pl.ds(cb * LANES, LANES)]
            red[pl.ds(cb * LANES, LANES)] = acc
            return 0

        lax.fori_loop(0, NBINS // LANES, _chunk, 0)

        def _csum(cb, carry):
            ch = red[pl.ds(cb * LANES, LANES)]
            red[pl.ds(cb * LANES, LANES)] = plsc.cumsum(ch) + carry
            return carry + jnp.sum(ch)

        lax.fori_loop(0, NBINS // LANES, _csum, jnp.int32(0))
        pltpu.sync_copy(red, out)


def kernel(img_arr):
    mesh = plsc.VectorSubcoreMesh(core_axis_name="c", subcore_axis_name="s")
    partials = pl.kernel(
        _phase1_body,
        out_type=jax.ShapeDtypeStruct((NW, NBINS), jnp.int32),
        mesh=mesh,
        compiler_params=_params,
        scratch_types=[
            pltpu.VMEM((2, JSTRIP + 1, N), jnp.float32),
            pltpu.VMEM((2, JSTRIP + 1, ZPAD), jnp.int32),
            pltpu.VMEM((HSTRIDE * LANES + LANES,), jnp.int32),
            pltpu.VMEM((NBINS,), jnp.int32),
            pltpu.SemaphoreType.DMA,
        ],
    )(img_arr)
    return pl.kernel(
        _phase2_body,
        out_type=jax.ShapeDtypeStruct((NBINS,), jnp.int32),
        mesh=plsc.VectorSubcoreMesh(core_axis_name="c", subcore_axis_name="s"),
        compiler_params=_params,
        scratch_types=[
            pltpu.VMEM((NW, NBINS), jnp.int32),
            pltpu.VMEM((NBINS,), jnp.int32),
        ],
    )(partials)

# --- scband reference (transcript-rebuilt; emitter-appended) ---
"""Pipeline reference for scband-image-ecf-3-d-45457933861132 (READ-ONLY COPY).

The authoritative reference and input builder live on the scoring server;
editing this copy changes nothing except your own understanding.
"""

import jax, jax.numpy as jnp
import numpy as np

NUM_VALS = 1024


def setup_inputs(seed: int = 0) -> dict:
    key = jax.random.key(seed)
    img_arr = jax.random.uniform(key, (256, 256, 256), dtype=jnp.float32)
    return {"img_arr": img_arr}


def _cell_values_3d(arr):
    arr = arr.astype(jnp.float32)
    vertex_values = arr.reshape(-1)
    x_edge = jnp.maximum(arr[1:, ...], arr[:-1, ...])
    y_edge = jnp.maximum(arr[:, 1:, :], arr[:, :-1, :])
    z_edge = jnp.maximum(arr[..., 1:], arr[..., :-1])
    edge_values = jnp.concatenate([x_edge.reshape(-1), y_edge.reshape(-1), z_edge.reshape(-1)], axis=0)
    x_sq = jnp.maximum(y_edge[..., 1:], y_edge[..., :-1])
    y_sq = jnp.maximum(z_edge[1:, ...], z_edge[:-1, ...])
    z_sq = jnp.maximum(x_edge[:, 1:, :], x_edge[:, :-1, :])
    square_values = jnp.concatenate([x_sq.reshape(-1), y_sq.reshape(-1), z_sq.reshape(-1)], axis=0)
    cube_values = jnp.maximum(x_sq[1:, ...], x_sq[:-1, ...]).reshape(-1)
    return vertex_values, edge_values, square_values, cube_values


def reference(img_arr):
    n = NUM_VALS
    vertex_values, edge_values, square_values, cube_values = _cell_values_3d(img_arr)
    vertex_idx = jnp.ceil(vertex_values * (n - 1)).astype(jnp.int32)
    edge_idx = jnp.ceil(edge_values * (n - 1)).astype(jnp.int32)
    square_idx = jnp.ceil(square_values * (n - 1)).astype(jnp.int32)
    cube_idx = jnp.ceil(cube_values * (n - 1)).astype(jnp.int32)
    diff_ecf = jnp.zeros((n,), dtype=jnp.int32)
    diff_ecf = diff_ecf.at[vertex_idx].add(jnp.ones_like(vertex_idx, dtype=jnp.int32))
    diff_ecf = diff_ecf.at[edge_idx].add(-jnp.ones_like(edge_idx, dtype=jnp.int32))
    diff_ecf = diff_ecf.at[square_idx].add(jnp.ones_like(square_idx, dtype=jnp.int32))
    diff_ecf = diff_ecf.at[cube_idx].add(-jnp.ones_like(cube_idx, dtype=jnp.int32))
    return jnp.cumsum(diff_ecf, axis=0)

if __name__ == "__main__":
    import jax
    _d = setup_inputs()
    print(jax.jit(kernel)(*tuple(_d.values())))

</pallas_src>

<mosaic_0001>
#map = affine_map<(d0, d1) -> (0, 0)>
#map1 = affine_map<(d0, d1) -> (0)>
module attributes {stable_mosaic.version = 14 : i64} {
  func.func @_phase2_body(%arg0: i32, %arg1: i32, %arg2: memref<32x1024xi32, #tpu.memory_space<hbm>>, %arg3: memref<1024xi32, #tpu.memory_space<hbm>>, %arg4: memref<32x1024xi32, #tpu.memory_space<vmem>>, %arg5: memref<1024xi32, #tpu.memory_space<vmem>>) attributes {dimension_semantics = [#tpu.dimension_semantics<core_parallel>, #tpu.dimension_semantics<subcore_parallel>], iteration_bounds = array<i64: 2, 16>, scalar_prefetch = 0 : i64, scratch_operands = 2 : i64, tpu.core_type = #tpu.core_type<sc_vector_subcore>, window_params = [{transform_indices = #map}, {transform_indices = #map1}]} {
    %mul3A = arith.constant 2 : i32
    %mul3A_0 = arith.muli %arg1, %mul3A : i32
    %add3A = arith.addi %mul3A_0, %arg0 : i32
    %eq3A = arith.constant 0 : i32
    %eq3A_1 = arith.cmpi eq, %add3A, %eq3A : i32
    %convert_element_type3A = arith.extui %eq3A_1 : i1 to i32
    %cond3A = arith.constant 0 : i32
    %cond3A_2 = arith.cmpi ne, %convert_element_type3A, %cond3A : i32
    scf.if %cond3A_2 {
      "tpu.region"() ({
        %run_scoped3A = tpu.sem_alloc : memref<!tpu.dma_semaphore, #tpu.memory_space<semaphore_mem>>
        tpu.enqueue_dma source(%arg2 : memref<32x1024xi32, #tpu.memory_space<hbm>>) target(%arg4 : memref<32x1024xi32, #tpu.memory_space<vmem>>) target_semaphore(%run_scoped3A : memref<!tpu.dma_semaphore, #tpu.memory_space<semaphore_mem>>)
        tpu.wait_dma2 semaphore(%run_scoped3A : memref<!tpu.dma_semaphore, #tpu.memory_space<semaphore_mem>>) src(%arg2 : memref<32x1024xi32, #tpu.memory_space<hbm>>) dst(%arg4 : memref<32x1024xi32, #tpu.memory_space<vmem>>)
        tpu.yield
      }) : () -> ()
      %scan3A = arith.constant 0 : i32
      %scan3A_3 = arith.constant 0 : i32
      %scan3A_4 = arith.constant 64 : i32
      %scan3A_5 = arith.addi %scan3A_3, %scan3A_4 : i32
      %scan3A_6 = arith.constant 1 : i32
      %scan3A_7 = scf.for %scan3A_16 = %scan3A_3 to %scan3A_5 step %scan3A_6 iter_args(%scan3A_17 = %scan3A) -> (i32)  : i32 {
        %broadcast_in_dim3A = arith.constant 0 : i32
        %broadcast_in_dim3A_18 = vector.broadcast %broadcast_in_dim3A : i32 to vector<16xi32>
        %mul3A_19 = arith.constant 16 : i32
        %mul3A_20 = arith.muli %scan3A_16, %mul3A_19 : i32
        %get3A = arith.constant 0 : i32
        %get3A_21 = arith.index_cast %get3A : i32 to index
        %get3A_22 = arith.index_cast %mul3A_20 : i32 to index
        %get3A_23 = tpu.vector_load %arg4[%get3A_21, %get3A_22] {strides = array<i32>} : memref<32x1024xi32, #tpu.memory_space<vmem>>, vector<16xi32>,
        %add3A_24 = arith.addi %broadcast_in_dim3A_18, %get3A_23 : vector<16xi32>
        %mul3A_25 = arith.constant 16 : i32
        %mul3A_26 = arith.muli %scan3A_16, %mul3A_25 : i32
        %get3A_27 = arith.constant 1 : i32
        %get3A_28 = arith.index_cast %get3A_27 : i32 to index
        %get3A_29 = arith.index_cast %mul3A_26 : i32 to index
        %get3A_30 = tpu.vector_load %arg4[%get3A_28, %get3A_29] {strides = array<i32>} : memref<32x1024xi32, #tpu.memory_space<vmem>>, vector<16xi32>,
        %add3A_31 = arith.addi %add3A_24, %get3A_30 : vector<16xi32>
        %mul3A_32 = arith.constant 16 : i32
        %mul3A_33 = arith.muli %scan3A_16, %mul3A_32 : i32
        %get3A_34 = arith.constant 2 : i32
        %get3A_35 = arith.index_cast %get3A_34 : i32 to index
        %get3A_36 = arith.index_cast %mul3A_33 : i32 to index
        %get3A_37 = tpu.vector_load %arg4[%get3A_35, %get3A_36] {strides = array<i32>} : memref<32x1024xi32, #tpu.memory_space<vmem>>, vector<16xi32>,
        %add3A_38 = arith.addi %add3A_31, %get3A_37 : vector<16xi32>
        %mul3A_39 = arith.constant 16 : i32
        %mul3A_40 = arith.muli %scan3A_16, %mul3A_39 : i32
        %get3A_41 = arith.constant 3 : i32
        %get3A_42 = arith.index_cast %get3A_41 : i32 to index
        %get3A_43 = arith.index_cast %mul3A_40 : i32 to index
        %get3A_44 = tpu.vector_load %arg4[%get3A_42, %get3A_43] {strides = array<i32>} : memref<32x1024xi32, #tpu.memory_space<vmem>>, vector<16xi32>,
        %add3A_45 = arith.addi %add3A_38, %get3A_44 : vector<16xi32>
        %mul3A_46 = arith.constant 16 : i32
        %mul3A_47 = arith.muli %scan3A_16, %mul3A_46 : i32
        %get3A_48 = arith.constant 4 : i32
        %get3A_49 = arith.index_cast %get3A_48 : i32 to index
        %get3A_50 = arith.index_cast %mul3A_47 : i32 to index
        %get3A_51 = tpu.vector_load %arg4[%get3A_49, %get3A_50] {strides = array<i32>} : memref<32x1024xi32, #tpu.memory_space<vmem>>, vector<16xi32>,
        %add3A_52 = arith.addi %add3A_45, %get3A_51 : vector<16xi32>
        %mul3A_53 = arith.constant 16 : i32
        %mul3A_54 = arith.muli %scan3A_16, %mul3A_53 : i32
        %get3A_55 = arith.constant 5 : i32
        %get3A_56 = arith.index_cast %get3A_55 : i32 to index
        %get3A_57 = arith.index_cast %mul3A_54 : i32 to index
        %get3A_58 = tpu.vector_load %arg4[%get3A_56, %get3A_57] {strides = array<i32>} : memref<32x1024xi32, #tpu.memory_space<vmem>>, vector<16xi32>,
        %add3A_59 = arith.addi %add3A_52, %get3A_58 : vector<16xi32>
        %mul3A_60 = arith.constant 16 : i32
        %mul3A_61 = arith.muli %scan3A_16, %mul3A_60 : i32
        %get3A_62 = arith.constant 6 : i32
        %get3A_63 = arith.index_cast %get3A_62 : i32 to index
        %get3A_64 = arith.index_cast %mul3A_61 : i32 to index
        %get3A_65 = tpu.vector_load %arg4[%get3A_63, %get3A_64] {strides = array<i32>} : memref<32x1024xi32, #tpu.memory_space<vmem>>, vector<16xi32>,
        %add3A_66 = arith.addi %add3A_59, %get3A_65 : vector<16xi32>
        %mul3A_67 = arith.constant 16 : i32
        %mul3A_68 = arith.muli %scan3A_16, %mul3A_67 : i32
        %get3A_69 = arith.constant 7 : i32
        %get3A_70 = arith.index_cast %get3A_69 : i32 to index
        %get3A_71 = arith.index_cast %mul3A_68 : i32 to index
        %get3A_72 = tpu.vector_load %arg4[%get3A_70, %get3A_71] {strides = array<i32>} : memref<32x1024xi32, #tpu.memory_space<vmem>>, vector<16xi32>,
        %add3A_73 = arith.addi %add3A_66, %get3A_72 : vector<16xi32>
        %mul3A_74 = arith.constant 16 : i32
        %mul3A_75 = arith.muli %scan3A_16, %mul3A_74 : i32
        %get3A_76 = arith.constant 8 : i32
        %get3A_77 = arith.index_cast %get3A_76 : i32 to index
        %get3A_78 = arith.index_cast %mul3A_75 : i32 to index
        %get3A_79 = tpu.vector_load %arg4[%get3A_77, %get3A_78] {strides = array<i32>} : memref<32x1024xi32, #tpu.memory_space<vmem>>, vector<16xi32>,
        %add3A_80 = arith.addi %add3A_73, %get3A_79 : vector<16xi32>
        %mul3A_81 = arith.constant 16 : i32
        %mul3A_82 = arith.muli %scan3A_16, %mul3A_81 : i32
        %get3A_83 = arith.constant 9 : i32
        %get3A_84 = arith.index_cast %get3A_83 : i32 to index
        %get3A_85 = arith.index_cast %mul3A_82 : i32 to index
        %get3A_86 = tpu.vector_load %arg4[%get3A_84, %get3A_85] {strides = array<i32>} : memref<32x1024xi32, #tpu.memory_space<vmem>>, vector<16xi32>,
        %add3A_87 = arith.addi %add3A_80, %get3A_86 : vector<16xi32>
        %mul3A_88 = arith.constant 16 : i32
        %mul3A_89 = arith.muli %scan3A_16, %mul3A_88 : i32
        %get3A_90 = arith.constant 10 : i32
        %get3A_91 = arith.index_cast %get3A_90 : i32 to index
        %get3A_92 = arith.index_cast %mul3A_89 : i32 to index
        %get3A_93 = tpu.vector_load %arg4[%get3A_91, %get3A_92] {strides = array<i32>} : memref<32x1024xi32, #tpu.memory_space<vmem>>, vector<16xi32>,
        %add3A_94 = arith.addi %add3A_87, %get3A_93 : vector<16xi32>
        %mul3A_95 = arith.constant 16 : i32
        %mul3A_96 = arith.muli %scan3A_16, %mul3A_95 : i32
        %get3A_97 = arith.constant 11 : i32
        %get3A_98 = arith.index_cast %get3A_97 : i32 to index
        %get3A_99 = arith.index_cast %mul3A_96 : i32 to index
        %get3A_100 = tpu.vector_load %arg4[%get3A_98, %get3A_99] {strides = array<i32>} : memref<32x1024xi32, #tpu.memory_space<vmem>>, vector<16xi32>,
        %add3A_101 = arith.addi %add3A_94, %get3A_100 : vector<16xi32>
        %mul3A_102 = arith.constant 16 : i32
        %mul3A_103 = arith.muli %scan3A_16, %mul3A_102 : i32
        %get3A_104 = arith.constant 12 : i32
        %get3A_105 = arith.index_cast %get3A_104 : i32 to index
        %get3A_106 = arith.index_cast %mul3A_103 : i32 to index
        %get3A_107 = tpu.vector_load %arg4[%get3A_105, %get3A_106] {strides = array<i32>} : memref<32x1024xi32, #tpu.memory_space<vmem>>, vector<16xi32>,
        %add3A_108 = arith.addi %add3A_101, %get3A_107 : vector<16xi32>
        %mul3A_109 = arith.constant 16 : i32
        %mul3A_110 = arith.muli %scan3A_16, %mul3A_109 : i32
        %get3A_111 = arith.constant 13 : i32
        %get3A_112 = arith.index_cast %get3A_111 : i32 to index
        %get3A_113 = arith.index_cast %mul3A_110 : i32 to index
        %get3A_114 = tpu.vector_load %arg4[%get3A_112, %get3A_113] {strides = array<i32>} : memref<32x1024xi32, #tpu.memory_space<vmem>>, vector<16xi32>,
        %add3A_115 = arith.addi %add3A_108, %get3A_114 : vector<16xi32>
        %mul3A_116 = arith.constant 16 : i32
        %mul3A_117 = arith.muli %scan3A_16, %mul3A_116 : i32
        %get3A_118 = arith.constant 14 : i32
        %get3A_119 = arith.index_cast %get3A_118 : i32 to index
        %get3A_120 = arith.index_cast %mul3A_117 : i32 to index
        %get3A_121 = tpu.vector_load %arg4[%get3A_119, %get3A_120] {strides = array<i32>} : memref<32x1024xi32, #tpu.memory_space<vmem>>, vector<16xi32>,
        %add3A_122 = arith.addi %add3A_115, %get3A_121 : vector<16xi32>
        %mul3A_123 = arith.constant 16 : i32
        %mul3A_124 = arith.muli %scan3A_16, %mul3A_123 : i32
        %get3A_125 = arith.constant 15 : i32
        %get3A_126 = arith.index_cast %get3A_125 : i32 to index
        %get3A_127 = arith.index_cast %mul3A_124 : i32 to index
        %get3A_128 = tpu.vector_load %arg4[%get3A_126, %get3A_127] {strides = array<i32>} : memref<32x1024xi32, #tpu.memory_space<vmem>>, vector<16xi32>,
        %add3A_129 = arith.addi %add3A_122, %get3A_128 : vector<16xi32>
        %mul3A_130 = arith.constant 16 : i32
        %mul3A_131 = arith.muli %scan3A_16, %mul3A_130 : i32
        %get3A_132 = arith.constant 16 : i32
        %get3A_133 = arith.index_cast %get3A_132 : i32 to index
        %get3A_134 = arith.index_cast %mul3A_131 : i32 to index
        %get3A_135 = tpu.vector_load %arg4[%get3A_133, %get3A_134] {strides = array<i32>} : memref<32x1024xi32, #tpu.memory_space<vmem>>, vector<16xi32>,
        %add3A_136 = arith.addi %add3A_129, %get3A_135 : vector<16xi32>
        %mul3A_137 = arith.constant 16 : i32
        %mul3A_138 = arith.muli %scan3A_16, %mul3A_137 : i32
        %get3A_139 = arith.constant 17 : i32
        %get3A_140 = arith.index_cast %get3A_139 : i32 to index
        %get3A_141 = arith.index_cast %mul3A_138 : i32 to index
        %get3A_142 = tpu.vector_load %arg4[%get3A_140, %get3A_141] {strides = array<i32>} : memref<32x1024xi32, #tpu.memory_space<vmem>>, vector<16xi32>,
        %add3A_143 = arith.addi %add3A_136, %get3A_142 : vector<16xi32>
        %mul3A_144 = arith.constant 16 : i32
        %mul3A_145 = arith.muli %scan3A_16, %mul3A_144 : i32
        %get3A_146 = arith.constant 18 : i32
        %get3A_147 = arith.index_cast %get3A_146 : i32 to index
        %get3A_148 = arith.index_cast %mul3A_145 : i32 to index
        %get3A_149 = tpu.vector_load %arg4[%get3A_147, %get3A_148] {strides = array<i32>} : memref<32x1024xi32, #tpu.memory_space<vmem>>, vector<16xi32>,
        %add3A_150 = arith.addi %add3A_143, %get3A_149 : vector<16xi32>
        %mul3A_151 = arith.constant 16 : i32
        %mul3A_152 = arith.muli %scan3A_16, %mul3A_151 : i32
        %get3A_153 = arith.constant 19 : i32
        %get3A_154 = arith.index_cast %get3A_153 : i32 to index
        %get3A_155 = arith.index_cast %mul3A_152 : i32 to index
        %get3A_156 = tpu.vector_load %arg4[%get3A_154, %get3A_155] {strides = array<i32>} : memref<32x1024xi32, #tpu.memory_space<vmem>>, vector<16xi32>,
        %add3A_157 = arith.addi %add3A_150, %get3A_156 : vector<16xi32>
        %mul3A_158 = arith.constant 16 : i32
        %mul3A_159 = arith.muli %scan3A_16, %mul3A_158 : i32
        %get3A_160 = arith.constant 20 : i32
        %get3A_161 = arith.index_cast %get3A_160 : i32 to index
        %get3A_162 = arith.index_cast %mul3A_159 : i32 to index
        %get3A_163 = tpu.vector_load %arg4[%get3A_161, %get3A_162] {strides = array<i32>} : memref<32x1024xi32, #tpu.memory_space<vmem>>, vector<16xi32>,
        %add3A_164 = arith.addi %add3A_157, %get3A_163 : vector<16xi32>
        %mul3A_165 = arith.constant 16 : i32
        %mul3A_166 = arith.muli %scan3A_16, %mul3A_165 : i32
        %get3A_167 = arith.constant 21 : i32
        %get3A_168 = arith.index_cast %get3A_167 : i32 to index
        %get3A_169 = arith.index_cast %mul3A_166 : i32 to index
        %get3A_170 = tpu.vector_load %arg4[%get3A_168, %get3A_169] {strides = array<i32>} : memref<32x1024xi32, #tpu.memory_space<vmem>>, vector<16xi32>,
        %add3A_171 = arith.addi %add3A_164, %get3A_170 : vector<16xi32>
        %mul3A_172 = arith.constant 16 : i32
        %mul3A_173 = arith.muli %scan3A_16, %mul3A_172 : i32
        %get3A_174 = arith.constant 22 : i32
        %get3A_175 = arith.index_cast %get3A_174 : i32 to index
        %get3A_176 = arith.index_cast %mul3A_173 : i32 to index
        %get3A_177 = tpu.vector_load %arg4[%get3A_175, %get3A_176] {strides = array<i32>} : memref<32x1024xi32, #tpu.memory_space<vmem>>, vector<16xi32>,
        %add3A_178 = arith.addi %add3A_171, %get3A_177 : vector<16xi32>
        %mul3A_179 = arith.constant 16 : i32
        %mul3A_180 = arith.muli %scan3A_16, %mul3A_179 : i32
        %get3A_181 = arith.constant 23 : i32
        %get3A_182 = arith.index_cast %get3A_181 : i32 to index
        %get3A_183 = arith.index_cast %mul3A_180 : i32 to index
        %get3A_184 = tpu.vector_load %arg4[%get3A_182, %get3A_183] {strides = array<i32>} : memref<32x1024xi32, #tpu.memory_space<vmem>>, vector<16xi32>,
        %add3A_185 = arith.addi %add3A_178, %get3A_184 : vector<16xi32>
        %mul3A_186 = arith.constant 16 : i32
        %mul3A_187 = arith.muli %scan3A_16, %mul3A_186 : i32
        %get3A_188 = arith.constant 24 : i32
        %get3A_189 = arith.index_cast %get3A_188 : i32 to index
        %get3A_190 = arith.index_cast %mul3A_187 : i32 to index
        %get3A_191 = tpu.vector_load %arg4[%get3A_189, %get3A_190] {strides = array<i32>} : memref<32x1024xi32, #tpu.memory_space<vmem>>, vector<16xi32>,
        %add3A_192 = arith.addi %add3A_185, %get3A_191 : vector<16xi32>
        %mul3A_193 = arith.constant 16 : i32
        %mul3A_194 = arith.muli %scan3A_16, %mul3A_193 : i32
        %get3A_195 = arith.constant 25 : i32
        %get3A_196 = arith.index_cast %get3A_195 : i32 to index
        %get3A_197 = arith.index_cast %mul3A_194 : i32 to index
        %get3A_198 = tpu.vector_load %arg4[%get3A_196, %get3A_197] {strides = array<i32>} : memref<32x1024xi32, #tpu.memory_space<vmem>>, vector<16xi32>,
        %add3A_199 = arith.addi %add3A_192, %get3A_198 : vector<16xi32>
        %mul3A_200 = arith.constant 16 : i32
        %mul3A_201 = arith.muli %scan3A_16, %mul3A_200 : i32
        %get3A_202 = arith.constant 26 : i32
        %get3A_203 = arith.index_cast %get3A_202 : i32 to index
        %get3A_204 = arith.index_cast %mul3A_201 : i32 to index
        %get3A_205 = tpu.vector_load %arg4[%get3A_203, %get3A_204] {strides = array<i32>} : memref<32x1024xi32, #tpu.memory_space<vmem>>, vector<16xi32>,
        %add3A_206 = arith.addi %add3A_199, %get3A_205 : vector<16xi32>
        %mul3A_207 = arith.constant 16 : i32
        %mul3A_208 = arith.muli %scan3A_16, %mul3A_207 : i32
        %get3A_209 = arith.constant 27 : i32
        %get3A_210 = arith.index_cast %get3A_209 : i32 to index
        %get3A_211 = arith.index_cast %mul3A_208 : i32 to index
        %get3A_212 = tpu.vector_load %arg4[%get3A_210, %get3A_211] {strides = array<i32>} : memref<32x1024xi32, #tpu.memory_space<vmem>>, vector<16xi32>,
        %add3A_213 = arith.addi %add3A_206, %get3A_212 : vector<16xi32>
        %mul3A_214 = arith.constant 16 : i32
        %mul3A_215 = arith.muli %scan3A_16, %mul3A_214 : i32
        %get3A_216 = arith.constant 28 : i32
        %get3A_217 = arith.index_cast %get3A_216 : i32 to index
        %get3A_218 = arith.index_cast %mul3A_215 : i32 to index
        %get3A_219 = tpu.vector_load %arg4[%get3A_217, %get3A_218] {strides = array<i32>} : memref<32x1024xi32, #tpu.memory_space<vmem>>, vector<16xi32>,
        %add3A_220 = arith.addi %add3A_213, %get3A_219 : vector<16xi32>
        %mul3A_221 = arith.constant 16 : i32
        %mul3A_222 = arith.muli %scan3A_16, %mul3A_221 : i32
        %get3A_223 = arith.constant 29 : i32
        %get3A_224 = arith.index_cast %get3A_223 : i32 to index
        %get3A_225 = arith.index_cast %mul3A_222 : i32 to index
        %get3A_226 = tpu.vector_load %arg4[%get3A_224, %get3A_225] {strides = array<i32>} : memref<32x1024xi32, #tpu.memory_space<vmem>>, vector<16xi32>,
        %add3A_227 = arith.addi %add3A_220, %get3A_226 : vector<16xi32>
        %mul3A_228 = arith.constant 16 : i32
        %mul3A_229 = arith.muli %scan3A_16, %mul3A_228 : i32
        %get3A_230 = arith.constant 30 : i32
        %get3A_231 = arith.index_cast %get3A_230 : i32 to index
        %get3A_232 = arith.index_cast %mul3A_229 : i32 to index
        %get3A_233 = tpu.vector_load %arg4[%get3A_231, %get3A_232] {strides = array<i32>} : memref<32x1024xi32, #tpu.memory_space<vmem>>, vector<16xi32>,
        %add3A_234 = arith.addi %add3A_227, %get3A_233 : vector<16xi32>
        %mul3A_235 = arith.constant 16 : i32
        %mul3A_236 = arith.muli %scan3A_16, %mul3A_235 : i32
        %get3A_237 = arith.constant 31 : i32
        %get3A_238 = arith.index_cast %get3A_237 : i32 to index
        %get3A_239 = arith.index_cast %mul3A_236 : i32 to index
        %get3A_240 = tpu.vector_load %arg4[%get3A_238, %get3A_239] {strides = array<i32>} : memref<32x1024xi32, #tpu.memory_space<vmem>>, vector<16xi32>,
        %add3A_241 = arith.addi %add3A_234, %get3A_240 : vector<16xi32>
        %mul3A_242 = arith.constant 16 : i32
        %mul3A_243 = arith.muli %scan3A_16, %mul3A_242 : i32
        %swap3A = arith.index_cast %mul3A_243 : i32 to index
        %swap3A_244 = tpu.vector_load %arg5[%swap3A] {strides = array<i32>} : memref<1024xi32, #tpu.memory_space<vmem>>, vector<16xi32>,
        tpu.vector_store %arg5[%swap3A], %add3A_241 {strides = array<i32>} : memref<1024xi32, #tpu.memory_space<vmem>>, vector<16xi32>,
        %scan3A_245 = arith.constant 0 : i32
        scf.yield %scan3A_245 : i32
      }
      %scan3A_8 = arith.constant 64 : i32
      %scan3A_9 = arith.constant 0 : i32
      %scan3A_10 = arith.constant 0 : i32
      %scan3A_11 = arith.constant 64 : i32
      %scan3A_12 = arith.addi %scan3A_10, %scan3A_11 : i32
      %scan3A_13 = arith.constant 1 : i32
      %scan3A_14 = scf.for %scan3A_16 = %scan3A_10 to %scan3A_12 step %scan3A_13 iter_args(%scan3A_17 = %scan3A_9) -> (i32)  : i32 {
        %mul3A_18 = arith.constant 16 : i32
        %mul3A_19 = arith.muli %scan3A_16, %mul3A_18 : i32
        %get3A = arith.index_cast %mul3A_19 : i32 to index
        %get3A_20 = tpu.vector_load %arg5[%get3A] {strides = array<i32>} : memref<1024xi32, #tpu.memory_space<vmem>>, vector<16xi32>,
        %broadcast_in_dim3A = arith.constant true
        %broadcast_in_dim3A_21 = vector.broadcast %broadcast_in_dim3A : i1 to vector<16xi1>
        %masked_cumsum3A = tpu.scan <sum>, %get3A_20 masked %broadcast_in_dim3A_21 : vector<16xi32>, vector<16xi1> -> vector<16xi32>
        %add3A_22 = vector.broadcast %scan3A_17 : i32 to vector<16xi32>
        %add3A_23 = arith.addi %masked_cumsum3A, %add3A_22 : vector<16xi32>
        %mul3A_24 = arith.constant 16 : i32
        %mul3A_25 = arith.muli %scan3A_16, %mul3A_24 : i32
        %swap3A = arith.index_cast %mul3A_25 : i32 to index
        %swap3A_26 = tpu.vector_load %arg5[%swap3A] {strides = array<i32>} : memref<1024xi32, #tpu.memory_space<vmem>>, vector<16xi32>,
        tpu.vector_store %arg5[%swap3A], %add3A_23 {strides = array<i32>} : memref<1024xi32, #tpu.memory_space<vmem>>, vector<16xi32>,
        %reduce_sum3A = arith.constant true
        %reduce_sum3A_27 = vector.broadcast %reduce_sum3A : i1 to vector<16xi1>
        %reduce_sum3A_28 = tpu.scan <sum>, %get3A_20 masked %reduce_sum3A_27 : vector<16xi32>, vector<16xi1> -> vector<16xi32>
        %reduce_sum3A_29 = vector.extract %reduce_sum3A_28[15] : i32 from vector<16xi32>
        %add3A_30 = arith.addi %scan3A_17, %reduce_sum3A_29 : i32
        scf.yield %add3A_30 : i32
      }
      %scan3A_15 = arith.constant 64 : i32
      "tpu.region"() ({
        %run_scoped3A = tpu.sem_alloc : memref<!tpu.dma_semaphore, #tpu.memory_space<semaphore_mem>>
        tpu.enqueue_dma source(%arg5 : memref<1024xi32, #tpu.memory_space<vmem>>) target(%arg3 : memref<1024xi32, #tpu.memory_space<hbm>>) target_semaphore(%run_scoped3A : memref<!tpu.dma_semaphore, #tpu.memory_space<semaphore_mem>>)
        tpu.wait_dma2 semaphore(%run_scoped3A : memref<!tpu.dma_semaphore, #tpu.memory_space<semaphore_mem>>) src(%arg5 : memref<1024xi32, #tpu.memory_space<vmem>>) dst(%arg3 : memref<1024xi32, #tpu.memory_space<hbm>>)
        tpu.yield
      }) : () -> ()
    } else {
    }
    return
  }
}

#map = affine_map<(d0, d1) -> (0, 0, 0)>
#map1 = affine_map<(d0, d1) -> (0, 0)>
module attributes {stable_mosaic.version = 14 : i64} {
  func.func @_phase1_body(%arg0: i32, %arg1: i32, %arg2: memref<256x256x256xf32, #tpu.memory_space<hbm>>, %arg3: memref<32x1024xi32, #tpu.memory_space<hbm>>, %arg4: memref<2x33x256xf32, #tpu.memory_space<vmem>>, %arg5: memref<2x33x272xi32, #tpu.memory_space<vmem>>, %arg6: memref<24608xi32, #tpu.memory_space<vmem>>, %arg7: memref<1024xi32, #tpu.memory_space<vmem>>, %arg8: memref<!tpu.dma_semaphore, #tpu.memory_space<semaphore_mem>>) attributes {dimension_semantics = [#tpu.dimension_semantics<core_parallel>, #tpu.dimension_semantics<subcore_parallel>], iteration_bounds = array<i64: 2, 16>, scalar_prefetch = 0 : i64, scratch_operands = 5 : i64, tpu.core_type = #tpu.core_type<sc_vector_subcore>, window_params = [{transform_indices = #map}, {transform_indices = #map1}]} {
    %mul3A = arith.constant 2 : i32
    %mul3A_0 = arith.muli %arg1, %mul3A : i32
    %add3A = arith.addi %mul3A_0, %arg0 : i32
    %iota3A = tpu.iota {dimensions = array<i32: 0>} : vector<16xi32>
    %mul3A_1 = arith.constant 1537 : i32
    %mul3A_2 = vector.broadcast %mul3A_1 : i32 to vector<16xi32>
    %mul3A_3 = arith.muli %iota3A, %mul3A_2 : vector<16xi32>
    %broadcast_in_dim3A = arith.constant 1 : i32
    %broadcast_in_dim3A_4 = vector.broadcast %broadcast_in_dim3A : i32 to vector<16xi32>
    %broadcast_in_dim3A_5 = arith.constant -1 : i32
    %broadcast_in_dim3A_6 = vector.broadcast %broadcast_in_dim3A_5 : i32 to vector<16xi32>
    %broadcast_in_dim3A_7 = arith.constant 1535 : i32
    %broadcast_in_dim3A_8 = vector.broadcast %broadcast_in_dim3A_7 : i32 to vector<16xi32>
    %broadcast_in_dim3A_9 = arith.constant 0 : i32
    %broadcast_in_dim3A_10 = vector.broadcast %broadcast_in_dim3A_9 : i32 to vector<16xi32>
    %scan3A = arith.constant 0 : i32
    %scan3A_11 = arith.constant 0 : i32
    %scan3A_12 = arith.constant 192 : i32
    %scan3A_13 = arith.addi %scan3A_11, %scan3A_12 : i32
    %scan3A_14 = arith.constant 1 : i32
    %scan3A_15 = scf.for %scan3A_32 = %scan3A_11 to %scan3A_13 step %scan3A_14 iter_args(%scan3A_33 = %scan3A) -> (i32)  : i32 {
      %mul3A_34 = arith.constant 8 : i32
      %mul3A_35 = arith.muli %scan3A_32, %mul3A_34 : i32
      %add3A_36 = arith.constant 0 : i32
      %add3A_37 = arith.addi %mul3A_35, %add3A_36 : i32
      %mul3A_38 = arith.constant 16 : i32
      %mul3A_39 = arith.muli %add3A_37, %mul3A_38 : i32
      %swap3A_40 = arith.index_cast %mul3A_39 : i32 to index
      %swap3A_41 = tpu.vector_load %arg6[%swap3A_40] {strides = array<i32>} : memref<24608xi32, #tpu.memory_space<vmem>>, vector<16xi32>,
      tpu.vector_store %arg6[%swap3A_40], %broadcast_in_dim3A_10 {strides = array<i32>} : memref<24608xi32, #tpu.memory_space<vmem>>, vector<16xi32>,
      %mul3A_42 = arith.constant 8 : i32
      %mul3A_43 = arith.muli %scan3A_32, %mul3A_42 : i32
      %add3A_44 = arith.constant 1 : i32
      %add3A_45 = arith.addi %mul3A_43, %add3A_44 : i32
      %mul3A_46 = arith.constant 16 : i32
      %mul3A_47 = arith.muli %add3A_45, %mul3A_46 : i32
      %swap3A_48 = arith.index_cast %mul3A_47 : i32 to index
      %swap3A_49 = tpu.vector_load %arg6[%swap3A_48] {strides = array<i32>} : memref<24608xi32, #tpu.memory_space<vmem>>, vector<16xi32>,
      tpu.vector_store %arg6[%swap3A_48], %broadcast_in_dim3A_10 {strides = array<i32>} : memref<24608xi32, #tpu.memory_space<vmem>>, vector<16xi32>,
      %mul3A_50 = arith.constant 8 : i32
      %mul3A_51 = arith.muli %scan3A_32, %mul3A_50 : i32
      %add3A_52 = arith.constant 2 : i32
      %add3A_53 = arith.addi %mul3A_51, %add3A_52 : i32
      %mul3A_54 = arith.constant 16 : i32
      %mul3A_55 = arith.muli %add3A_53, %mul3A_54 : i32
      %swap3A_56 = arith.index_cast %mul3A_55 : i32 to index
      %swap3A_57 = tpu.vector_load %arg6[%swap3A_56] {strides = array<i32>} : memref<24608xi32, #tpu.memory_space<vmem>>, vector<16xi32>,
      tpu.vector_store %arg6[%swap3A_56], %broadcast_in_dim3A_10 {strides = array<i32>} : memref<24608xi32, #tpu.memory_space<vmem>>, vector<16xi32>,
      %mul3A_58 = arith.constant 8 : i32
      %mul3A_59 = arith.muli %scan3A_32, %mul3A_58 : i32
      %add3A_60 = arith.constant 3 : i32
      %add3A_61 = arith.addi %mul3A_59, %add3A_60 : i32
      %mul3A_62 = arith.constant 16 : i32
      %mul3A_63 = arith.muli %add3A_61, %mul3A_62 : i32
      %swap3A_64 = arith.index_cast %mul3A_63 : i32 to index
      %swap3A_65 = tpu.vector_load %arg6[%swap3A_64] {strides = array<i32>} : memref<24608xi32, #tpu.memory_space<vmem>>, vector<16xi32>,
      tpu.vector_store %arg6[%swap3A_64], %broadcast_in_dim3A_10 {strides = array<i32>} : memref<24608xi32, #tpu.memory_space<vmem>>, vector<16xi32>,
      %mul3A_66 = arith.constant 8 : i32
      %mul3A_67 = arith.muli %scan3A_32, %mul3A_66 : i32
      %add3A_68 = arith.constant 4 : i32
      %add3A_69 = arith.addi %mul3A_67, %add3A_68 : i32
      %mul3A_70 = arith.constant 16 : i32
      %mul3A_71 = arith.muli %add3A_69, %mul3A_70 : i32
      %swap3A_72 = arith.index_cast %mul3A_71 : i32 to index
      %swap3A_73 = tpu.vector_load %arg6[%swap3A_72] {strides = array<i32>} : memref<24608xi32, #tpu.memory_space<vmem>>, vector<16xi32>,
      tpu.vector_store %arg6[%swap3A_72], %broadcast_in_dim3A_10 {strides = array<i32>} : memref<24608xi32, #tpu.memory_space<vmem>>, vector<16xi32>,
      %mul3A_74 = arith.constant 8 : i32
      %mul3A_75 = arith.muli %scan3A_32, %mul3A_74 : i32
      %add3A_76 = arith.constant 5 : i32
      %add3A_77 = arith.addi %mul3A_75, %add3A_76 : i32
      %mul3A_78 = arith.constant 16 : i32
      %mul3A_79 = arith.muli %add3A_77, %mul3A_78 : i32
      %swap3A_80 = arith.index_cast %mul3A_79 : i32 to index
      %swap3A_81 = tpu.vector_load %arg6[%swap3A_80] {strides = array<i32>} : memref<24608xi32, #tpu.memory_space<vmem>>, vector<16xi32>,
      tpu.vector_store %arg6[%swap3A_80], %broadcast_in_dim3A_10 {strides = array<i32>} : memref<24608xi32, #tpu.memory_space<vmem>>, vector<16xi32>,
      %mul3A_82 = arith.constant 8 : i32
      %mul3A_83 = arith.muli %scan3A_32, %mul3A_82 : i32
      %add3A_84 = arith.constant 6 : i32
      %add3A_85 = arith.addi %mul3A_83, %add3A_84 : i32
      %mul3A_86 = arith.constant 16 : i32
      %mul3A_87 = arith.muli %add3A_85, %mul3A_86 : i32
      %swap3A_88 = arith.index_cast %mul3A_87 : i32 to index
      %swap3A_89 = tpu.vector_load %arg6[%swap3A_88] {strides = array<i32>} : memref<24608xi32, #tpu.memory_space<vmem>>, vector<16xi32>,
      tpu.vector_store %arg6[%swap3A_88], %broadcast_in_dim3A_10 {strides = array<i32>} : memref<24608xi32, #tpu.memory_space<vmem>>, vector<16xi32>,
      %mul3A_90 = arith.constant 8 : i32
      %mul3A_91 = arith.muli %scan3A_32, %mul3A_90 : i32
      %add3A_92 = arith.constant 7 : i32
      %add3A_93 = arith.addi %mul3A_91, %add3A_92 : i32
      %mul3A_94 = arith.constant 16 : i32
      %mul3A_95 = arith.muli %add3A_93, %mul3A_94 : i32
      %swap3A_96 = arith.index_cast %mul3A_95 : i32 to index
      %swap3A_97 = tpu.vector_load %arg6[%swap3A_96] {strides = array<i32>} : memref<24608xi32, #tpu.memory_space<vmem>>, vector<16xi32>,
      tpu.vector_store %arg6[%swap3A_96], %broadcast_in_dim3A_10 {strides = array<i32>} : memref<24608xi32, #tpu.memory_space<vmem>>, vector<16xi32>,
      %scan3A_98 = arith.constant 0 : i32
      scf.yield %scan3A_98 : i32
    }
    %scan3A_16 = arith.constant 192 : i32
    %swap3A = arith.constant 24576 : index
    %swap3A_17 = tpu.vector_load %arg6[%swap3A] {strides = array<i32>} : memref<24608xi32, #tpu.memory_space<vmem>>, vector<16xi32>,
    tpu.vector_store %arg6[%swap3A], %broadcast_in_dim3A_10 {strides = array<i32>} : memref<24608xi32, #tpu.memory_space<vmem>>, vector<16xi32>,
    %scan3A_18 = arith.constant 0 : i32
    %scan3A_19 = arith.constant 0 : i32
    %scan3A_20 = arith.constant 8 : i32
    %scan3A_21 = arith.addi %scan3A_19, %scan3A_20 : i32
    %scan3A_22 = arith.constant 1 : i32
    %scan3A_23 = scf.for %scan3A_32 = %scan3A_19 to %scan3A_21 step %scan3A_22 iter_args(%scan3A_33 = %scan3A_18) -> (i32)  : i32 {
      %mul3A_34 = arith.constant 32 : i32
      %mul3A_35 = arith.muli %scan3A_32, %mul3A_34 : i32
      %mul3A_36 = arith.constant 8 : i32
      %mul3A_37 = arith.muli %add3A, %mul3A_36 : i32
      %le3A = arith.constant 255 : i32
      %le3A_38 = arith.cmpi sle, %mul3A_37, %le3A : i32
      %convert_element_type3A = arith.extui %le3A_38 : i1 to i32
      %cond3A = arith.constant 0 : i32
      %cond3A_39 = arith.constant 0 : i32
      %cond3A_40 = arith.cmpi ne, %convert_element_type3A, %cond3A_39 : i32
      scf.if %cond3A_40 {
        %lt3A = arith.constant 7 : i32
        %lt3A_74 = arith.cmpi slt, %scan3A_32, %lt3A : i32
        %convert_element_type3A_75 = arith.extui %lt3A_74 : i1 to i32
        %cond3A_76 = arith.constant 0 : i32
        %cond3A_77 = arith.cmpi ne, %convert_element_type3A_75, %cond3A_76 : i32
        scf.if %cond3A_77 {
          %dma_start3A = arith.constant 0 : i32
          %dma_start3A_82 = arith.constant 0 : i32
          %dma_start3A_83 = tpu.memref_slice %arg4[%cond3A, %dma_start3A, %dma_start3A_82] : memref<2x33x256xf32, #tpu.memory_space<vmem>> -> memref<1x33x256xf32, #tpu.memory_space<vmem>>
          %dma_start3A_84 = arith.constant 0 : i32
          %dma_start3A_85 = tpu.memref_slice %arg2[%mul3A_37, %mul3A_35, %dma_start3A_84] : memref<256x256x256xf32, #tpu.memory_space<hbm>> -> memref<1x33x256xf32, #tpu.memory_space<hbm>>
          %dma_start3A_86 = arith.constant 0 : i32
          %dma_start3A_87 = arith.constant 0 : i32
          %dma_start3A_88 = tpu.memref_slice %arg4[%cond3A, %dma_start3A_86, %dma_start3A_87] : memref<2x33x256xf32, #tpu.memory_space<vmem>> -> memref<1x33x256xf32, #tpu.memory_space<vmem>>
          %dma_start3A_89 = arith.constant 0 : i32
          %dma_start3A_90 = tpu.memref_slice %arg2[%mul3A_37, %mul3A_35, %dma_start3A_89] : memref<256x256x256xf32, #tpu.memory_space<hbm>> -> memref<1x33x256xf32, #tpu.memory_space<hbm>>
          tpu.enqueue_dma source(%dma_start3A_90 : memref<1x33x256xf32, #tpu.memory_space<hbm>>) target(%dma_start3A_88 : memref<1x33x256xf32, #tpu.memory_space<vmem>>) target_semaphore(%arg8 : memref<!tpu.dma_semaphore, #tpu.memory_space<semaphore_mem>>)
        } else {
        }
        %eq3A = arith.constant 7 : i32
        %eq3A_78 = arith.cmpi eq, %scan3A_32, %eq3A : i32
        %convert_element_type3A_79 = arith.extui %eq3A_78 : i1 to i32
        %cond3A_80 = arith.constant 0 : i32
        %cond3A_81 = arith.cmpi ne, %convert_element_type3A_79, %cond3A_80 : i32
        scf.if %cond3A_81 {
          %dma_start3A = arith.constant 0 : i32
          %dma_start3A_82 = arith.constant 0 : i32
          %dma_start3A_83 = tpu.memref_slice %arg4[%cond3A, %dma_start3A, %dma_start3A_82] : memref<2x33x256xf32, #tpu.memory_space<vmem>> -> memref<1x32x256xf32, #tpu.memory_space<vmem>>
          %dma_start3A_84 = arith.constant 0 : i32
          %dma_start3A_85 = tpu.memref_slice %arg2[%mul3A_37, %mul3A_35, %dma_start3A_84] : memref<256x256x256xf32, #tpu.memory_space<hbm>> -> memref<1x32x256xf32, #tpu.memory_space<hbm>>
          %dma_start3A_86 = arith.constant 0 : i32
          %dma_start3A_87 = arith.constant 0 : i32
          %dma_start3A_88 = tpu.memref_slice %arg4[%cond3A, %dma_start3A_86, %dma_start3A_87] : memref<2x33x256xf32, #tpu.memory_space<vmem>> -> memref<1x32x256xf32, #tpu.memory_space<vmem>>
          %dma_start3A_89 = arith.constant 0 : i32
          %dma_start3A_90 = tpu.memref_slice %arg2[%mul3A_37, %mul3A_35, %dma_start3A_89] : memref<256x256x256xf32, #tpu.memory_space<hbm>> -> memref<1x32x256xf32, #tpu.memory_space<hbm>>
          tpu.enqueue_dma source(%dma_start3A_90 : memref<1x32x256xf32, #tpu.memory_space<hbm>>) target(%dma_start3A_88 : memref<1x32x256xf32, #tpu.memory_space<vmem>>) target_semaphore(%arg8 : memref<!tpu.dma_semaphore, #tpu.memory_space<semaphore_mem>>)
        } else {
        }
      } else {
      }
      %le3A_41 = arith.constant 255 : i32
      %le3A_42 = arith.cmpi sle, %mul3A_37, %le3A_41 : i32
      %convert_element_type3A_43 = arith.extui %le3A_42 : i1 to i32
      %cond3A_44 = arith.constant 0 : i32
      %cond3A_45 = arith.constant 0 : i32
      %cond3A_46 = arith.cmpi ne, %convert_element_type3A_43, %cond3A_45 : i32
      scf.if %cond3A_46 {
        %lt3A = arith.constant 7 : i32
        %lt3A_74 = arith.cmpi slt, %scan3A_32, %lt3A : i32
        %convert_element_type3A_75 = arith.extui %lt3A_74 : i1 to i32
        %cond3A_76 = arith.constant 0 : i32
        %cond3A_77 = arith.cmpi ne, %convert_element_type3A_75, %cond3A_76 : i32
        scf.if %cond3A_77 {
          %dma_wait3A = arith.constant 0 : i32
          %dma_wait3A_82 = arith.constant 0 : i32
          %dma_wait3A_83 = tpu.memref_slice %arg4[%cond3A_44, %dma_wait3A, %dma_wait3A_82] : memref<2x33x256xf32, #tpu.memory_space<vmem>> -> memref<1x33x256xf32, #tpu.memory_space<vmem>>
          %dma_wait3A_84 = arith.constant 0 : i32
          %dma_wait3A_85 = tpu.memref_slice %arg2[%mul3A_37, %mul3A_35, %dma_wait3A_84] : memref<256x256x256xf32, #tpu.memory_space<hbm>> -> memref<1x33x256xf32, #tpu.memory_space<hbm>>
          %dma_wait3A_86 = arith.constant 0 : i32
          %dma_wait3A_87 = arith.constant 0 : i32
          %dma_wait3A_88 = tpu.memref_slice %arg4[%cond3A_44, %dma_wait3A_86, %dma_wait3A_87] : memref<2x33x256xf32, #tpu.memory_space<vmem>> -> memref<1x33x256xf32, #tpu.memory_space<vmem>>
          %dma_wait3A_89 = arith.constant 0 : i32
          %dma_wait3A_90 = tpu.memref_slice %arg2[%mul3A_37, %mul3A_35, %dma_wait3A_89] : memref<256x256x256xf32, #tpu.memory_space<hbm>> -> memref<1x33x256xf32, #tpu.memory_space<hbm>>
          tpu.wait_dma2 semaphore(%arg8 : memref<!tpu.dma_semaphore, #tpu.memory_space<semaphore_mem>>) src(%dma_wait3A_90 : memref<1x33x256xf32, #tpu.memory_space<hbm>>) dst(%dma_wait3A_88 : memref<1x33x256xf32, #tpu.memory_space<vmem>>)
        } else {
        }
        %eq3A = arith.constant 7 : i32
        %eq3A_78 = arith.cmpi eq, %scan3A_32, %eq3A : i32
        %convert_element_type3A_79 = arith.extui %eq3A_78 : i1 to i32
        %cond3A_80 = arith.constant 0 : i32
        %cond3A_81 = arith.cmpi ne, %convert_element_type3A_79, %cond3A_80 : i32
        scf.if %cond3A_81 {
          %dma_wait3A = arith.constant 0 : i32
          %dma_wait3A_82 = arith.constant 0 : i32
          %dma_wait3A_83 = tpu.memref_slice %arg4[%cond3A_44, %dma_wait3A, %dma_wait3A_82] : memref<2x33x256xf32, #tpu.memory_space<vmem>> -> memref<1x32x256xf32, #tpu.memory_space<vmem>>
          %dma_wait3A_84 = arith.constant 0 : i32
          %dma_wait3A_85 = tpu.memref_slice %arg2[%mul3A_37, %mul3A_35, %dma_wait3A_84] : memref<256x256x256xf32, #tpu.memory_space<hbm>> -> memref<1x32x256xf32, #tpu.memory_space<hbm>>
          %dma_wait3A_86 = arith.constant 0 : i32
          %dma_wait3A_87 = arith.constant 0 : i32
          %dma_wait3A_88 = tpu.memref_slice %arg4[%cond3A_44, %dma_wait3A_86, %dma_wait3A_87] : memref<2x33x256xf32, #tpu.memory_space<vmem>> -> memref<1x32x256xf32, #tpu.memory_space<vmem>>
          %dma_wait3A_89 = arith.constant 0 : i32
          %dma_wait3A_90 = tpu.memref_slice %arg2[%mul3A_37, %mul3A_35, %dma_wait3A_89] : memref<256x256x256xf32, #tpu.memory_space<hbm>> -> memref<1x32x256xf32, #tpu.memory_space<hbm>>
          tpu.wait_dma2 semaphore(%arg8 : memref<!tpu.dma_semaphore, #tpu.memory_space<semaphore_mem>>) src(%dma_wait3A_90 : memref<1x32x256xf32, #tpu.memory_space<hbm>>) dst(%dma_wait3A_88 : memref<1x32x256xf32, #tpu.memory_space<vmem>>)
        } else {
        }
      } else {
      }
      %add3A_47 = arith.constant 1 : i32
      %add3A_48 = arith.addi %mul3A_37, %add3A_47 : i32
      %le3A_49 = arith.constant 255 : i32
      %le3A_50 = arith.cmpi sle, %add3A_48, %le3A_49 : i32
      %convert_element_type3A_51 = arith.extui %le3A_50 : i1 to i32
      %cond3A_52 = arith.constant 1 : i32
      %cond3A_53 = arith.constant 0 : i32
      %cond3A_54 = arith.cmpi ne, %convert_element_type3A_51, %cond3A_53 : i32
      scf.if %cond3A_54 {
        %lt3A = arith.constant 7 : i32
        %lt3A_74 = arith.cmpi slt, %scan3A_32, %lt3A : i32
        %convert_element_type3A_75 = arith.extui %lt3A_74 : i1 to i32
        %cond3A_76 = arith.constant 0 : i32
        %cond3A_77 = arith.cmpi ne, %convert_element_type3A_75, %cond3A_76 : i32
        scf.if %cond3A_77 {
          %dma_start3A = arith.constant 0 : i32
          %dma_start3A_82 = arith.constant 0 : i32
          %dma_start3A_83 = tpu.memref_slice %arg4[%cond3A_52, %dma_start3A, %dma_start3A_82] : memref<2x33x256xf32, #tpu.memory_space<vmem>> -> memref<1x33x256xf32, #tpu.memory_space<vmem>>
          %dma_start3A_84 = arith.constant 0 : i32
          %dma_start3A_85 = tpu.memref_slice %arg2[%add3A_48, %mul3A_35, %dma_start3A_84] : memref<256x256x256xf32, #tpu.memory_space<hbm>> -> memref<1x33x256xf32, #tpu.memory_space<hbm>>
          %dma_start3A_86 = arith.constant 0 : i32
          %dma_start3A_87 = arith.constant 0 : i32
          %dma_start3A_88 = tpu.memref_slice %arg4[%cond3A_52, %dma_start3A_86, %dma_start3A_87] : memref<2x33x256xf32, #tpu.memory_space<vmem>> -> memref<1x33x256xf32, #tpu.memory_space<vmem>>
          %dma_start3A_89 = arith.constant 0 : i32
          %dma_start3A_90 = tpu.memref_slice %arg2[%add3A_48, %mul3A_35, %dma_start3A_89] : memref<256x256x256xf32, #tpu.memory_space<hbm>> -> memref<1x33x256xf32, #tpu.memory_space<hbm>>
          tpu.enqueue_dma source(%dma_start3A_90 : memref<1x33x256xf32, #tpu.memory_space<hbm>>) target(%dma_start3A_88 : memref<1x33x256xf32, #tpu.memory_space<vmem>>) target_semaphore(%arg8 : memref<!tpu.dma_semaphore, #tpu.memory_space<semaphore_mem>>)
        } else {
        }
        %eq3A = arith.constant 7 : i32
        %eq3A_78 = arith.cmpi eq, %scan3A_32, %eq3A : i32
        %convert_element_type3A_79 = arith.extui %eq3A_78 : i1 to i32
        %cond3A_80 = arith.constant 0 : i32
        %cond3A_81 = arith.cmpi ne, %convert_element_type3A_79, %cond3A_80 : i32
        scf.if %cond3A_81 {
          %dma_start3A = arith.constant 0 : i32
          %dma_start3A_82 = arith.constant 0 : i32
          %dma_start3A_83 = tpu.memref_slice %arg4[%cond3A_52, %dma_start3A, %dma_start3A_82] : memref<2x33x256xf32, #tpu.memory_space<vmem>> -> memref<1x32x256xf32, #tpu.memory_space<vmem>>
          %dma_start3A_84 = arith.constant 0 : i32
          %dma_start3A_85 = tpu.memref_slice %arg2[%add3A_48, %mul3A_35, %dma_start3A_84] : memref<256x256x256xf32, #tpu.memory_space<hbm>> -> memref<1x32x256xf32, #tpu.memory_space<hbm>>
          %dma_start3A_86 = arith.constant 0 : i32
          %dma_start3A_87 = arith.constant 0 : i32
          %dma_start3A_88 = tpu.memref_slice %arg4[%cond3A_52, %dma_start3A_86, %dma_start3A_87] : memref<2x33x256xf32, #tpu.memory_space<vmem>> -> memref<1x32x256xf32, #tpu.memory_space<vmem>>
          %dma_start3A_89 = arith.constant 0 : i32
          %dma_start3A_90 = tpu.memref_slice %arg2[%add3A_48, %mul3A_35, %dma_start3A_89] : memref<256x256x256xf32, #tpu.memory_space<hbm>> -> memref<1x32x256xf32, #tpu.memory_space<hbm>>
          tpu.enqueue_dma source(%dma_start3A_90 : memref<1x32x256xf32, #tpu.memory_space<hbm>>) target(%dma_start3A_88 : memref<1x32x256xf32, #tpu.memory_space<vmem>>) target_semaphore(%arg8 : memref<!tpu.dma_semaphore, #tpu.memory_space<semaphore_mem>>)
        } else {
        }
      } else {
      }
      %le3A_55 = arith.constant 255 : i32
      %le3A_56 = arith.cmpi sle, %mul3A_37, %le3A_55 : i32
      %convert_element_type3A_57 = arith.extui %le3A_56 : i1 to i32
      %cond3A_58 = arith.constant 0 : i32
      %cond3A_59 = arith.constant 0 : i32
      %cond3A_60 = arith.cmpi ne, %convert_element_type3A_57, %cond3A_59 : i32
      scf.if %cond3A_60 {
        %lt3A = arith.constant 7 : i32
        %lt3A_74 = arith.cmpi slt, %scan3A_32, %lt3A : i32
        %jit3A = arith.constant 33 : i32
        %jit3A_75 = arith.constant 32 : i32
        %select_n3A = arith.select %lt3A_74, %jit3A, %jit3A_75 : i32
        %parallel_loop3A = arith.constant 0 : i32
        %parallel_loop3A_76 = arith.constant 1 : i32
        scf.for %parallel_loop3A_81 = %parallel_loop3A to %select_n3A step %parallel_loop3A_76  : i32 {
          %parallel_loop3A_82 = arith.index_cast %cond3A_58 : i32 to index
          %parallel_loop3A_83 = arith.index_cast %parallel_loop3A_81 : i32 to index
          %parallel_loop3A_84 = arith.constant 0 : index
          %parallel_loop3A_85 = tpu.vector_load %arg4[%parallel_loop3A_82, %parallel_loop3A_83, %parallel_loop3A_84] {strides = array<i32>} : memref<2x33x256xf32, #tpu.memory_space<vmem>>, vector<16xf32>,
          %parallel_loop3A_86 = arith.constant 1.023000e+03 : f32
          %parallel_loop3A_87 = vector.broadcast %parallel_loop3A_86 : f32 to vector<16xf32>
          %parallel_loop3A_88 = arith.mulf %parallel_loop3A_85, %parallel_loop3A_87 : vector<16xf32>
          %parallel_loop3A_89 = arith.fptosi %parallel_loop3A_88 : vector<16xf32> to vector<16xi32>
          %parallel_loop3A_90 = arith.sitofp %parallel_loop3A_89 : vector<16xi32> to vector<16xf32>
          %parallel_loop3A_91 = arith.cmpf olt, %parallel_loop3A_90, %parallel_loop3A_88 : vector<16xf32>
          %parallel_loop3A_92 = arith.constant 1 : i32
          %parallel_loop3A_93 = vector.broadcast %parallel_loop3A_92 : i32 to vector<16xi32>
          %parallel_loop3A_94 = arith.addi %parallel_loop3A_89, %parallel_loop3A_93 : vector<16xi32>
          %parallel_loop3A_95 = arith.select %parallel_loop3A_91, %parallel_loop3A_94, %parallel_loop3A_89 : vector<16xi1>, vector<16xi32>
          %parallel_loop3A_96 = arith.index_cast %cond3A_58 : i32 to index
          %parallel_loop3A_97 = arith.index_cast %parallel_loop3A_81 : i32 to index
          %parallel_loop3A_98 = arith.constant 16 : index
          %parallel_loop3A_99 = tpu.vector_load %arg4[%parallel_loop3A_96, %parallel_loop3A_97, %parallel_loop3A_98] {strides = array<i32>} : memref<2x33x256xf32, #tpu.memory_space<vmem>>, vector<16xf32>,
          %parallel_loop3A_100 = arith.constant 1.023000e+03 : f32
          %parallel_loop3A_101 = vector.broadcast %parallel_loop3A_100 : f32 to vector<16xf32>
          %parallel_loop3A_102 = arith.mulf %parallel_loop3A_99, %parallel_loop3A_101 : vector<16xf32>
          %parallel_loop3A_103 = arith.fptosi %parallel_loop3A_102 : vector<16xf32> to vector<16xi32>
          %parallel_loop3A_104 = arith.sitofp %parallel_loop3A_103 : vector<16xi32> to vector<16xf32>
          %parallel_loop3A_105 = arith.cmpf olt, %parallel_loop3A_104, %parallel_loop3A_102 : vector<16xf32>
          %parallel_loop3A_106 = arith.constant 1 : i32
          %parallel_loop3A_107 = vector.broadcast %parallel_loop3A_106 : i32 to vector<16xi32>
          %parallel_loop3A_108 = arith.addi %parallel_loop3A_103, %parallel_loop3A_107 : vector<16xi32>
          %parallel_loop3A_109 = arith.select %parallel_loop3A_105, %parallel_loop3A_108, %parallel_loop3A_103 : vector<16xi1>, vector<16xi32>
          %parallel_loop3A_110 = arith.index_cast %cond3A_58 : i32 to index
          %parallel_loop3A_111 = arith.index_cast %parallel_loop3A_81 : i32 to index
          %parallel_loop3A_112 = arith.constant 32 : index
          %parallel_loop3A_113 = tpu.vector_load %arg4[%parallel_loop3A_110, %parallel_loop3A_111, %parallel_loop3A_112] {strides = array<i32>} : memref<2x33x256xf32, #tpu.memory_space<vmem>>, vector<16xf32>,
          %parallel_loop3A_114 = arith.constant 1.023000e+03 : f32
          %parallel_loop3A_115 = vector.broadcast %parallel_loop3A_114 : f32 to vector<16xf32>
          %parallel_loop3A_116 = arith.mulf %parallel_loop3A_113, %parallel_loop3A_115 : vector<16xf32>
          %parallel_loop3A_117 = arith.fptosi %parallel_loop3A_116 : vector<16xf32> to vector<16xi32>
          %parallel_loop3A_118 = arith.sitofp %parallel_loop3A_117 : vector<16xi32> to vector<16xf32>
          %parallel_loop3A_119 = arith.cmpf olt, %parallel_loop3A_118, %parallel_loop3A_116 : vector<16xf32>
          %parallel_loop3A_120 = arith.constant 1 : i32
          %parallel_loop3A_121 = vector.broadcast %parallel_loop3A_120 : i32 to vector<16xi32>
          %parallel_loop3A_122 = arith.addi %parallel_loop3A_117, %parallel_loop3A_121 : vector<16xi32>
          %parallel_loop3A_123 = arith.select %parallel_loop3A_119, %parallel_loop3A_122, %parallel_loop3A_117 : vector<16xi1>, vector<16xi32>
          %parallel_loop3A_124 = arith.index_cast %cond3A_58 : i32 to index
          %parallel_loop3A_125 = arith.index_cast %parallel_loop3A_81 : i32 to index
          %parallel_loop3A_126 = arith.constant 48 : index
          %parallel_loop3A_127 = tpu.vector_load %arg4[%parallel_loop3A_124, %parallel_loop3A_125, %parallel_loop3A_126] {strides = array<i32>} : memref<2x33x256xf32, #tpu.memory_space<vmem>>, vector<16xf32>,
          %parallel_loop3A_128 = arith.constant 1.023000e+03 : f32
          %parallel_loop3A_129 = vector.broadcast %parallel_loop3A_128 : f32 to vector<16xf32>
          %parallel_loop3A_130 = arith.mulf %parallel_loop3A_127, %parallel_loop3A_129 : vector<16xf32>
          %parallel_loop3A_131 = arith.fptosi %parallel_loop3A_130 : vector<16xf32> to vector<16xi32>
          %parallel_loop3A_132 = arith.sitofp %parallel_loop3A_131 : vector<16xi32> to vector<16xf32>
          %parallel_loop3A_133 = arith.cmpf olt, %parallel_loop3A_132, %parallel_loop3A_130 : vector<16xf32>
          %parallel_loop3A_134 = arith.constant 1 : i32
          %parallel_loop3A_135 = vector.broadcast %parallel_loop3A_134 : i32 to vector<16xi32>
          %parallel_loop3A_136 = arith.addi %parallel_loop3A_131, %parallel_loop3A_135 : vector<16xi32>
          %parallel_loop3A_137 = arith.select %parallel_loop3A_133, %parallel_loop3A_136, %parallel_loop3A_131 : vector<16xi1>, vector<16xi32>
          %parallel_loop3A_138 = arith.index_cast %cond3A_58 : i32 to index
          %parallel_loop3A_139 = arith.index_cast %parallel_loop3A_81 : i32 to index
          %parallel_loop3A_140 = arith.constant 64 : index
          %parallel_loop3A_141 = tpu.vector_load %arg4[%parallel_loop3A_138, %parallel_loop3A_139, %parallel_loop3A_140] {strides = array<i32>} : memref<2x33x256xf32, #tpu.memory_space<vmem>>, vector<16xf32>,
          %parallel_loop3A_142 = arith.constant 1.023000e+03 : f32
          %parallel_loop3A_143 = vector.broadcast %parallel_loop3A_142 : f32 to vector<16xf32>
          %parallel_loop3A_144 = arith.mulf %parallel_loop3A_141, %parallel_loop3A_143 : vector<16xf32>
          %parallel_loop3A_145 = arith.fptosi %parallel_loop3A_144 : vector<16xf32> to vector<16xi32>
          %parallel_loop3A_146 = arith.sitofp %parallel_loop3A_145 : vector<16xi32> to vector<16xf32>
          %parallel_loop3A_147 = arith.cmpf olt, %parallel_loop3A_146, %parallel_loop3A_144 : vector<16xf32>
          %parallel_loop3A_148 = arith.constant 1 : i32
          %parallel_loop3A_149 = vector.broadcast %parallel_loop3A_148 : i32 to vector<16xi32>
          %parallel_loop3A_150 = arith.addi %parallel_loop3A_145, %parallel_loop3A_149 : vector<16xi32>
          %parallel_loop3A_151 = arith.select %parallel_loop3A_147, %parallel_loop3A_150, %parallel_loop3A_145 : vector<16xi1>, vector<16xi32>
          %parallel_loop3A_152 = arith.index_cast %cond3A_58 : i32 to index
          %parallel_loop3A_153 = arith.index_cast %parallel_loop3A_81 : i32 to index
          %parallel_loop3A_154 = arith.constant 80 : index
          %parallel_loop3A_155 = tpu.vector_load %arg4[%parallel_loop3A_152, %parallel_loop3A_153, %parallel_loop3A_154] {strides = array<i32>} : memref<2x33x256xf32, #tpu.memory_space<vmem>>, vector<16xf32>,
          %parallel_loop3A_156 = arith.constant 1.023000e+03 : f32
          %parallel_loop3A_157 = vector.broadcast %parallel_loop3A_156 : f32 to vector<16xf32>
          %parallel_loop3A_158 = arith.mulf %parallel_loop3A_155, %parallel_loop3A_157 : vector<16xf32>
          %parallel_loop3A_159 = arith.fptosi %parallel_loop3A_158 : vector<16xf32> to vector<16xi32>
          %parallel_loop3A_160 = arith.sitofp %parallel_loop3A_159 : vector<16xi32> to vector<16xf32>
          %parallel_loop3A_161 = arith.cmpf olt, %parallel_loop3A_160, %parallel_loop3A_158 : vector<16xf32>
          %parallel_loop3A_162 = arith.constant 1 : i32
          %parallel_loop3A_163 = vector.broadcast %parallel_loop3A_162 : i32 to vector<16xi32>
          %parallel_loop3A_164 = arith.addi %parallel_loop3A_159, %parallel_loop3A_163 : vector<16xi32>
          %parallel_loop3A_165 = arith.select %parallel_loop3A_161, %parallel_loop3A_164, %parallel_loop3A_159 : vector<16xi1>, vector<16xi32>
          %parallel_loop3A_166 = arith.index_cast %cond3A_58 : i32 to index
          %parallel_loop3A_167 = arith.index_cast %parallel_loop3A_81 : i32 to index
          %parallel_loop3A_168 = arith.constant 96 : index
          %parallel_loop3A_169 = tpu.vector_load %arg4[%parallel_loop3A_166, %parallel_loop3A_167, %parallel_loop3A_168] {strides = array<i32>} : memref<2x33x256xf32, #tpu.memory_space<vmem>>, vector<16xf32>,
          %parallel_loop3A_170 = arith.constant 1.023000e+03 : f32
          %parallel_loop3A_171 = vector.broadcast %parallel_loop3A_170 : f32 to vector<16xf32>
          %parallel_loop3A_172 = arith.mulf %parallel_loop3A_169, %parallel_loop3A_171 : vector<16xf32>
          %parallel_loop3A_173 = arith.fptosi %parallel_loop3A_172 : vector<16xf32> to vector<16xi32>
          %parallel_loop3A_174 = arith.sitofp %parallel_loop3A_173 : vector<16xi32> to vector<16xf32>
          %parallel_loop3A_175 = arith.cmpf olt, %parallel_loop3A_174, %parallel_loop3A_172 : vector<16xf32>
          %parallel_loop3A_176 = arith.constant 1 : i32
          %parallel_loop3A_177 = vector.broadcast %parallel_loop3A_176 : i32 to vector<16xi32>
          %parallel_loop3A_178 = arith.addi %parallel_loop3A_173, %parallel_loop3A_177 : vector<16xi32>
          %parallel_loop3A_179 = arith.select %parallel_loop3A_175, %parallel_loop3A_178, %parallel_loop3A_173 : vector<16xi1>, vector<16xi32>
          %parallel_loop3A_180 = arith.index_cast %cond3A_58 : i32 to index
          %parallel_loop3A_181 = arith.index_cast %parallel_loop3A_81 : i32 to index
          %parallel_loop3A_182 = arith.constant 112 : index
          %parallel_loop3A_183 = tpu.vector_load %arg4[%parallel_loop3A_180, %parallel_loop3A_181, %parallel_loop3A_182] {strides = array<i32>} : memref<2x33x256xf32, #tpu.memory_space<vmem>>, vector<16xf32>,
          %parallel_loop3A_184 = arith.constant 1.023000e+03 : f32
          %parallel_loop3A_185 = vector.broadcast %parallel_loop3A_184 : f32 to vector<16xf32>
          %parallel_loop3A_186 = arith.mulf %parallel_loop3A_183, %parallel_loop3A_185 : vector<16xf32>
          %parallel_loop3A_187 = arith.fptosi %parallel_loop3A_186 : vector<16xf32> to vector<16xi32>
          %parallel_loop3A_188 = arith.sitofp %parallel_loop3A_187 : vector<16xi32> to vector<16xf32>
          %parallel_loop3A_189 = arith.cmpf olt, %parallel_loop3A_188, %parallel_loop3A_186 : vector<16xf32>
          %parallel_loop3A_190 = arith.constant 1 : i32
          %parallel_loop3A_191 = vector.broadcast %parallel_loop3A_190 : i32 to vector<16xi32>
          %parallel_loop3A_192 = arith.addi %parallel_loop3A_187, %parallel_loop3A_191 : vector<16xi32>
          %parallel_loop3A_193 = arith.select %parallel_loop3A_189, %parallel_loop3A_192, %parallel_loop3A_187 : vector<16xi1>, vector<16xi32>
          %parallel_loop3A_194 = arith.index_cast %cond3A_58 : i32 to index
          %parallel_loop3A_195 = arith.index_cast %parallel_loop3A_81 : i32 to index
          %parallel_loop3A_196 = arith.constant 128 : index
          %parallel_loop3A_197 = tpu.vector_load %arg4[%parallel_loop3A_194, %parallel_loop3A_195, %parallel_loop3A_196] {strides = array<i32>} : memref<2x33x256xf32, #tpu.memory_space<vmem>>, vector<16xf32>,
          %parallel_loop3A_198 = arith.constant 1.023000e+03 : f32
          %parallel_loop3A_199 = vector.broadcast %parallel_loop3A_198 : f32 to vector<16xf32>
          %parallel_loop3A_200 = arith.mulf %parallel_loop3A_197, %parallel_loop3A_199 : vector<16xf32>
          %parallel_loop3A_201 = arith.fptosi %parallel_loop3A_200 : vector<16xf32> to vector<16xi32>
          %parallel_loop3A_202 = arith.sitofp %parallel_loop3A_201 : vector<16xi32> to vector<16xf32>
          %parallel_loop3A_203 = arith.cmpf olt, %parallel_loop3A_202, %parallel_loop3A_200 : vector<16xf32>
          %parallel_loop3A_204 = arith.constant 1 : i32
          %parallel_loop3A_205 = vector.broadcast %parallel_loop3A_204 : i32 to vector<16xi32>
          %parallel_loop3A_206 = arith.addi %parallel_loop3A_201, %parallel_loop3A_205 : vector<16xi32>
          %parallel_loop3A_207 = arith.select %parallel_loop3A_203, %parallel_loop3A_206, %parallel_loop3A_201 : vector<16xi1>, vector<16xi32>
          %parallel_loop3A_208 = arith.index_cast %cond3A_58 : i32 to index
          %parallel_loop3A_209 = arith.index_cast %parallel_loop3A_81 : i32 to index
          %parallel_loop3A_210 = arith.constant 144 : index
          %parallel_loop3A_211 = tpu.vector_load %arg4[%parallel_loop3A_208, %parallel_loop3A_209, %parallel_loop3A_210] {strides = array<i32>} : memref<2x33x256xf32, #tpu.memory_space<vmem>>, vector<16xf32>,
          %parallel_loop3A_212 = arith.constant 1.023000e+03 : f32
          %parallel_loop3A_213 = vector.broadcast %parallel_loop3A_212 : f32 to vector<16xf32>
          %parallel_loop3A_214 = arith.mulf %parallel_loop3A_211, %parallel_loop3A_213 : vector<16xf32>
          %parallel_loop3A_215 = arith.fptosi %parallel_loop3A_214 : vector<16xf32> to vector<16xi32>
          %parallel_loop3A_216 = arith.sitofp %parallel_loop3A_215 : vector<16xi32> to vector<16xf32>
          %parallel_loop3A_217 = arith.cmpf olt, %parallel_loop3A_216, %parallel_loop3A_214 : vector<16xf32>
          %parallel_loop3A_218 = arith.constant 1 : i32
          %parallel_loop3A_219 = vector.broadcast %parallel_loop3A_218 : i32 to vector<16xi32>
          %parallel_loop3A_220 = arith.addi %parallel_loop3A_215, %parallel_loop3A_219 : vector<16xi32>
          %parallel_loop3A_221 = arith.select %parallel_loop3A_217, %parallel_loop3A_220, %parallel_loop3A_215 : vector<16xi1>, vector<16xi32>
          %parallel_loop3A_222 = arith.index_cast %cond3A_58 : i32 to index
          %parallel_loop3A_223 = arith.index_cast %parallel_loop3A_81 : i32 to index
          %parallel_loop3A_224 = arith.constant 160 : index
          %parallel_loop3A_225 = tpu.vector_load %arg4[%parallel_loop3A_222, %parallel_loop3A_223, %parallel_loop3A_224] {strides = array<i32>} : memref<2x33x256xf32, #tpu.memory_space<vmem>>, vector<16xf32>,
          %parallel_loop3A_226 = arith.constant 1.023000e+03 : f32
          %parallel_loop3A_227 = vector.broadcast %parallel_loop3A_226 : f32 to vector<16xf32>
          %parallel_loop3A_228 = arith.mulf %parallel_loop3A_225, %parallel_loop3A_227 : vector<16xf32>
          %parallel_loop3A_229 = arith.fptosi %parallel_loop3A_228 : vector<16xf32> to vector<16xi32>
          %parallel_loop3A_230 = arith.sitofp %parallel_loop3A_229 : vector<16xi32> to vector<16xf32>
          %parallel_loop3A_231 = arith.cmpf olt, %parallel_loop3A_230, %parallel_loop3A_228 : vector<16xf32>
          %parallel_loop3A_232 = arith.constant 1 : i32
          %parallel_loop3A_233 = vector.broadcast %parallel_loop3A_232 : i32 to vector<16xi32>
          %parallel_loop3A_234 = arith.addi %parallel_loop3A_229, %parallel_loop3A_233 : vector<16xi32>
          %parallel_loop3A_235 = arith.select %parallel_loop3A_231, %parallel_loop3A_234, %parallel_loop3A_229 : vector<16xi1>, vector<16xi32>
          %parallel_loop3A_236 = arith.index_cast %cond3A_58 : i32 to index
          %parallel_loop3A_237 = arith.index_cast %parallel_loop3A_81 : i32 to index
          %parallel_loop3A_238 = arith.constant 176 : index
          %parallel_loop3A_239 = tpu.vector_load %arg4[%parallel_loop3A_236, %parallel_loop3A_237, %parallel_loop3A_238] {strides = array<i32>} : memref<2x33x256xf32, #tpu.memory_space<vmem>>, vector<16xf32>,
          %parallel_loop3A_240 = arith.constant 1.023000e+03 : f32
          %parallel_loop3A_241 = vector.broadcast %parallel_loop3A_240 : f32 to vector<16xf32>
          %parallel_loop3A_242 = arith.mulf %parallel_loop3A_239, %parallel_loop3A_241 : vector<16xf32>
          %parallel_loop3A_243 = arith.fptosi %parallel_loop3A_242 : vector<16xf32> to vector<16xi32>
          %parallel_loop3A_244 = arith.sitofp %parallel_loop3A_243 : vector<16xi32> to vector<16xf32>
          %parallel_loop3A_245 = arith.cmpf olt, %parallel_loop3A_244, %parallel_loop3A_242 : vector<16xf32>
          %parallel_loop3A_246 = arith.constant 1 : i32
          %parallel_loop3A_247 = vector.broadcast %parallel_loop3A_246 : i32 to vector<16xi32>
          %parallel_loop3A_248 = arith.addi %parallel_loop3A_243, %parallel_loop3A_247 : vector<16xi32>
          %parallel_loop3A_249 = arith.select %parallel_loop3A_245, %parallel_loop3A_248, %parallel_loop3A_243 : vector<16xi1>, vector<16xi32>
          %parallel_loop3A_250 = arith.index_cast %cond3A_58 : i32 to index
          %parallel_loop3A_251 = arith.index_cast %parallel_loop3A_81 : i32 to index
          %parallel_loop3A_252 = arith.constant 192 : index
          %parallel_loop3A_253 = tpu.vector_load %arg4[%parallel_loop3A_250, %parallel_loop3A_251, %parallel_loop3A_252] {strides = array<i32>} : memref<2x33x256xf32, #tpu.memory_space<vmem>>, vector<16xf32>,
          %parallel_loop3A_254 = arith.constant 1.023000e+03 : f32
          %parallel_loop3A_255 = vector.broadcast %parallel_loop3A_254 : f32 to vector<16xf32>
          %parallel_loop3A_256 = arith.mulf %parallel_loop3A_253, %parallel_loop3A_255 : vector<16xf32>
          %parallel_loop3A_257 = arith.fptosi %parallel_loop3A_256 : vector<16xf32> to vector<16xi32>
          %parallel_loop3A_258 = arith.sitofp %parallel_loop3A_257 : vector<16xi32> to vector<16xf32>
          %parallel_loop3A_259 = arith.cmpf olt, %parallel_loop3A_258, %parallel_loop3A_256 : vector<16xf32>
          %parallel_loop3A_260 = arith.constant 1 : i32
          %parallel_loop3A_261 = vector.broadcast %parallel_loop3A_260 : i32 to vector<16xi32>
          %parallel_loop3A_262 = arith.addi %parallel_loop3A_257, %parallel_loop3A_261 : vector<16xi32>
          %parallel_loop3A_263 = arith.select %parallel_loop3A_259, %parallel_loop3A_262, %parallel_loop3A_257 : vector<16xi1>, vector<16xi32>
          %parallel_loop3A_264 = arith.index_cast %cond3A_58 : i32 to index
          %parallel_loop3A_265 = arith.index_cast %parallel_loop3A_81 : i32 to index
          %parallel_loop3A_266 = arith.constant 208 : index
          %parallel_loop3A_267 = tpu.vector_load %arg4[%parallel_loop3A_264, %parallel_loop3A_265, %parallel_loop3A_266] {strides = array<i32>} : memref<2x33x256xf32, #tpu.memory_space<vmem>>, vector<16xf32>,
          %parallel_loop3A_268 = arith.constant 1.023000e+03 : f32
          %parallel_loop3A_269 = vector.broadcast %parallel_loop3A_268 : f32 to vector<16xf32>
          %parallel_loop3A_270 = arith.mulf %parallel_loop3A_267, %parallel_loop3A_269 : vector<16xf32>
          %parallel_loop3A_271 = arith.fptosi %parallel_loop3A_270 : vector<16xf32> to vector<16xi32>
          %parallel_loop3A_272 = arith.sitofp %parallel_loop3A_271 : vector<16xi32> to vector<16xf32>
          %parallel_loop3A_273 = arith.cmpf olt, %parallel_loop3A_272, %parallel_loop3A_270 : vector<16xf32>
          %parallel_loop3A_274 = arith.constant 1 : i32
          %parallel_loop3A_275 = vector.broadcast %parallel_loop3A_274 : i32 to vector<16xi32>
          %parallel_loop3A_276 = arith.addi %parallel_loop3A_271, %parallel_loop3A_275 : vector<16xi32>
          %parallel_loop3A_277 = arith.select %parallel_loop3A_273, %parallel_loop3A_276, %parallel_loop3A_271 : vector<16xi1>, vector<16xi32>
          %parallel_loop3A_278 = arith.index_cast %cond3A_58 : i32 to index
          %parallel_loop3A_279 = arith.index_cast %parallel_loop3A_81 : i32 to index
          %parallel_loop3A_280 = arith.constant 224 : index
          %parallel_loop3A_281 = tpu.vector_load %arg4[%parallel_loop3A_278, %parallel_loop3A_279, %parallel_loop3A_280] {strides = array<i32>} : memref<2x33x256xf32, #tpu.memory_space<vmem>>, vector<16xf32>,
          %parallel_loop3A_282 = arith.constant 1.023000e+03 : f32
          %parallel_loop3A_283 = vector.broadcast %parallel_loop3A_282 : f32 to vector<16xf32>
          %parallel_loop3A_284 = arith.mulf %parallel_loop3A_281, %parallel_loop3A_283 : vector<16xf32>
          %parallel_loop3A_285 = arith.fptosi %parallel_loop3A_284 : vector<16xf32> to vector<16xi32>
          %parallel_loop3A_286 = arith.sitofp %parallel_loop3A_285 : vector<16xi32> to vector<16xf32>
          %parallel_loop3A_287 = arith.cmpf olt, %parallel_loop3A_286, %parallel_loop3A_284 : vector<16xf32>
          %parallel_loop3A_288 = arith.constant 1 : i32
          %parallel_loop3A_289 = vector.broadcast %parallel_loop3A_288 : i32 to vector<16xi32>
          %parallel_loop3A_290 = arith.addi %parallel_loop3A_285, %parallel_loop3A_289 : vector<16xi32>
          %parallel_loop3A_291 = arith.select %parallel_loop3A_287, %parallel_loop3A_290, %parallel_loop3A_285 : vector<16xi1>, vector<16xi32>
          %parallel_loop3A_292 = arith.index_cast %cond3A_58 : i32 to index
          %parallel_loop3A_293 = arith.index_cast %parallel_loop3A_81 : i32 to index
          %parallel_loop3A_294 = arith.constant 240 : index
          %parallel_loop3A_295 = tpu.vector_load %arg4[%parallel_loop3A_292, %parallel_loop3A_293, %parallel_loop3A_294] {strides = array<i32>} : memref<2x33x256xf32, #tpu.memory_space<vmem>>, vector<16xf32>,
          %parallel_loop3A_296 = arith.constant 1.023000e+03 : f32
          %parallel_loop3A_297 = vector.broadcast %parallel_loop3A_296 : f32 to vector<16xf32>
          %parallel_loop3A_298 = arith.mulf %parallel_loop3A_295, %parallel_loop3A_297 : vector<16xf32>
          %parallel_loop3A_299 = arith.fptosi %parallel_loop3A_298 : vector<16xf32> to vector<16xi32>
          %parallel_loop3A_300 = arith.sitofp %parallel_loop3A_299 : vector<16xi32> to vector<16xf32>
          %parallel_loop3A_301 = arith.cmpf olt, %parallel_loop3A_300, %parallel_loop3A_298 : vector<16xf32>
          %parallel_loop3A_302 = arith.constant 1 : i32
          %parallel_loop3A_303 = vector.broadcast %parallel_loop3A_302 : i32 to vector<16xi32>
          %parallel_loop3A_304 = arith.addi %parallel_loop3A_299, %parallel_loop3A_303 : vector<16xi32>
          %parallel_loop3A_305 = arith.select %parallel_loop3A_301, %parallel_loop3A_304, %parallel_loop3A_299 : vector<16xi1>, vector<16xi32>
          %parallel_loop3A_306 = arith.index_cast %cond3A_58 : i32 to index
          %parallel_loop3A_307 = arith.index_cast %parallel_loop3A_81 : i32 to index
          %parallel_loop3A_308 = arith.constant 0 : index
          %parallel_loop3A_309 = tpu.vector_load %arg5[%parallel_loop3A_306, %parallel_loop3A_307, %parallel_loop3A_308] {strides = array<i32>} : memref<2x33x272xi32, #tpu.memory_space<vmem>>, vector<16xi32>,
          tpu.vector_store %arg5[%parallel_loop3A_306, %parallel_loop3A_307, %parallel_loop3A_308], %parallel_loop3A_95 {strides = array<i32>} : memref<2x33x272xi32, #tpu.memory_space<vmem>>, vector<16xi32>,
          %parallel_loop3A_310 = arith.index_cast %cond3A_58 : i32 to index
          %parallel_loop3A_311 = arith.index_cast %parallel_loop3A_81 : i32 to index
          %parallel_loop3A_312 = arith.constant 16 : index
          %parallel_loop3A_313 = tpu.vector_load %arg5[%parallel_loop3A_310, %parallel_loop3A_311, %parallel_loop3A_312] {strides = array<i32>} : memref<2x33x272xi32, #tpu.memory_space<vmem>>, vector<16xi32>,
          tpu.vector_store %arg5[%parallel_loop3A_310, %parallel_loop3A_311, %parallel_loop3A_312], %parallel_loop3A_109 {strides = array<i32>} : memref<2x33x272xi32, #tpu.memory_space<vmem>>, vector<16xi32>,
          %parallel_loop3A_314 = arith.index_cast %cond3A_58 : i32 to index
          %parallel_loop3A_315 = arith.index_cast %parallel_loop3A_81 : i32 to index
          %parallel_loop3A_316 = arith.constant 32 : index
          %parallel_loop3A_317 = tpu.vector_load %arg5[%parallel_loop3A_314, %parallel_loop3A_315, %parallel_loop3A_316] {strides = array<i32>} : memref<2x33x272xi32, #tpu.memory_space<vmem>>, vector<16xi32>,
          tpu.vector_store %arg5[%parallel_loop3A_314, %parallel_loop3A_315, %parallel_loop3A_316], %parallel_loop3A_123 {strides = array<i32>} : memref<2x33x272xi32, #tpu.memory_space<vmem>>, vector<16xi32>,
          %parallel_loop3A_318 = arith.index_cast %cond3A_58 : i32 to index
          %parallel_loop3A_319 = arith.index_cast %parallel_loop3A_81 : i32 to index
          %parallel_loop3A_320 = arith.constant 48 : index
          %parallel_loop3A_321 = tpu.vector_load %arg5[%parallel_loop3A_318, %parallel_loop3A_319, %parallel_loop3A_320] {strides = array<i32>} : memref<2x33x272xi32, #tpu.memory_space<vmem>>, vector<16xi32>,
          tpu.vector_store %arg5[%parallel_loop3A_318, %parallel_loop3A_319, %parallel_loop3A_320], %parallel_loop3A_137 {strides = array<i32>} : memref<2x33x272xi32, #tpu.memory_space<vmem>>, vector<16xi32>,
          %parallel_loop3A_322 = arith.index_cast %cond3A_58 : i32 to index
          %parallel_loop3A_323 = arith.index_cast %parallel_loop3A_81 : i32 to index
          %parallel_loop3A_324 = arith.constant 64 : index
          %parallel_loop3A_325 = tpu.vector_load %arg5[%parallel_loop3A_322, %parallel_loop3A_323, %parallel_loop3A_324] {strides = array<i32>} : memref<2x33x272xi32, #tpu.memory_space<vmem>>, vector<16xi32>,
          tpu.vector_store %arg5[%parallel_loop3A_322, %parallel_loop3A_323, %parallel_loop3A_324], %parallel_loop3A_151 {strides = array<i32>} : memref<2x33x272xi32, #tpu.memory_space<vmem>>, vector<16xi32>,
          %parallel_loop3A_326 = arith.index_cast %cond3A_58 : i32 to index
          %parallel_loop3A_327 = arith.index_cast %parallel_loop3A_81 : i32 to index
          %parallel_loop3A_328 = arith.constant 80 : index
          %parallel_loop3A_329 = tpu.vector_load %arg5[%parallel_loop3A_326, %parallel_loop3A_327, %parallel_loop3A_328] {strides = array<i32>} : memref<2x33x272xi32, #tpu.memory_space<vmem>>, vector<16xi32>,
          tpu.vector_store %arg5[%parallel_loop3A_326, %parallel_loop3A_327, %parallel_loop3A_328], %parallel_loop3A_165 {strides = array<i32>} : memref<2x33x272xi32, #tpu.memory_space<vmem>>, vector<16xi32>,
          %parallel_loop3A_330 = arith.index_cast %cond3A_58 : i32 to index
          %parallel_loop3A_331 = arith.index_cast %parallel_loop3A_81 : i32 to index
          %parallel_loop3A_332 = arith.constant 96 : index
          %parallel_loop3A_333 = tpu.vector_load %arg5[%parallel_loop3A_330, %parallel_loop3A_331, %parallel_loop3A_332] {strides = array<i32>} : memref<2x33x272xi32, #tpu.memory_space<vmem>>, vector<16xi32>,
          tpu.vector_store %arg5[%parallel_loop3A_330, %parallel_loop3A_331, %parallel_loop3A_332], %parallel_loop3A_179 {strides = array<i32>} : memref<2x33x272xi32, #tpu.memory_space<vmem>>, vector<16xi32>,
          %parallel_loop3A_334 = arith.index_cast %cond3A_58 : i32 to index
          %parallel_loop3A_335 = arith.index_cast %parallel_loop3A_81 : i32 to index
          %parallel_loop3A_336 = arith.constant 112 : index
          %parallel_loop3A_337 = tpu.vector_load %arg5[%parallel_loop3A_334, %parallel_loop3A_335, %parallel_loop3A_336] {strides = array<i32>} : memref<2x33x272xi32, #tpu.memory_space<vmem>>, vector<16xi32>,
          tpu.vector_store %arg5[%parallel_loop3A_334, %parallel_loop3A_335, %parallel_loop3A_336], %parallel_loop3A_193 {strides = array<i32>} : memref<2x33x272xi32, #tpu.memory_space<vmem>>, vector<16xi32>,
          %parallel_loop3A_338 = arith.index_cast %cond3A_58 : i32 to index
          %parallel_loop3A_339 = arith.index_cast %parallel_loop3A_81 : i32 to index
          %parallel_loop3A_340 = arith.constant 128 : index
          %parallel_loop3A_341 = tpu.vector_load %arg5[%parallel_loop3A_338, %parallel_loop3A_339, %parallel_loop3A_340] {strides = array<i32>} : memref<2x33x272xi32, #tpu.memory_space<vmem>>, vector<16xi32>,
          tpu.vector_store %arg5[%parallel_loop3A_338, %parallel_loop3A_339, %parallel_loop3A_340], %parallel_loop3A_207 {strides = array<i32>} : memref<2x33x272xi32, #tpu.memory_space<vmem>>, vector<16xi32>,
          %parallel_loop3A_342 = arith.index_cast %cond3A_58 : i32 to index
          %parallel_loop3A_343 = arith.index_cast %parallel_loop3A_81 : i32 to index
          %parallel_loop3A_344 = arith.constant 144 : index
          %parallel_loop3A_345 = tpu.vector_load %arg5[%parallel_loop3A_342, %parallel_loop3A_343, %parallel_loop3A_344] {strides = array<i32>} : memref<2x33x272xi32, #tpu.memory_space<vmem>>, vector<16xi32>,
          tpu.vector_store %arg5[%parallel_loop3A_342, %parallel_loop3A_343, %parallel_loop3A_344], %parallel_loop3A_221 {strides = array<i32>} : memref<2x33x272xi32, #tpu.memory_space<vmem>>, vector<16xi32>,
          %parallel_loop3A_346 = arith.index_cast %cond3A_58 : i32 to index
          %parallel_loop3A_347 = arith.index_cast %parallel_loop3A_81 : i32 to index
          %parallel_loop3A_348 = arith.constant 160 : index
          %parallel_loop3A_349 = tpu.vector_load %arg5[%parallel_loop3A_346, %parallel_loop3A_347, %parallel_loop3A_348] {strides = array<i32>} : memref<2x33x272xi32, #tpu.memory_space<vmem>>, vector<16xi32>,
          tpu.vector_store %arg5[%parallel_loop3A_346, %parallel_loop3A_347, %parallel_loop3A_348], %parallel_loop3A_235 {strides = array<i32>} : memref<2x33x272xi32, #tpu.memory_space<vmem>>, vector<16xi32>,
          %parallel_loop3A_350 = arith.index_cast %cond3A_58 : i32 to index
          %parallel_loop3A_351 = arith.index_cast %parallel_loop3A_81 : i32 to index
          %parallel_loop3A_352 = arith.constant 176 : index
          %parallel_loop3A_353 = tpu.vector_load %arg5[%parallel_loop3A_350, %parallel_loop3A_351, %parallel_loop3A_352] {strides = array<i32>} : memref<2x33x272xi32, #tpu.memory_space<vmem>>, vector<16xi32>,
          tpu.vector_store %arg5[%parallel_loop3A_350, %parallel_loop3A_351, %parallel_loop3A_352], %parallel_loop3A_249 {strides = array<i32>} : memref<2x33x272xi32, #tpu.memory_space<vmem>>, vector<16xi32>,
          %parallel_loop3A_354 = arith.index_cast %cond3A_58 : i32 to index
          %parallel_loop3A_355 = arith.index_cast %parallel_loop3A_81 : i32 to index
          %parallel_loop3A_356 = arith.constant 192 : index
          %parallel_loop3A_357 = tpu.vector_load %arg5[%parallel_loop3A_354, %parallel_loop3A_355, %parallel_loop3A_356] {strides = array<i32>} : memref<2x33x272xi32, #tpu.memory_space<vmem>>, vector<16xi32>,
          tpu.vector_store %arg5[%parallel_loop3A_354, %parallel_loop3A_355, %parallel_loop3A_356], %parallel_loop3A_263 {strides = array<i32>} : memref<2x33x272xi32, #tpu.memory_space<vmem>>, vector<16xi32>,
          %parallel_loop3A_358 = arith.index_cast %cond3A_58 : i32 to index
          %parallel_loop3A_359 = arith.index_cast %parallel_loop3A_81 : i32 to index
          %parallel_loop3A_360 = arith.constant 208 : index
          %parallel_loop3A_361 = tpu.vector_load %arg5[%parallel_loop3A_358, %parallel_loop3A_359, %parallel_loop3A_360] {strides = array<i32>} : memref<2x33x272xi32, #tpu.memory_space<vmem>>, vector<16xi32>,
          tpu.vector_store %arg5[%parallel_loop3A_358, %parallel_loop3A_359, %parallel_loop3A_360], %parallel_loop3A_277 {strides = array<i32>} : memref<2x33x272xi32, #tpu.memory_space<vmem>>, vector<16xi32>,
          %parallel_loop3A_362 = arith.index_cast %cond3A_58 : i32 to index
          %parallel_loop3A_363 = arith.index_cast %parallel_loop3A_81 : i32 to index
          %parallel_loop3A_364 = arith.constant 224 : index
          %parallel_loop3A_365 = tpu.vector_load %arg5[%parallel_loop3A_362, %parallel_loop3A_363, %parallel_loop3A_364] {strides = array<i32>} : memref<2x33x272xi32, #tpu.memory_space<vmem>>, vector<16xi32>,
          tpu.vector_store %arg5[%parallel_loop3A_362, %parallel_loop3A_363, %parallel_loop3A_364], %parallel_loop3A_291 {strides = array<i32>} : memref<2x33x272xi32, #tpu.memory_space<vmem>>, vector<16xi32>,
          %parallel_loop3A_366 = arith.index_cast %cond3A_58 : i32 to index
          %parallel_loop3A_367 = arith.index_cast %parallel_loop3A_81 : i32 to index
          %parallel_loop3A_368 = arith.constant 240 : index
          %parallel_loop3A_369 = tpu.vector_load %arg5[%parallel_loop3A_366, %parallel_loop3A_367, %parallel_loop3A_368] {strides = array<i32>} : memref<2x33x272xi32, #tpu.memory_space<vmem>>, vector<16xi32>,
          tpu.vector_store %arg5[%parallel_loop3A_366, %parallel_loop3A_367, %parallel_loop3A_368], %parallel_loop3A_305 {strides = array<i32>} : memref<2x33x272xi32, #tpu.memory_space<vmem>>, vector<16xi32>,
          %parallel_loop3A_370 = arith.index_cast %cond3A_58 : i32 to index
          %parallel_loop3A_371 = arith.index_cast %parallel_loop3A_81 : i32 to index
          %parallel_loop3A_372 = arith.constant 256 : index
          %parallel_loop3A_373 = tpu.vector_load %arg5[%parallel_loop3A_370, %parallel_loop3A_371, %parallel_loop3A_372] {strides = array<i32>} : memref<2x33x272xi32, #tpu.memory_space<vmem>>, vector<16xi32>,
          tpu.vector_store %arg5[%parallel_loop3A_370, %parallel_loop3A_371, %parallel_loop3A_372], %broadcast_in_dim3A_8 {strides = array<i32>} : memref<2x33x272xi32, #tpu.memory_space<vmem>>, vector<16xi32>,
        } {sc.loop_unroll_factor = 1 : i64, sc.parallel_access}
        %eq3A = arith.constant 7 : i32
        %eq3A_77 = arith.cmpi eq, %scan3A_32, %eq3A : i32
        %convert_element_type3A_78 = arith.extui %eq3A_77 : i1 to i32
        %cond3A_79 = arith.constant 0 : i32
        %cond3A_80 = arith.cmpi ne, %convert_element_type3A_78, %cond3A_79 : i32
        scf.if %cond3A_80 {
          %swap3A_81 = arith.constant 32 : i32
          %swap3A_82 = arith.index_cast %cond3A_58 : i32 to index
          %swap3A_83 = arith.index_cast %swap3A_81 : i32 to index
          %swap3A_84 = arith.constant 0 : index
          %swap3A_85 = tpu.vector_load %arg5[%swap3A_82, %swap3A_83, %swap3A_84] {strides = array<i32>} : memref<2x33x272xi32, #tpu.memory_space<vmem>>, vector<16xi32>,
          tpu.vector_store %arg5[%swap3A_82, %swap3A_83, %swap3A_84], %broadcast_in_dim3A_8 {strides = array<i32>} : memref<2x33x272xi32, #tpu.memory_space<vmem>>, vector<16xi32>,
          %swap3A_86 = arith.constant 32 : i32
          %swap3A_87 = arith.index_cast %cond3A_58 : i32 to index
          %swap3A_88 = arith.index_cast %swap3A_86 : i32 to index
          %swap3A_89 = arith.constant 16 : index
          %swap3A_90 = tpu.vector_load %arg5[%swap3A_87, %swap3A_88, %swap3A_89] {strides = array<i32>} : memref<2x33x272xi32, #tpu.memory_space<vmem>>, vector<16xi32>,
          tpu.vector_store %arg5[%swap3A_87, %swap3A_88, %swap3A_89], %broadcast_in_dim3A_8 {strides = array<i32>} : memref<2x33x272xi32, #tpu.memory_space<vmem>>, vector<16xi32>,
          %swap3A_91 = arith.constant 32 : i32
          %swap3A_92 = arith.index_cast %cond3A_58 : i32 to index
          %swap3A_93 = arith.index_cast %swap3A_91 : i32 to index
          %swap3A_94 = arith.constant 32 : index
          %swap3A_95 = tpu.vector_load %arg5[%swap3A_92, %swap3A_93, %swap3A_94] {strides = array<i32>} : memref<2x33x272xi32, #tpu.memory_space<vmem>>, vector<16xi32>,
          tpu.vector_store %arg5[%swap3A_92, %swap3A_93, %swap3A_94], %broadcast_in_dim3A_8 {strides = array<i32>} : memref<2x33x272xi32, #tpu.memory_space<vmem>>, vector<16xi32>,
          %swap3A_96 = arith.constant 32 : i32
          %swap3A_97 = arith.index_cast %cond3A_58 : i32 to index
          %swap3A_98 = arith.index_cast %swap3A_96 : i32 to index
          %swap3A_99 = arith.constant 48 : index
          %swap3A_100 = tpu.vector_load %arg5[%swap3A_97, %swap3A_98, %swap3A_99] {strides = array<i32>} : memref<2x33x272xi32, #tpu.memory_space<vmem>>, vector<16xi32>,
          tpu.vector_store %arg5[%swap3A_97, %swap3A_98, %swap3A_99], %broadcast_in_dim3A_8 {strides = array<i32>} : memref<2x33x272xi32, #tpu.memory_space<vmem>>, vector<16xi32>,
          %swap3A_101 = arith.constant 32 : i32
          %swap3A_102 = arith.index_cast %cond3A_58 : i32 to index
          %swap3A_103 = arith.index_cast %swap3A_101 : i32 to index
          %swap3A_104 = arith.constant 64 : index
          %swap3A_105 = tpu.vector_load %arg5[%swap3A_102, %swap3A_103, %swap3A_104] {strides = array<i32>} : memref<2x33x272xi32, #tpu.memory_space<vmem>>, vector<16xi32>,
          tpu.vector_store %arg5[%swap3A_102, %swap3A_103, %swap3A_104], %broadcast_in_dim3A_8 {strides = array<i32>} : memref<2x33x272xi32, #tpu.memory_space<vmem>>, vector<16xi32>,
          %swap3A_106 = arith.constant 32 : i32
          %swap3A_107 = arith.index_cast %cond3A_58 : i32 to index
          %swap3A_108 = arith.index_cast %swap3A_106 : i32 to index
          %swap3A_109 = arith.constant 80 : index
          %swap3A_110 = tpu.vector_load %arg5[%swap3A_107, %swap3A_108, %swap3A_109] {strides = array<i32>} : memref<2x33x272xi32, #tpu.memory_space<vmem>>, vector<16xi32>,
          tpu.vector_store %arg5[%swap3A_107, %swap3A_108, %swap3A_109], %broadcast_in_dim3A_8 {strides = array<i32>} : memref<2x33x272xi32, #tpu.memory_space<vmem>>, vector<16xi32>,
          %swap3A_111 = arith.constant 32 : i32
          %swap3A_112 = arith.index_cast %cond3A_58 : i32 to index
          %swap3A_113 = arith.index_cast %swap3A_111 : i32 to index
          %swap3A_114 = arith.constant 96 : index
          %swap3A_115 = tpu.vector_load %arg5[%swap3A_112, %swap3A_113, %swap3A_114] {strides = array<i32>} : memref<2x33x272xi32, #tpu.memory_space<vmem>>, vector<16xi32>,
          tpu.vector_store %arg5[%swap3A_112, %swap3A_113, %swap3A_114], %broadcast_in_dim3A_8 {strides = array<i32>} : memref<2x33x272xi32, #tpu.memory_space<vmem>>, vector<16xi32>,
          %swap3A_116 = arith.constant 32 : i32
          %swap3A_117 = arith.index_cast %cond3A_58 : i32 to index
          %swap3A_118 = arith.index_cast %swap3A_116 : i32 to index
          %swap3A_119 = arith.constant 112 : index
          %swap3A_120 = tpu.vector_load %arg5[%swap3A_117, %swap3A_118, %swap3A_119] {strides = array<i32>} : memref<2x33x272xi32, #tpu.memory_space<vmem>>, vector<16xi32>,
          tpu.vector_store %arg5[%swap3A_117, %swap3A_118, %swap3A_119], %broadcast_in_dim3A_8 {strides = array<i32>} : memref<2x33x272xi32, #tpu.memory_space<vmem>>, vector<16xi32>,
          %swap3A_121 = arith.constant 32 : i32
          %swap3A_122 = arith.index_cast %cond3A_58 : i32 to index
          %swap3A_123 = arith.index_cast %swap3A_121 : i32 to index
          %swap3A_124 = arith.constant 128 : index
          %swap3A_125 = tpu.vector_load %arg5[%swap3A_122, %swap3A_123, %swap3A_124] {strides = array<i32>} : memref<2x33x272xi32, #tpu.memory_space<vmem>>, vector<16xi32>,
          tpu.vector_store %arg5[%swap3A_122, %swap3A_123, %swap3A_124], %broadcast_in_dim3A_8 {strides = array<i32>} : memref<2x33x272xi32, #tpu.memory_space<vmem>>, vector<16xi32>,
          %swap3A_126 = arith.constant 32 : i32
          %swap3A_127 = arith.index_cast %cond3A_58 : i32 to index
          %swap3A_128 = arith.index_cast %swap3A_126 : i32 to index
          %swap3A_129 = arith.constant 144 : index
          %swap3A_130 = tpu.vector_load %arg5[%swap3A_127, %swap3A_128, %swap3A_129] {strides = array<i32>} : memref<2x33x272xi32, #tpu.memory_space<vmem>>, vector<16xi32>,
          tpu.vector_store %arg5[%swap3A_127, %swap3A_128, %swap3A_129], %broadcast_in_dim3A_8 {strides = array<i32>} : memref<2x33x272xi32, #tpu.memory_space<vmem>>, vector<16xi32>,
          %swap3A_131 = arith.constant 32 : i32
          %swap3A_132 = arith.index_cast %cond3A_58 : i32 to index
          %swap3A_133 = arith.index_cast %swap3A_131 : i32 to index
          %swap3A_134 = arith.constant 160 : index
          %swap3A_135 = tpu.vector_load %arg5[%swap3A_132, %swap3A_133, %swap3A_134] {strides = array<i32>} : memref<2x33x272xi32, #tpu.memory_space<vmem>>, vector<16xi32>,
          tpu.vector_store %arg5[%swap3A_132, %swap3A_133, %swap3A_134], %broadcast_in_dim3A_8 {strides = array<i32>} : memref<2x33x272xi32, #tpu.memory_space<vmem>>, vector<16xi32>,
          %swap3A_136 = arith.constant 32 : i32
          %swap3A_137 = arith.index_cast %cond3A_58 : i32 to index
          %swap3A_138 = arith.index_cast %swap3A_136 : i32 to index
          %swap3A_139 = arith.constant 176 : index
          %swap3A_140 = tpu.vector_load %arg5[%swap3A_137, %swap3A_138, %swap3A_139] {strides = array<i32>} : memref<2x33x272xi32, #tpu.memory_space<vmem>>, vector<16xi32>,
          tpu.vector_store %arg5[%swap3A_137, %swap3A_138, %swap3A_139], %broadcast_in_dim3A_8 {strides = array<i32>} : memref<2x33x272xi32, #tpu.memory_space<vmem>>, vector<16xi32>,
          %swap3A_141 = arith.constant 32 : i32
          %swap3A_142 = arith.index_cast %cond3A_58 : i32 to index
          %swap3A_143 = arith.index_cast %swap3A_141 : i32 to index
          %swap3A_144 = arith.constant 192 : index
          %swap3A_145 = tpu.vector_load %arg5[%swap3A_142, %swap3A_143, %swap3A_144] {strides = array<i32>} : memref<2x33x272xi32, #tpu.memory_space<vmem>>, vector<16xi32>,
          tpu.vector_store %arg5[%swap3A_142, %swap3A_143, %swap3A_144], %broadcast_in_dim3A_8 {strides = array<i32>} : memref<2x33x272xi32, #tpu.memory_space<vmem>>, vector<16xi32>,
          %swap3A_146 = arith.constant 32 : i32
          %swap3A_147 = arith.index_cast %cond3A_58 : i32 to index
          %swap3A_148 = arith.index_cast %swap3A_146 : i32 to index
          %swap3A_149 = arith.constant 208 : index
          %swap3A_150 = tpu.vector_load %arg5[%swap3A_147, %swap3A_148, %swap3A_149] {strides = array<i32>} : memref<2x33x272xi32, #tpu.memory_space<vmem>>, vector<16xi32>,
          tpu.vector_store %arg5[%swap3A_147, %swap3A_148, %swap3A_149], %broadcast_in_dim3A_8 {strides = array<i32>} : memref<2x33x272xi32, #tpu.memory_space<vmem>>, vector<16xi32>,
          %swap3A_151 = arith.constant 32 : i32
          %swap3A_152 = arith.index_cast %cond3A_58 : i32 to index
          %swap3A_153 = arith.index_cast %swap3A_151 : i32 to index
          %swap3A_154 = arith.constant 224 : index
          %swap3A_155 = tpu.vector_load %arg5[%swap3A_152, %swap3A_153, %swap3A_154] {strides = array<i32>} : memref<2x33x272xi32, #tpu.memory_space<vmem>>, vector<16xi32>,
          tpu.vector_store %arg5[%swap3A_152, %swap3A_153, %swap3A_154], %broadcast_in_dim3A_8 {strides = array<i32>} : memref<2x33x272xi32, #tpu.memory_space<vmem>>, vector<16xi32>,
          %swap3A_156 = arith.constant 32 : i32
          %swap3A_157 = arith.index_cast %cond3A_58 : i32 to index
          %swap3A_158 = arith.index_cast %swap3A_156 : i32 to index
          %swap3A_159 = arith.constant 240 : index
          %swap3A_160 = tpu.vector_load %arg5[%swap3A_157, %swap3A_158, %swap3A_159] {strides = array<i32>} : memref<2x33x272xi32, #tpu.memory_space<vmem>>, vector<16xi32>,
          tpu.vector_store %arg5[%swap3A_157, %swap3A_158, %swap3A_159], %broadcast_in_dim3A_8 {strides = array<i32>} : memref<2x33x272xi32, #tpu.memory_space<vmem>>, vector<16xi32>,
          %swap3A_161 = arith.constant 32 : i32
          %swap3A_162 = arith.index_cast %cond3A_58 : i32 to index
          %swap3A_163 = arith.index_cast %swap3A_161 : i32 to index
          %swap3A_164 = arith.constant 256 : index
          %swap3A_165 = tpu.vector_load %arg5[%swap3A_162, %swap3A_163, %swap3A_164] {strides = array<i32>} : memref<2x33x272xi32, #tpu.memory_space<vmem>>, vector<16xi32>,
          tpu.vector_store %arg5[%swap3A_162, %swap3A_163, %swap3A_164], %broadcast_in_dim3A_8 {strides = array<i32>} : memref<2x33x272xi32, #tpu.memory_space<vmem>>, vector<16xi32>,
        } else {
        }
      } else {
      }
      %gt3A = arith.constant 255 : i32
      %gt3A_61 = arith.cmpi sgt, %mul3A_37, %gt3A : i32
      %convert_element_type3A_62 = arith.extui %gt3A_61 : i1 to i32
      %cond3A_63 = arith.constant 0 : i32
      %cond3A_64 = arith.constant 0 : i32
      %cond3A_65 = arith.cmpi ne, %convert_element_type3A_62, %cond3A_64 : i32
      scf.if %cond3A_65 {
        %scan3A_74 = arith.constant 0 : i32
        %scan3A_75 = arith.constant 0 : i32
        %scan3A_76 = arith.constant 33 : i32
        %scan3A_77 = arith.addi %scan3A_75, %scan3A_76 : i32
        %scan3A_78 = arith.constant 1 : i32
        %scan3A_79 = scf.for %scan3A_81 = %scan3A_75 to %scan3A_77 step %scan3A_78 iter_args(%scan3A_82 = %scan3A_74) -> (i32)  : i32 {
          %swap3A_83 = arith.index_cast %cond3A_63 : i32 to index
          %swap3A_84 = arith.index_cast %scan3A_81 : i32 to index
          %swap3A_85 = arith.constant 0 : index
          %swap3A_86 = tpu.vector_load %arg5[%swap3A_83, %swap3A_84, %swap3A_85] {strides = array<i32>} : memref<2x33x272xi32, #tpu.memory_space<vmem>>, vector<16xi32>,
          tpu.vector_store %arg5[%swap3A_83, %swap3A_84, %swap3A_85], %broadcast_in_dim3A_8 {strides = array<i32>} : memref<2x33x272xi32, #tpu.memory_space<vmem>>, vector<16xi32>,
          %swap3A_87 = arith.index_cast %cond3A_63 : i32 to index
          %swap3A_88 = arith.index_cast %scan3A_81 : i32 to index
          %swap3A_89 = arith.constant 16 : index
          %swap3A_90 = tpu.vector_load %arg5[%swap3A_87, %swap3A_88, %swap3A_89] {strides = array<i32>} : memref<2x33x272xi32, #tpu.memory_space<vmem>>, vector<16xi32>,
          tpu.vector_store %arg5[%swap3A_87, %swap3A_88, %swap3A_89], %broadcast_in_dim3A_8 {strides = array<i32>} : memref<2x33x272xi32, #tpu.memory_space<vmem>>, vector<16xi32>,
          %swap3A_91 = arith.index_cast %cond3A_63 : i32 to index
          %swap3A_92 = arith.index_cast %scan3A_81 : i32 to index
          %swap3A_93 = arith.constant 32 : index
          %swap3A_94 = tpu.vector_load %arg5[%swap3A_91, %swap3A_92, %swap3A_93] {strides = array<i32>} : memref<2x33x272xi32, #tpu.memory_space<vmem>>, vector<16xi32>,
          tpu.vector_store %arg5[%swap3A_91, %swap3A_92, %swap3A_93], %broadcast_in_dim3A_8 {strides = array<i32>} : memref<2x33x272xi32, #tpu.memory_space<vmem>>, vector<16xi32>,
          %swap3A_95 = arith.index_cast %cond3A_63 : i32 to index
          %swap3A_96 = arith.index_cast %scan3A_81 : i32 to index
          %swap3A_97 = arith.constant 48 : index
          %swap3A_98 = tpu.vector_load %arg5[%swap3A_95, %swap3A_96, %swap3A_97] {strides = array<i32>} : memref<2x33x272xi32, #tpu.memory_space<vmem>>, vector<16xi32>,
          tpu.vector_store %arg5[%swap3A_95, %swap3A_96, %swap3A_97], %broadcast_in_dim3A_8 {strides = array<i32>} : memref<2x33x272xi32, #tpu.memory_space<vmem>>, vector<16xi32>,
          %swap3A_99 = arith.index_cast %cond3A_63 : i32 to index
          %swap3A_100 = arith.index_cast %scan3A_81 : i32 to index
          %swap3A_101 = arith.constant 64 : index
          %swap3A_102 = tpu.vector_load %arg5[%swap3A_99, %swap3A_100, %swap3A_101] {strides = array<i32>} : memref<2x33x272xi32, #tpu.memory_space<vmem>>, vector<16xi32>,
          tpu.vector_store %arg5[%swap3A_99, %swap3A_100, %swap3A_101], %broadcast_in_dim3A_8 {strides = array<i32>} : memref<2x33x272xi32, #tpu.memory_space<vmem>>, vector<16xi32>,
          %swap3A_103 = arith.index_cast %cond3A_63 : i32 to index
          %swap3A_104 = arith.index_cast %scan3A_81 : i32 to index
          %swap3A_105 = arith.constant 80 : index
          %swap3A_106 = tpu.vector_load %arg5[%swap3A_103, %swap3A_104, %swap3A_105] {strides = array<i32>} : memref<2x33x272xi32, #tpu.memory_space<vmem>>, vector<16xi32>,
          tpu.vector_store %arg5[%swap3A_103, %swap3A_104, %swap3A_105], %broadcast_in_dim3A_8 {strides = array<i32>} : memref<2x33x272xi32, #tpu.memory_space<vmem>>, vector<16xi32>,
          %swap3A_107 = arith.index_cast %cond3A_63 : i32 to index
          %swap3A_108 = arith.index_cast %scan3A_81 : i32 to index
          %swap3A_109 = arith.constant 96 : index
          %swap3A_110 = tpu.vector_load %arg5[%swap3A_107, %swap3A_108, %swap3A_109] {strides = array<i32>} : memref<2x33x272xi32, #tpu.memory_space<vmem>>, vector<16xi32>,
          tpu.vector_store %arg5[%swap3A_107, %swap3A_108, %swap3A_109], %broadcast_in_dim3A_8 {strides = array<i32>} : memref<2x33x272xi32, #tpu.memory_space<vmem>>, vector<16xi32>,
          %swap3A_111 = arith.index_cast %cond3A_63 : i32 to index
          %swap3A_112 = arith.index_cast %scan3A_81 : i32 to index
          %swap3A_113 = arith.constant 112 : index
          %swap3A_114 = tpu.vector_load %arg5[%swap3A_111, %swap3A_112, %swap3A_113] {strides = array<i32>} : memref<2x33x272xi32, #tpu.memory_space<vmem>>, vector<16xi32>,
          tpu.vector_store %arg5[%swap3A_111, %swap3A_112, %swap3A_113], %broadcast_in_dim3A_8 {strides = array<i32>} : memref<2x33x272xi32, #tpu.memory_space<vmem>>, vector<16xi32>,
          %swap3A_115 = arith.index_cast %cond3A_63 : i32 to index
          %swap3A_116 = arith.index_cast %scan3A_81 : i32 to index
          %swap3A_117 = arith.constant 128 : index
          %swap3A_118 = tpu.vector_load %arg5[%swap3A_115, %swap3A_116, %swap3A_117] {strides = array<i32>} : memref<2x33x272xi32, #tpu.memory_space<vmem>>, vector<16xi32>,
          tpu.vector_store %arg5[%swap3A_115, %swap3A_116, %swap3A_117], %broadcast_in_dim3A_8 {strides = array<i32>} : memref<2x33x272xi32, #tpu.memory_space<vmem>>, vector<16xi32>,
          %swap3A_119 = arith.index_cast %cond3A_63 : i32 to index
          %swap3A_120 = arith.index_cast %scan3A_81 : i32 to index
          %swap3A_121 = arith.constant 144 : index
          %swap3A_122 = tpu.vector_load %arg5[%swap3A_119, %swap3A_120, %swap3A_121] {strides = array<i32>} : memref<2x33x272xi32, #tpu.memory_space<vmem>>, vector<16xi32>,
          tpu.vector_store %arg5[%swap3A_119, %swap3A_120, %swap3A_121], %broadcast_in_dim3A_8 {strides = array<i32>} : memref<2x33x272xi32, #tpu.memory_space<vmem>>, vector<16xi32>,
          %swap3A_123 = arith.index_cast %cond3A_63 : i32 to index
          %swap3A_124 = arith.index_cast %scan3A_81 : i32 to index
          %swap3A_125 = arith.constant 160 : index
          %swap3A_126 = tpu.vector_load %arg5[%swap3A_123, %swap3A_124, %swap3A_125] {strides = array<i32>} : memref<2x33x272xi32, #tpu.memory_space<vmem>>, vector<16xi32>,
          tpu.vector_store %arg5[%swap3A_123, %swap3A_124, %swap3A_125], %broadcast_in_dim3A_8 {strides = array<i32>} : memref<2x33x272xi32, #tpu.memory_space<vmem>>, vector<16xi32>,
          %swap3A_127 = arith.index_cast %cond3A_63 : i32 to index
          %swap3A_128 = arith.index_cast %scan3A_81 : i32 to index
          %swap3A_129 = arith.constant 176 : index
          %swap3A_130 = tpu.vector_load %arg5[%swap3A_127, %swap3A_128, %swap3A_129] {strides = array<i32>} : memref<2x33x272xi32, #tpu.memory_space<vmem>>, vector<16xi32>,
          tpu.vector_store %arg5[%swap3A_127, %swap3A_128, %swap3A_129], %broadcast_in_dim3A_8 {strides = array<i32>} : memref<2x33x272xi32, #tpu.memory_space<vmem>>, vector<16xi32>,
          %swap3A_131 = arith.index_cast %cond3A_63 : i32 to index
          %swap3A_132 = arith.index_cast %scan3A_81 : i32 to index
          %swap3A_133 = arith.constant 192 : index
          %swap3A_134 = tpu.vector_load %arg5[%swap3A_131, %swap3A_132, %swap3A_133] {strides = array<i32>} : memref<2x33x272xi32, #tpu.memory_space<vmem>>, vector<16xi32>,
          tpu.vector_store %arg5[%swap3A_131, %swap3A_132, %swap3A_133], %broadcast_in_dim3A_8 {strides = array<i32>} : memref<2x33x272xi32, #tpu.memory_space<vmem>>, vector<16xi32>,
          %swap3A_135 = arith.index_cast %cond3A_63 : i32 to index
          %swap3A_136 = arith.index_cast %scan3A_81 : i32 to index
          %swap3A_137 = arith.constant 208 : index
          %swap3A_138 = tpu.vector_load %arg5[%swap3A_135, %swap3A_136, %swap3A_137] {strides = array<i32>} : memref<2x33x272xi32, #tpu.memory_space<vmem>>, vector<16xi32>,
          tpu.vector_store %arg5[%swap3A_135, %swap3A_136, %swap3A_137], %broadcast_in_dim3A_8 {strides = array<i32>} : memref<2x33x272xi32, #tpu.memory_space<vmem>>, vector<16xi32>,
          %swap3A_139 = arith.index_cast %cond3A_63 : i32 to index
          %swap3A_140 = arith.index_cast %scan3A_81 : i32 to index
          %swap3A_141 = arith.constant 224 : index
          %swap3A_142 = tpu.vector_load %arg5[%swap3A_139, %swap3A_140, %swap3A_141] {strides = array<i32>} : memref<2x33x272xi32, #tpu.memory_space<vmem>>, vector<16xi32>,
          tpu.vector_store %arg5[%swap3A_139, %swap3A_140, %swap3A_141], %broadcast_in_dim3A_8 {strides = array<i32>} : memref<2x33x272xi32, #tpu.memory_space<vmem>>, vector<16xi32>,
          %swap3A_143 = arith.index_cast %cond3A_63 : i32 to index
          %swap3A_144 = arith.index_cast %scan3A_81 : i32 to index
          %swap3A_145 = arith.constant 240 : index
          %swap3A_146 = tpu.vector_load %arg5[%swap3A_143, %swap3A_144, %swap3A_145] {strides = array<i32>} : memref<2x33x272xi32, #tpu.memory_space<vmem>>, vector<16xi32>,
          tpu.vector_store %arg5[%swap3A_143, %swap3A_144, %swap3A_145], %broadcast_in_dim3A_8 {strides = array<i32>} : memref<2x33x272xi32, #tpu.memory_space<vmem>>, vector<16xi32>,
          %swap3A_147 = arith.index_cast %cond3A_63 : i32 to index
          %swap3A_148 = arith.index_cast %scan3A_81 : i32 to index
          %swap3A_149 = arith.constant 256 : index
          %swap3A_150 = tpu.vector_load %arg5[%swap3A_147, %swap3A_148, %swap3A_149] {strides = array<i32>} : memref<2x33x272xi32, #tpu.memory_space<vmem>>, vector<16xi32>,
          tpu.vector_store %arg5[%swap3A_147, %swap3A_148, %swap3A_149], %broadcast_in_dim3A_8 {strides = array<i32>} : memref<2x33x272xi32, #tpu.memory_space<vmem>>, vector<16xi32>,
          %scan3A_151 = arith.constant 0 : i32
          scf.yield %scan3A_151 : i32
        }
        %scan3A_80 = arith.constant 33 : i32
      } else {
      }
      %scan3A_66 = arith.constant 0 : i32
      %scan3A_67 = arith.constant 1 : i32
      %scan3A_68 = arith.constant 8 : i32
      %scan3A_69 = arith.addi %scan3A_67, %scan3A_68 : i32
      %scan3A_70 = arith.constant 1 : i32
      %scan3A_71 = scf.for %scan3A_74 = %scan3A_67 to %scan3A_69 step %scan3A_70 iter_args(%scan3A_75 = %scan3A_66) -> (i32)  : i32 {
        %and3A = arith.constant 1 : i32
        %and3A_76 = arith.andi %scan3A_74, %and3A : i32
        %add3A_77 = arith.addi %mul3A_37, %scan3A_74 : i32
        %le3A_78 = arith.constant 255 : i32
        %le3A_79 = arith.cmpi sle, %add3A_77, %le3A_78 : i32
        %convert_element_type3A_80 = arith.extui %le3A_79 : i1 to i32
        %cond3A_81 = arith.constant 0 : i32
        %cond3A_82 = arith.cmpi ne, %convert_element_type3A_80, %cond3A_81 : i32
        scf.if %cond3A_82 {
          %lt3A_107 = arith.constant 7 : i32
          %lt3A_108 = arith.cmpi slt, %scan3A_32, %lt3A_107 : i32
          %convert_element_type3A_109 = arith.extui %lt3A_108 : i1 to i32
          %cond3A_110 = arith.constant 0 : i32
          %cond3A_111 = arith.cmpi ne, %convert_element_type3A_109, %cond3A_110 : i32
          scf.if %cond3A_111 {
            %dma_wait3A = arith.constant 0 : i32
            %dma_wait3A_116 = arith.constant 0 : i32
            %dma_wait3A_117 = tpu.memref_slice %arg4[%and3A_76, %dma_wait3A, %dma_wait3A_116] : memref<2x33x256xf32, #tpu.memory_space<vmem>> -> memref<1x33x256xf32, #tpu.memory_space<vmem>>
            %dma_wait3A_118 = arith.constant 0 : i32
            %dma_wait3A_119 = tpu.memref_slice %arg2[%add3A_77, %mul3A_35, %dma_wait3A_118] : memref<256x256x256xf32, #tpu.memory_space<hbm>> -> memref<1x33x256xf32, #tpu.memory_space<hbm>>
            %dma_wait3A_120 = arith.constant 0 : i32
            %dma_wait3A_121 = arith.constant 0 : i32
            %dma_wait3A_122 = tpu.memref_slice %arg4[%and3A_76, %dma_wait3A_120, %dma_wait3A_121] : memref<2x33x256xf32, #tpu.memory_space<vmem>> -> memref<1x33x256xf32, #tpu.memory_space<vmem>>
            %dma_wait3A_123 = arith.constant 0 : i32
            %dma_wait3A_124 = tpu.memref_slice %arg2[%add3A_77, %mul3A_35, %dma_wait3A_123] : memref<256x256x256xf32, #tpu.memory_space<hbm>> -> memref<1x33x256xf32, #tpu.memory_space<hbm>>
            tpu.wait_dma2 semaphore(%arg8 : memref<!tpu.dma_semaphore, #tpu.memory_space<semaphore_mem>>) src(%dma_wait3A_124 : memref<1x33x256xf32, #tpu.memory_space<hbm>>) dst(%dma_wait3A_122 : memref<1x33x256xf32, #tpu.memory_space<vmem>>)
          } else {
          }
          %eq3A = arith.constant 7 : i32
          %eq3A_112 = arith.cmpi eq, %scan3A_32, %eq3A : i32
          %convert_element_type3A_113 = arith.extui %eq3A_112 : i1 to i32
          %cond3A_114 = arith.constant 0 : i32
          %cond3A_115 = arith.cmpi ne, %convert_element_type3A_113, %cond3A_114 : i32
          scf.if %cond3A_115 {
            %dma_wait3A = arith.constant 0 : i32
            %dma_wait3A_116 = arith.constant 0 : i32
            %dma_wait3A_117 = tpu.memref_slice %arg4[%and3A_76, %dma_wait3A, %dma_wait3A_116] : memref<2x33x256xf32, #tpu.memory_space<vmem>> -> memref<1x32x256xf32, #tpu.memory_space<vmem>>
            %dma_wait3A_118 = arith.constant 0 : i32
            %dma_wait3A_119 = tpu.memref_slice %arg2[%add3A_77, %mul3A_35, %dma_wait3A_118] : memref<256x256x256xf32, #tpu.memory_space<hbm>> -> memref<1x32x256xf32, #tpu.memory_space<hbm>>
            %dma_wait3A_120 = arith.constant 0 : i32
            %dma_wait3A_121 = arith.constant 0 : i32
            %dma_wait3A_122 = tpu.memref_slice %arg4[%and3A_76, %dma_wait3A_120, %dma_wait3A_121] : memref<2x33x256xf32, #tpu.memory_space<vmem>> -> memref<1x32x256xf32, #tpu.memory_space<vmem>>
            %dma_wait3A_123 = arith.constant 0 : i32
            %dma_wait3A_124 = tpu.memref_slice %arg2[%add3A_77, %mul3A_35, %dma_wait3A_123] : memref<256x256x256xf32, #tpu.memory_space<hbm>> -> memref<1x32x256xf32, #tpu.memory_space<hbm>>
            tpu.wait_dma2 semaphore(%arg8 : memref<!tpu.dma_semaphore, #tpu.memory_space<semaphore_mem>>) src(%dma_wait3A_124 : memref<1x32x256xf32, #tpu.memory_space<hbm>>) dst(%dma_wait3A_122 : memref<1x32x256xf32, #tpu.memory_space<vmem>>)
          } else {
          }
        } else {
        }
        %lt3A = arith.constant 8 : i32
        %lt3A_83 = arith.cmpi slt, %scan3A_74, %lt3A : i32
        %convert_element_type3A_84 = arith.extui %lt3A_83 : i1 to i32
        %cond3A_85 = arith.constant 0 : i32
        %cond3A_86 = arith.cmpi ne, %convert_element_type3A_84, %cond3A_85 : i32
        scf.if %cond3A_86 {
          %add3A_107 = arith.addi %mul3A_37, %scan3A_74 : i32
          %add3A_108 = arith.constant 1 : i32
          %add3A_109 = arith.addi %add3A_107, %add3A_108 : i32
          %sub3A_110 = arith.constant 1 : i32
          %sub3A_111 = arith.subi %sub3A_110, %and3A_76 : i32
          %le3A_112 = arith.constant 255 : i32
          %le3A_113 = arith.cmpi sle, %add3A_109, %le3A_112 : i32
          %convert_element_type3A_114 = arith.extui %le3A_113 : i1 to i32
          %cond3A_115 = arith.constant 0 : i32
          %cond3A_116 = arith.cmpi ne, %convert_element_type3A_114, %cond3A_115 : i32
          scf.if %cond3A_116 {
            %lt3A_117 = arith.constant 7 : i32
            %lt3A_118 = arith.cmpi slt, %scan3A_32, %lt3A_117 : i32
            %convert_element_type3A_119 = arith.extui %lt3A_118 : i1 to i32
            %cond3A_120 = arith.constant 0 : i32
            %cond3A_121 = arith.cmpi ne, %convert_element_type3A_119, %cond3A_120 : i32
            scf.if %cond3A_121 {
              %dma_start3A = arith.constant 0 : i32
              %dma_start3A_126 = arith.constant 0 : i32
              %dma_start3A_127 = tpu.memref_slice %arg4[%sub3A_111, %dma_start3A, %dma_start3A_126] : memref<2x33x256xf32, #tpu.memory_space<vmem>> -> memref<1x33x256xf32, #tpu.memory_space<vmem>>
              %dma_start3A_128 = arith.constant 0 : i32
              %dma_start3A_129 = tpu.memref_slice %arg2[%add3A_109, %mul3A_35, %dma_start3A_128] : memref<256x256x256xf32, #tpu.memory_space<hbm>> -> memref<1x33x256xf32, #tpu.memory_space<hbm>>
              %dma_start3A_130 = arith.constant 0 : i32
              %dma_start3A_131 = arith.constant 0 : i32
              %dma_start3A_132 = tpu.memref_slice %arg4[%sub3A_111, %dma_start3A_130, %dma_start3A_131] : memref<2x33x256xf32, #tpu.memory_space<vmem>> -> memref<1x33x256xf32, #tpu.memory_space<vmem>>
              %dma_start3A_133 = arith.constant 0 : i32
              %dma_start3A_134 = tpu.memref_slice %arg2[%add3A_109, %mul3A_35, %dma_start3A_133] : memref<256x256x256xf32, #tpu.memory_space<hbm>> -> memref<1x33x256xf32, #tpu.memory_space<hbm>>
              tpu.enqueue_dma source(%dma_start3A_134 : memref<1x33x256xf32, #tpu.memory_space<hbm>>) target(%dma_start3A_132 : memref<1x33x256xf32, #tpu.memory_space<vmem>>) target_semaphore(%arg8 : memref<!tpu.dma_semaphore, #tpu.memory_space<semaphore_mem>>)
            } else {
            }
            %eq3A = arith.constant 7 : i32
            %eq3A_122 = arith.cmpi eq, %scan3A_32, %eq3A : i32
            %convert_element_type3A_123 = arith.extui %eq3A_122 : i1 to i32
            %cond3A_124 = arith.constant 0 : i32
            %cond3A_125 = arith.cmpi ne, %convert_element_type3A_123, %cond3A_124 : i32
            scf.if %cond3A_125 {
              %dma_start3A = arith.constant 0 : i32
              %dma_start3A_126 = arith.constant 0 : i32
              %dma_start3A_127 = tpu.memref_slice %arg4[%sub3A_111, %dma_start3A, %dma_start3A_126] : memref<2x33x256xf32, #tpu.memory_space<vmem>> -> memref<1x32x256xf32, #tpu.memory_space<vmem>>
              %dma_start3A_128 = arith.constant 0 : i32
              %dma_start3A_129 = tpu.memref_slice %arg2[%add3A_109, %mul3A_35, %dma_start3A_128] : memref<256x256x256xf32, #tpu.memory_space<hbm>> -> memref<1x32x256xf32, #tpu.memory_space<hbm>>
              %dma_start3A_130 = arith.constant 0 : i32
              %dma_start3A_131 = arith.constant 0 : i32
              %dma_start3A_132 = tpu.memref_slice %arg4[%sub3A_111, %dma_start3A_130, %dma_start3A_131] : memref<2x33x256xf32, #tpu.memory_space<vmem>> -> memref<1x32x256xf32, #tpu.memory_space<vmem>>
              %dma_start3A_133 = arith.constant 0 : i32
              %dma_start3A_134 = tpu.memref_slice %arg2[%add3A_109, %mul3A_35, %dma_start3A_133] : memref<256x256x256xf32, #tpu.memory_space<hbm>> -> memref<1x32x256xf32, #tpu.memory_space<hbm>>
              tpu.enqueue_dma source(%dma_start3A_134 : memref<1x32x256xf32, #tpu.memory_space<hbm>>) target(%dma_start3A_132 : memref<1x32x256xf32, #tpu.memory_space<vmem>>) target_semaphore(%arg8 : memref<!tpu.dma_semaphore, #tpu.memory_space<semaphore_mem>>)
            } else {
            }
          } else {
          }
        } else {
        }
        %add3A_87 = arith.addi %mul3A_37, %scan3A_74 : i32
        %le3A_88 = arith.constant 255 : i32
        %le3A_89 = arith.cmpi sle, %add3A_87, %le3A_88 : i32
        %convert_element_type3A_90 = arith.extui %le3A_89 : i1 to i32
        %cond3A_91 = arith.constant 0 : i32
        %cond3A_92 = arith.cmpi ne, %convert_element_type3A_90, %cond3A_91 : i32
        scf.if %cond3A_92 {
          %lt3A_107 = arith.constant 7 : i32
          %lt3A_108 = arith.cmpi slt, %scan3A_32, %lt3A_107 : i32
          %jit3A = arith.constant 33 : i32
          %jit3A_109 = arith.constant 32 : i32
          %select_n3A = arith.select %lt3A_108, %jit3A, %jit3A_109 : i32
          %parallel_loop3A = arith.constant 0 : i32
          %parallel_loop3A_110 = arith.constant 1 : i32
          scf.for %parallel_loop3A_115 = %parallel_loop3A to %select_n3A step %parallel_loop3A_110  : i32 {
            %parallel_loop3A_116 = arith.index_cast %and3A_76 : i32 to index
            %parallel_loop3A_117 = arith.index_cast %parallel_loop3A_115 : i32 to index
            %parallel_loop3A_118 = arith.constant 0 : index
            %parallel_loop3A_119 = tpu.vector_load %arg4[%parallel_loop3A_116, %parallel_loop3A_117, %parallel_loop3A_118] {strides = array<i32>} : memref<2x33x256xf32, #tpu.memory_space<vmem>>, vector<16xf32>,
            %parallel_loop3A_120 = arith.constant 1.023000e+03 : f32
            %parallel_loop3A_121 = vector.broadcast %parallel_loop3A_120 : f32 to vector<16xf32>
            %parallel_loop3A_122 = arith.mulf %parallel_loop3A_119, %parallel_loop3A_121 : vector<16xf32>
            %parallel_loop3A_123 = arith.fptosi %parallel_loop3A_122 : vector<16xf32> to vector<16xi32>
            %parallel_loop3A_124 = arith.sitofp %parallel_loop3A_123 : vector<16xi32> to vector<16xf32>
            %parallel_loop3A_125 = arith.cmpf olt, %parallel_loop3A_124, %parallel_loop3A_122 : vector<16xf32>
            %parallel_loop3A_126 = arith.constant 1 : i32
            %parallel_loop3A_127 = vector.broadcast %parallel_loop3A_126 : i32 to vector<16xi32>
            %parallel_loop3A_128 = arith.addi %parallel_loop3A_123, %parallel_loop3A_127 : vector<16xi32>
            %parallel_loop3A_129 = arith.select %parallel_loop3A_125, %parallel_loop3A_128, %parallel_loop3A_123 : vector<16xi1>, vector<16xi32>
            %parallel_loop3A_130 = arith.index_cast %and3A_76 : i32 to index
            %parallel_loop3A_131 = arith.index_cast %parallel_loop3A_115 : i32 to index
            %parallel_loop3A_132 = arith.constant 16 : index
            %parallel_loop3A_133 = tpu.vector_load %arg4[%parallel_loop3A_130, %parallel_loop3A_131, %parallel_loop3A_132] {strides = array<i32>} : memref<2x33x256xf32, #tpu.memory_space<vmem>>, vector<16xf32>,
            %parallel_loop3A_134 = arith.constant 1.023000e+03 : f32
            %parallel_loop3A_135 = vector.broadcast %parallel_loop3A_134 : f32 to vector<16xf32>
            %parallel_loop3A_136 = arith.mulf %parallel_loop3A_133, %parallel_loop3A_135 : vector<16xf32>
            %parallel_loop3A_137 = arith.fptosi %parallel_loop3A_136 : vector<16xf32> to vector<16xi32>
            %parallel_loop3A_138 = arith.sitofp %parallel_loop3A_137 : vector<16xi32> to vector<16xf32>
            %parallel_loop3A_139 = arith.cmpf olt, %parallel_loop3A_138, %parallel_loop3A_136 : vector<16xf32>
            %parallel_loop3A_140 = arith.constant 1 : i32
            %parallel_loop3A_141 = vector.broadcast %parallel_loop3A_140 : i32 to vector<16xi32>
            %parallel_loop3A_142 = arith.addi %parallel_loop3A_137, %parallel_loop3A_141 : vector<16xi32>
            %parallel_loop3A_143 = arith.select %parallel_loop3A_139, %parallel_loop3A_142, %parallel_loop3A_137 : vector<16xi1>, vector<16xi32>
            %parallel_loop3A_144 = arith.index_cast %and3A_76 : i32 to index
            %parallel_loop3A_145 = arith.index_cast %parallel_loop3A_115 : i32 to index
            %parallel_loop3A_146 = arith.constant 32 : index
            %parallel_loop3A_147 = tpu.vector_load %arg4[%parallel_loop3A_144, %parallel_loop3A_145, %parallel_loop3A_146] {strides = array<i32>} : memref<2x33x256xf32, #tpu.memory_space<vmem>>, vector<16xf32>,
            %parallel_loop3A_148 = arith.constant 1.023000e+03 : f32
            %parallel_loop3A_149 = vector.broadcast %parallel_loop3A_148 : f32 to vector<16xf32>
            %parallel_loop3A_150 = arith.mulf %parallel_loop3A_147, %parallel_loop3A_149 : vector<16xf32>
            %parallel_loop3A_151 = arith.fptosi %parallel_loop3A_150 : vector<16xf32> to vector<16xi32>
            %parallel_loop3A_152 = arith.sitofp %parallel_loop3A_151 : vector<16xi32> to vector<16xf32>
            %parallel_loop3A_153 = arith.cmpf olt, %parallel_loop3A_152, %parallel_loop3A_150 : vector<16xf32>
            %parallel_loop3A_154 = arith.constant 1 : i32
            %parallel_loop3A_155 = vector.broadcast %parallel_loop3A_154 : i32 to vector<16xi32>
            %parallel_loop3A_156 = arith.addi %parallel_loop3A_151, %parallel_loop3A_155 : vector<16xi32>
            %parallel_loop3A_157 = arith.select %parallel_loop3A_153, %parallel_loop3A_156, %parallel_loop3A_151 : vector<16xi1>, vector<16xi32>
            %parallel_loop3A_158 = arith.index_cast %and3A_76 : i32 to index
            %parallel_loop3A_159 = arith.index_cast %parallel_loop3A_115 : i32 to index
            %parallel_loop3A_160 = arith.constant 48 : index
            %parallel_loop3A_161 = tpu.vector_load %arg4[%parallel_loop3A_158, %parallel_loop3A_159, %parallel_loop3A_160] {strides = array<i32>} : memref<2x33x256xf32, #tpu.memory_space<vmem>>, vector<16xf32>,
            %parallel_loop3A_162 = arith.constant 1.023000e+03 : f32
            %parallel_loop3A_163 = vector.broadcast %parallel_loop3A_162 : f32 to vector<16xf32>
            %parallel_loop3A_164 = arith.mulf %parallel_loop3A_161, %parallel_loop3A_163 : vector<16xf32>
            %parallel_loop3A_165 = arith.fptosi %parallel_loop3A_164 : vector<16xf32> to vector<16xi32>
            %parallel_loop3A_166 = arith.sitofp %parallel_loop3A_165 : vector<16xi32> to vector<16xf32>
            %parallel_loop3A_167 = arith.cmpf olt, %parallel_loop3A_166, %parallel_loop3A_164 : vector<16xf32>
            %parallel_loop3A_168 = arith.constant 1 : i32
            %parallel_loop3A_169 = vector.broadcast %parallel_loop3A_168 : i32 to vector<16xi32>
            %parallel_loop3A_170 = arith.addi %parallel_loop3A_165, %parallel_loop3A_169 : vector<16xi32>
            %parallel_loop3A_171 = arith.select %parallel_loop3A_167, %parallel_loop3A_170, %parallel_loop3A_165 : vector<16xi1>, vector<16xi32>
            %parallel_loop3A_172 = arith.index_cast %and3A_76 : i32 to index
            %parallel_loop3A_173 = arith.index_cast %parallel_loop3A_115 : i32 to index
            %parallel_loop3A_174 = arith.constant 64 : index
            %parallel_loop3A_175 = tpu.vector_load %arg4[%parallel_loop3A_172, %parallel_loop3A_173, %parallel_loop3A_174] {strides = array<i32>} : memref<2x33x256xf32, #tpu.memory_space<vmem>>, vector<16xf32>,
            %parallel_loop3A_176 = arith.constant 1.023000e+03 : f32
            %parallel_loop3A_177 = vector.broadcast %parallel_loop3A_176 : f32 to vector<16xf32>
            %parallel_loop3A_178 = arith.mulf %parallel_loop3A_175, %parallel_loop3A_177 : vector<16xf32>
            %parallel_loop3A_179 = arith.fptosi %parallel_loop3A_178 : vector<16xf32> to vector<16xi32>
            %parallel_loop3A_180 = arith.sitofp %parallel_loop3A_179 : vector<16xi32> to vector<16xf32>
            %parallel_loop3A_181 = arith.cmpf olt, %parallel_loop3A_180, %parallel_loop3A_178 : vector<16xf32>
            %parallel_loop3A_182 = arith.constant 1 : i32
            %parallel_loop3A_183 = vector.broadcast %parallel_loop3A_182 : i32 to vector<16xi32>
            %parallel_loop3A_184 = arith.addi %parallel_loop3A_179, %parallel_loop3A_183 : vector<16xi32>
            %parallel_loop3A_185 = arith.select %parallel_loop3A_181, %parallel_loop3A_184, %parallel_loop3A_179 : vector<16xi1>, vector<16xi32>
            %parallel_loop3A_186 = arith.index_cast %and3A_76 : i32 to index
            %parallel_loop3A_187 = arith.index_cast %parallel_loop3A_115 : i32 to index
            %parallel_loop3A_188 = arith.constant 80 : index
            %parallel_loop3A_189 = tpu.vector_load %arg4[%parallel_loop3A_186, %parallel_loop3A_187, %parallel_loop3A_188] {strides = array<i32>} : memref<2x33x256xf32, #tpu.memory_space<vmem>>, vector<16xf32>,
            %parallel_loop3A_190 = arith.constant 1.023000e+03 : f32
            %parallel_loop3A_191 = vector.broadcast %parallel_loop3A_190 : f32 to vector<16xf32>
            %parallel_loop3A_192 = arith.mulf %parallel_loop3A_189, %parallel_loop3A_191 : vector<16xf32>
            %parallel_loop3A_193 = arith.fptosi %parallel_loop3A_192 : vector<16xf32> to vector<16xi32>
            %parallel_loop3A_194 = arith.sitofp %parallel_loop3A_193 : vector<16xi32> to vector<16xf32>
            %parallel_loop3A_195 = arith.cmpf olt, %parallel_loop3A_194, %parallel_loop3A_192 : vector<16xf32>
            %parallel_loop3A_196 = arith.constant 1 : i32
            %parallel_loop3A_197 = vector.broadcast %parallel_loop3A_196 : i32 to vector<16xi32>
            %parallel_loop3A_198 = arith.addi %parallel_loop3A_193, %parallel_loop3A_197 : vector<16xi32>
            %parallel_loop3A_199 = arith.select %parallel_loop3A_195, %parallel_loop3A_198, %parallel_loop3A_193 : vector<16xi1>, vector<16xi32>
            %parallel_loop3A_200 = arith.index_cast %and3A_76 : i32 to index
            %parallel_loop3A_201 = arith.index_cast %parallel_loop3A_115 : i32 to index
            %parallel_loop3A_202 = arith.constant 96 : index
            %parallel_loop3A_203 = tpu.vector_load %arg4[%parallel_loop3A_200, %parallel_loop3A_201, %parallel_loop3A_202] {strides = array<i32>} : memref<2x33x256xf32, #tpu.memory_space<vmem>>, vector<16xf32>,
            %parallel_loop3A_204 = arith.constant 1.023000e+03 : f32
            %parallel_loop3A_205 = vector.broadcast %parallel_loop3A_204 : f32 to vector<16xf32>
            %parallel_loop3A_206 = arith.mulf %parallel_loop3A_203, %parallel_loop3A_205 : vector<16xf32>
            %parallel_loop3A_207 = arith.fptosi %parallel_loop3A_206 : vector<16xf32> to vector<16xi32>
            %parallel_loop3A_208 = arith.sitofp %parallel_loop3A_207 : vector<16xi32> to vector<16xf32>
            %parallel_loop3A_209 = arith.cmpf olt, %parallel_loop3A_208, %parallel_loop3A_206 : vector<16xf32>
            %parallel_loop3A_210 = arith.constant 1 : i32
            %parallel_loop3A_211 = vector.broadcast %parallel_loop3A_210 : i32 to vector<16xi32>
            %parallel_loop3A_212 = arith.addi %parallel_loop3A_207, %parallel_loop3A_211 : vector<16xi32>
            %parallel_loop3A_213 = arith.select %parallel_loop3A_209, %parallel_loop3A_212, %parallel_loop3A_207 : vector<16xi1>, vector<16xi32>
            %parallel_loop3A_214 = arith.index_cast %and3A_76 : i32 to index
            %parallel_loop3A_215 = arith.index_cast %parallel_loop3A_115 : i32 to index
            %parallel_loop3A_216 = arith.constant 112 : index
            %parallel_loop3A_217 = tpu.vector_load %arg4[%parallel_loop3A_214, %parallel_loop3A_215, %parallel_loop3A_216] {strides = array<i32>} : memref<2x33x256xf32, #tpu.memory_space<vmem>>, vector<16xf32>,
            %parallel_loop3A_218 = arith.constant 1.023000e+03 : f32
            %parallel_loop3A_219 = vector.broadcast %parallel_loop3A_218 : f32 to vector<16xf32>
            %parallel_loop3A_220 = arith.mulf %parallel_loop3A_217, %parallel_loop3A_219 : vector<16xf32>
            %parallel_loop3A_221 = arith.fptosi %parallel_loop3A_220 : vector<16xf32> to vector<16xi32>
            %parallel_loop3A_222 = arith.sitofp %parallel_loop3A_221 : vector<16xi32> to vector<16xf32>
            %parallel_loop3A_223 = arith.cmpf olt, %parallel_loop3A_222, %parallel_loop3A_220 : vector<16xf32>
            %parallel_loop3A_224 = arith.constant 1 : i32
            %parallel_loop3A_225 = vector.broadcast %parallel_loop3A_224 : i32 to vector<16xi32>
            %parallel_loop3A_226 = arith.addi %parallel_loop3A_221, %parallel_loop3A_225 : vector<16xi32>
            %parallel_loop3A_227 = arith.select %parallel_loop3A_223, %parallel_loop3A_226, %parallel_loop3A_221 : vector<16xi1>, vector<16xi32>
            %parallel_loop3A_228 = arith.index_cast %and3A_76 : i32 to index
            %parallel_loop3A_229 = arith.index_cast %parallel_loop3A_115 : i32 to index
            %parallel_loop3A_230 = arith.constant 128 : index
            %parallel_loop3A_231 = tpu.vector_load %arg4[%parallel_loop3A_228, %parallel_loop3A_229, %parallel_loop3A_230] {strides = array<i32>} : memref<2x33x256xf32, #tpu.memory_space<vmem>>, vector<16xf32>,
            %parallel_loop3A_232 = arith.constant 1.023000e+03 : f32
            %parallel_loop3A_233 = vector.broadcast %parallel_loop3A_232 : f32 to vector<16xf32>
            %parallel_loop3A_234 = arith.mulf %parallel_loop3A_231, %parallel_loop3A_233 : vector<16xf32>
            %parallel_loop3A_235 = arith.fptosi %parallel_loop3A_234 : vector<16xf32> to vector<16xi32>
            %parallel_loop3A_236 = arith.sitofp %parallel_loop3A_235 : vector<16xi32> to vector<16xf32>
            %parallel_loop3A_237 = arith.cmpf olt, %parallel_loop3A_236, %parallel_loop3A_234 : vector<16xf32>
            %parallel_loop3A_238 = arith.constant 1 : i32
            %parallel_loop3A_239 = vector.broadcast %parallel_loop3A_238 : i32 to vector<16xi32>
            %parallel_loop3A_240 = arith.addi %parallel_loop3A_235, %parallel_loop3A_239 : vector<16xi32>
            %parallel_loop3A_241 = arith.select %parallel_loop3A_237, %parallel_loop3A_240, %parallel_loop3A_235 : vector<16xi1>, vector<16xi32>
            %parallel_loop3A_242 = arith.index_cast %and3A_76 : i32 to index
            %parallel_loop3A_243 = arith.index_cast %parallel_loop3A_115 : i32 to index
            %parallel_loop3A_244 = arith.constant 144 : index
            %parallel_loop3A_245 = tpu.vector_load %arg4[%parallel_loop3A_242, %parallel_loop3A_243, %parallel_loop3A_244] {strides = array<i32>} : memref<2x33x256xf32, #tpu.memory_space<vmem>>, vector<16xf32>,
            %parallel_loop3A_246 = arith.constant 1.023000e+03 : f32
            %parallel_loop3A_247 = vector.broadcast %parallel_loop3A_246 : f32 to vector<16xf32>
            %parallel_loop3A_248 = arith.mulf %parallel_loop3A_245, %parallel_loop3A_247 : vector<16xf32>
            %parallel_loop3A_249 = arith.fptosi %parallel_loop3A_248 : vector<16xf32> to vector<16xi32>
            %parallel_loop3A_250 = arith.sitofp %parallel_loop3A_249 : vector<16xi32> to vector<16xf32>
            %parallel_loop3A_251 = arith.cmpf olt, %parallel_loop3A_250, %parallel_loop3A_248 : vector<16xf32>
            %parallel_loop3A_252 = arith.constant 1 : i32
            %parallel_loop3A_253 = vector.broadcast %parallel_loop3A_252 : i32 to vector<16xi32>
            %parallel_loop3A_254 = arith.addi %parallel_loop3A_249, %parallel_loop3A_253 : vector<16xi32>
            %parallel_loop3A_255 = arith.select %parallel_loop3A_251, %parallel_loop3A_254, %parallel_loop3A_249 : vector<16xi1>, vector<16xi32>
            %parallel_loop3A_256 = arith.index_cast %and3A_76 : i32 to index
            %parallel_loop3A_257 = arith.index_cast %parallel_loop3A_115 : i32 to index
            %parallel_loop3A_258 = arith.constant 160 : index
            %parallel_loop3A_259 = tpu.vector_load %arg4[%parallel_loop3A_256, %parallel_loop3A_257, %parallel_loop3A_258] {strides = array<i32>} : memref<2x33x256xf32, #tpu.memory_space<vmem>>, vector<16xf32>,
            %parallel_loop3A_260 = arith.constant 1.023000e+03 : f32
            %parallel_loop3A_261 = vector.broadcast %parallel_loop3A_260 : f32 to vector<16xf32>
            %parallel_loop3A_262 = arith.mulf %parallel_loop3A_259, %parallel_loop3A_261 : vector<16xf32>
            %parallel_loop3A_263 = arith.fptosi %parallel_loop3A_262 : vector<16xf32> to vector<16xi32>
            %parallel_loop3A_264 = arith.sitofp %parallel_loop3A_263 : vector<16xi32> to vector<16xf32>
            %parallel_loop3A_265 = arith.cmpf olt, %parallel_loop3A_264, %parallel_loop3A_262 : vector<16xf32>
            %parallel_loop3A_266 = arith.constant 1 : i32
            %parallel_loop3A_267 = vector.broadcast %parallel_loop3A_266 : i32 to vector<16xi32>
            %parallel_loop3A_268 = arith.addi %parallel_loop3A_263, %parallel_loop3A_267 : vector<16xi32>
            %parallel_loop3A_269 = arith.select %parallel_loop3A_265, %parallel_loop3A_268, %parallel_loop3A_263 : vector<16xi1>, vector<16xi32>
            %parallel_loop3A_270 = arith.index_cast %and3A_76 : i32 to index
            %parallel_loop3A_271 = arith.index_cast %parallel_loop3A_115 : i32 to index
            %parallel_loop3A_272 = arith.constant 176 : index
            %parallel_loop3A_273 = tpu.vector_load %arg4[%parallel_loop3A_270, %parallel_loop3A_271, %parallel_loop3A_272] {strides = array<i32>} : memref<2x33x256xf32, #tpu.memory_space<vmem>>, vector<16xf32>,
            %parallel_loop3A_274 = arith.constant 1.023000e+03 : f32
            %parallel_loop3A_275 = vector.broadcast %parallel_loop3A_274 : f32 to vector<16xf32>
            %parallel_loop3A_276 = arith.mulf %parallel_loop3A_273, %parallel_loop3A_275 : vector<16xf32>
            %parallel_loop3A_277 = arith.fptosi %parallel_loop3A_276 : vector<16xf32> to vector<16xi32>
            %parallel_loop3A_278 = arith.sitofp %parallel_loop3A_277 : vector<16xi32> to vector<16xf32>
            %parallel_loop3A_279 = arith.cmpf olt, %parallel_loop3A_278, %parallel_loop3A_276 : vector<16xf32>
            %parallel_loop3A_280 = arith.constant 1 : i32
            %parallel_loop3A_281 = vector.broadcast %parallel_loop3A_280 : i32 to vector<16xi32>
            %parallel_loop3A_282 = arith.addi %parallel_loop3A_277, %parallel_loop3A_281 : vector<16xi32>
            %parallel_loop3A_283 = arith.select %parallel_loop3A_279, %parallel_loop3A_282, %parallel_loop3A_277 : vector<16xi1>, vector<16xi32>
            %parallel_loop3A_284 = arith.index_cast %and3A_76 : i32 to index
            %parallel_loop3A_285 = arith.index_cast %parallel_loop3A_115 : i32 to index
            %parallel_loop3A_286 = arith.constant 192 : index
            %parallel_loop3A_287 = tpu.vector_load %arg4[%parallel_loop3A_284, %parallel_loop3A_285, %parallel_loop3A_286] {strides = array<i32>} : memref<2x33x256xf32, #tpu.memory_space<vmem>>, vector<16xf32>,
            %parallel_loop3A_288 = arith.constant 1.023000e+03 : f32
            %parallel_loop3A_289 = vector.broadcast %parallel_loop3A_288 : f32 to vector<16xf32>
            %parallel_loop3A_290 = arith.mulf %parallel_loop3A_287, %parallel_loop3A_289 : vector<16xf32>
            %parallel_loop3A_291 = arith.fptosi %parallel_loop3A_290 : vector<16xf32> to vector<16xi32>
            %parallel_loop3A_292 = arith.sitofp %parallel_loop3A_291 : vector<16xi32> to vector<16xf32>
            %parallel_loop3A_293 = arith.cmpf olt, %parallel_loop3A_292, %parallel_loop3A_290 : vector<16xf32>
            %parallel_loop3A_294 = arith.constant 1 : i32
            %parallel_loop3A_295 = vector.broadcast %parallel_loop3A_294 : i32 to vector<16xi32>
            %parallel_loop3A_296 = arith.addi %parallel_loop3A_291, %parallel_loop3A_295 : vector<16xi32>
            %parallel_loop3A_297 = arith.select %parallel_loop3A_293, %parallel_loop3A_296, %parallel_loop3A_291 : vector<16xi1>, vector<16xi32>
            %parallel_loop3A_298 = arith.index_cast %and3A_76 : i32 to index
            %parallel_loop3A_299 = arith.index_cast %parallel_loop3A_115 : i32 to index
            %parallel_loop3A_300 = arith.constant 208 : index
            %parallel_loop3A_301 = tpu.vector_load %arg4[%parallel_loop3A_298, %parallel_loop3A_299, %parallel_loop3A_300] {strides = array<i32>} : memref<2x33x256xf32, #tpu.memory_space<vmem>>, vector<16xf32>,
            %parallel_loop3A_302 = arith.constant 1.023000e+03 : f32
            %parallel_loop3A_303 = vector.broadcast %parallel_loop3A_302 : f32 to vector<16xf32>
            %parallel_loop3A_304 = arith.mulf %parallel_loop3A_301, %parallel_loop3A_303 : vector<16xf32>
            %parallel_loop3A_305 = arith.fptosi %parallel_loop3A_304 : vector<16xf32> to vector<16xi32>
            %parallel_loop3A_306 = arith.sitofp %parallel_loop3A_305 : vector<16xi32> to vector<16xf32>
            %parallel_loop3A_307 = arith.cmpf olt, %parallel_loop3A_306, %parallel_loop3A_304 : vector<16xf32>
            %parallel_loop3A_308 = arith.constant 1 : i32
            %parallel_loop3A_309 = vector.broadcast %parallel_loop3A_308 : i32 to vector<16xi32>
            %parallel_loop3A_310 = arith.addi %parallel_loop3A_305, %parallel_loop3A_309 : vector<16xi32>
            %parallel_loop3A_311 = arith.select %parallel_loop3A_307, %parallel_loop3A_310, %parallel_loop3A_305 : vector<16xi1>, vector<16xi32>
            %parallel_loop3A_312 = arith.index_cast %and3A_76 : i32 to index
            %parallel_loop3A_313 = arith.index_cast %parallel_loop3A_115 : i32 to index
            %parallel_loop3A_314 = arith.constant 224 : index
            %parallel_loop3A_315 = tpu.vector_load %arg4[%parallel_loop3A_312, %parallel_loop3A_313, %parallel_loop3A_314] {strides = array<i32>} : memref<2x33x256xf32, #tpu.memory_space<vmem>>, vector<16xf32>,
            %parallel_loop3A_316 = arith.constant 1.023000e+03 : f32
            %parallel_loop3A_317 = vector.broadcast %parallel_loop3A_316 : f32 to vector<16xf32>
            %parallel_loop3A_318 = arith.mulf %parallel_loop3A_315, %parallel_loop3A_317 : vector<16xf32>
            %parallel_loop3A_319 = arith.fptosi %parallel_loop3A_318 : vector<16xf32> to vector<16xi32>
            %parallel_loop3A_320 = arith.sitofp %parallel_loop3A_319 : vector<16xi32> to vector<16xf32>
            %parallel_loop3A_321 = arith.cmpf olt, %parallel_loop3A_320, %parallel_loop3A_318 : vector<16xf32>
            %parallel_loop3A_322 = arith.constant 1 : i32
            %parallel_loop3A_323 = vector.broadcast %parallel_loop3A_322 : i32 to vector<16xi32>
            %parallel_loop3A_324 = arith.addi %parallel_loop3A_319, %parallel_loop3A_323 : vector<16xi32>
            %parallel_loop3A_325 = arith.select %parallel_loop3A_321, %parallel_loop3A_324, %parallel_loop3A_319 : vector<16xi1>, vector<16xi32>
            %parallel_loop3A_326 = arith.index_cast %and3A_76 : i32 to index
            %parallel_loop3A_327 = arith.index_cast %parallel_loop3A_115 : i32 to index
            %parallel_loop3A_328 = arith.constant 240 : index
            %parallel_loop3A_329 = tpu.vector_load %arg4[%parallel_loop3A_326, %parallel_loop3A_327, %parallel_loop3A_328] {strides = array<i32>} : memref<2x33x256xf32, #tpu.memory_space<vmem>>, vector<16xf32>,
            %parallel_loop3A_330 = arith.constant 1.023000e+03 : f32
            %parallel_loop3A_331 = vector.broadcast %parallel_loop3A_330 : f32 to vector<16xf32>
            %parallel_loop3A_332 = arith.mulf %parallel_loop3A_329, %parallel_loop3A_331 : vector<16xf32>
            %parallel_loop3A_333 = arith.fptosi %parallel_loop3A_332 : vector<16xf32> to vector<16xi32>
            %parallel_loop3A_334 = arith.sitofp %parallel_loop3A_333 : vector<16xi32> to vector<16xf32>
            %parallel_loop3A_335 = arith.cmpf olt, %parallel_loop3A_334, %parallel_loop3A_332 : vector<16xf32>
            %parallel_loop3A_336 = arith.constant 1 : i32
            %parallel_loop3A_337 = vector.broadcast %parallel_loop3A_336 : i32 to vector<16xi32>
            %parallel_loop3A_338 = arith.addi %parallel_loop3A_333, %parallel_loop3A_337 : vector<16xi32>
            %parallel_loop3A_339 = arith.select %parallel_loop3A_335, %parallel_loop3A_338, %parallel_loop3A_333 : vector<16xi1>, vector<16xi32>
            %parallel_loop3A_340 = arith.index_cast %and3A_76 : i32 to index
            %parallel_loop3A_341 = arith.index_cast %parallel_loop3A_115 : i32 to index
            %parallel_loop3A_342 = arith.constant 0 : index
            %parallel_loop3A_343 = tpu.vector_load %arg5[%parallel_loop3A_340, %parallel_loop3A_341, %parallel_loop3A_342] {strides = array<i32>} : memref<2x33x272xi32, #tpu.memory_space<vmem>>, vector<16xi32>,
            tpu.vector_store %arg5[%parallel_loop3A_340, %parallel_loop3A_341, %parallel_loop3A_342], %parallel_loop3A_129 {strides = array<i32>} : memref<2x33x272xi32, #tpu.memory_space<vmem>>, vector<16xi32>,
            %parallel_loop3A_344 = arith.index_cast %and3A_76 : i32 to index
            %parallel_loop3A_345 = arith.index_cast %parallel_loop3A_115 : i32 to index
            %parallel_loop3A_346 = arith.constant 16 : index
            %parallel_loop3A_347 = tpu.vector_load %arg5[%parallel_loop3A_344, %parallel_loop3A_345, %parallel_loop3A_346] {strides = array<i32>} : memref<2x33x272xi32, #tpu.memory_space<vmem>>, vector<16xi32>,
            tpu.vector_store %arg5[%parallel_loop3A_344, %parallel_loop3A_345, %parallel_loop3A_346], %parallel_loop3A_143 {strides = array<i32>} : memref<2x33x272xi32, #tpu.memory_space<vmem>>, vector<16xi32>,
            %parallel_loop3A_348 = arith.index_cast %and3A_76 : i32 to index
            %parallel_loop3A_349 = arith.index_cast %parallel_loop3A_115 : i32 to index
            %parallel_loop3A_350 = arith.constant 32 : index
            %parallel_loop3A_351 = tpu.vector_load %arg5[%parallel_loop3A_348, %parallel_loop3A_349, %parallel_loop3A_350] {strides = array<i32>} : memref<2x33x272xi32, #tpu.memory_space<vmem>>, vector<16xi32>,
            tpu.vector_store %arg5[%parallel_loop3A_348, %parallel_loop3A_349, %parallel_loop3A_350], %parallel_loop3A_157 {strides = array<i32>} : memref<2x33x272xi32, #tpu.memory_space<vmem>>, vector<16xi32>,
            %parallel_loop3A_352 = arith.index_cast %and3A_76 : i32 to index
            %parallel_loop3A_353 = arith.index_cast %parallel_loop3A_115 : i32 to index
            %parallel_loop3A_354 = arith.constant 48 : index
            %parallel_loop3A_355 = tpu.vector_load %arg5[%parallel_loop3A_352, %parallel_loop3A_353, %parallel_loop3A_354] {strides = array<i32>} : memref<2x33x272xi32, #tpu.memory_space<vmem>>, vector<16xi32>,
            tpu.vector_store %arg5[%parallel_loop3A_352, %parallel_loop3A_353, %parallel_loop3A_354], %parallel_loop3A_171 {strides = array<i32>} : memref<2x33x272xi32, #tpu.memory_space<vmem>>, vector<16xi32>,
            %parallel_loop3A_356 = arith.index_cast %and3A_76 : i32 to index
            %parallel_loop3A_357 = arith.index_cast %parallel_loop3A_115 : i32 to index
            %parallel_loop3A_358 = arith.constant 64 : index
            %parallel_loop3A_359 = tpu.vector_load %arg5[%parallel_loop3A_356, %parallel_loop3A_357, %parallel_loop3A_358] {strides = array<i32>} : memref<2x33x272xi32, #tpu.memory_space<vmem>>, vector<16xi32>,
            tpu.vector_store %arg5[%parallel_loop3A_356, %parallel_loop3A_357, %parallel_loop3A_358], %parallel_loop3A_185 {strides = array<i32>} : memref<2x33x272xi32, #tpu.memory_space<vmem>>, vector<16xi32>,
            %parallel_loop3A_360 = arith.index_cast %and3A_76 : i32 to index
            %parallel_loop3A_361 = arith.index_cast %parallel_loop3A_115 : i32 to index
            %parallel_loop3A_362 = arith.constant 80 : index
            %parallel_loop3A_363 = tpu.vector_load %arg5[%parallel_loop3A_360, %parallel_loop3A_361, %parallel_loop3A_362] {strides = array<i32>} : memref<2x33x272xi32, #tpu.memory_space<vmem>>, vector<16xi32>,
            tpu.vector_store %arg5[%parallel_loop3A_360, %parallel_loop3A_361, %parallel_loop3A_362], %parallel_loop3A_199 {strides = array<i32>} : memref<2x33x272xi32, #tpu.memory_space<vmem>>, vector<16xi32>,
            %parallel_loop3A_364 = arith.index_cast %and3A_76 : i32 to index
            %parallel_loop3A_365 = arith.index_cast %parallel_loop3A_115 : i32 to index
            %parallel_loop3A_366 = arith.constant 96 : index
            %parallel_loop3A_367 = tpu.vector_load %arg5[%parallel_loop3A_364, %parallel_loop3A_365, %parallel_loop3A_366] {strides = array<i32>} : memref<2x33x272xi32, #tpu.memory_space<vmem>>, vector<16xi32>,
            tpu.vector_store %arg5[%parallel_loop3A_364, %parallel_loop3A_365, %parallel_loop3A_366], %parallel_loop3A_213 {strides = array<i32>} : memref<2x33x272xi32, #tpu.memory_space<vmem>>, vector<16xi32>,
            %parallel_loop3A_368 = arith.index_cast %and3A_76 : i32 to index
            %parallel_loop3A_369 = arith.index_cast %parallel_loop3A_115 : i32 to index
            %parallel_loop3A_370 = arith.constant 112 : index
            %parallel_loop3A_371 = tpu.vector_load %arg5[%parallel_loop3A_368, %parallel_loop3A_369, %parallel_loop3A_370] {strides = array<i32>} : memref<2x33x272xi32, #tpu.memory_space<vmem>>, vector<16xi32>,
            tpu.vector_store %arg5[%parallel_loop3A_368, %parallel_loop3A_369, %parallel_loop3A_370], %parallel_loop3A_227 {strides = array<i32>} : memref<2x33x272xi32, #tpu.memory_space<vmem>>, vector<16xi32>,
            %parallel_loop3A_372 = arith.index_cast %and3A_76 : i32 to index
            %parallel_loop3A_373 = arith.index_cast %parallel_loop3A_115 : i32 to index
            %parallel_loop3A_374 = arith.constant 128 : index
            %parallel_loop3A_375 = tpu.vector_load %arg5[%parallel_loop3A_372, %parallel_loop3A_373, %parallel_loop3A_374] {strides = array<i32>} : memref<2x33x272xi32, #tpu.memory_space<vmem>>, vector<16xi32>,
            tpu.vector_store %arg5[%parallel_loop3A_372, %parallel_loop3A_373, %parallel_loop3A_374], %parallel_loop3A_241 {strides = array<i32>} : memref<2x33x272xi32, #tpu.memory_space<vmem>>, vector<16xi32>,
            %parallel_loop3A_376 = arith.index_cast %and3A_76 : i32 to index
            %parallel_loop3A_377 = arith.index_cast %parallel_loop3A_115 : i32 to index
            %parallel_loop3A_378 = arith.constant 144 : index
            %parallel_loop3A_379 = tpu.vector_load %arg5[%parallel_loop3A_376, %parallel_loop3A_377, %parallel_loop3A_378] {strides = array<i32>} : memref<2x33x272xi32, #tpu.memory_space<vmem>>, vector<16xi32>,
            tpu.vector_store %arg5[%parallel_loop3A_376, %parallel_loop3A_377, %parallel_loop3A_378], %parallel_loop3A_255 {strides = array<i32>} : memref<2x33x272xi32, #tpu.memory_space<vmem>>, vector<16xi32>,
            %parallel_loop3A_380 = arith.index_cast %and3A_76 : i32 to index
            %parallel_loop3A_381 = arith.index_cast %parallel_loop3A_115 : i32 to index
            %parallel_loop3A_382 = arith.constant 160 : index
            %parallel_loop3A_383 = tpu.vector_load %arg5[%parallel_loop3A_380, %parallel_loop3A_381, %parallel_loop3A_382] {strides = array<i32>} : memref<2x33x272xi32, #tpu.memory_space<vmem>>, vector<16xi32>,
            tpu.vector_store %arg5[%parallel_loop3A_380, %parallel_loop3A_381, %parallel_loop3A_382], %parallel_loop3A_269 {strides = array<i32>} : memref<2x33x272xi32, #tpu.memory_space<vmem>>, vector<16xi32>,
            %parallel_loop3A_384 = arith.index_cast %and3A_76 : i32 to index
            %parallel_loop3A_385 = arith.index_cast %parallel_loop3A_115 : i32 to index
            %parallel_loop3A_386 = arith.constant 176 : index
            %parallel_loop3A_387 = tpu.vector_load %arg5[%parallel_loop3A_384, %parallel_loop3A_385, %parallel_loop3A_386] {strides = array<i32>} : memref<2x33x272xi32, #tpu.memory_space<vmem>>, vector<16xi32>,
            tpu.vector_store %arg5[%parallel_loop3A_384, %parallel_loop3A_385, %parallel_loop3A_386], %parallel_loop3A_283 {strides = array<i32>} : memref<2x33x272xi32, #tpu.memory_space<vmem>>, vector<16xi32>,
            %parallel_loop3A_388 = arith.index_cast %and3A_76 : i32 to index
            %parallel_loop3A_389 = arith.index_cast %parallel_loop3A_115 : i32 to index
            %parallel_loop3A_390 = arith.constant 192 : index
            %parallel_loop3A_391 = tpu.vector_load %arg5[%parallel_loop3A_388, %parallel_loop3A_389, %parallel_loop3A_390] {strides = array<i32>} : memref<2x33x272xi32, #tpu.memory_space<vmem>>, vector<16xi32>,
            tpu.vector_store %arg5[%parallel_loop3A_388, %parallel_loop3A_389, %parallel_loop3A_390], %parallel_loop3A_297 {strides = array<i32>} : memref<2x33x272xi32, #tpu.memory_space<vmem>>, vector<16xi32>,
            %parallel_loop3A_392 = arith.index_cast %and3A_76 : i32 to index
            %parallel_loop3A_393 = arith.index_cast %parallel_loop3A_115 : i32 to index
            %parallel_loop3A_394 = arith.constant 208 : index
            %parallel_loop3A_395 = tpu.vector_load %arg5[%parallel_loop3A_392, %parallel_loop3A_393, %parallel_loop3A_394] {strides = array<i32>} : memref<2x33x272xi32, #tpu.memory_space<vmem>>, vector<16xi32>,
            tpu.vector_store %arg5[%parallel_loop3A_392, %parallel_loop3A_393, %parallel_loop3A_394], %parallel_loop3A_311 {strides = array<i32>} : memref<2x33x272xi32, #tpu.memory_space<vmem>>, vector<16xi32>,
            %parallel_loop3A_396 = arith.index_cast %and3A_76 : i32 to index
            %parallel_loop3A_397 = arith.index_cast %parallel_loop3A_115 : i32 to index
            %parallel_loop3A_398 = arith.constant 224 : index
            %parallel_loop3A_399 = tpu.vector_load %arg5[%parallel_loop3A_396, %parallel_loop3A_397, %parallel_loop3A_398] {strides = array<i32>} : memref<2x33x272xi32, #tpu.memory_space<vmem>>, vector<16xi32>,
            tpu.vector_store %arg5[%parallel_loop3A_396, %parallel_loop3A_397, %parallel_loop3A_398], %parallel_loop3A_325 {strides = array<i32>} : memref<2x33x272xi32, #tpu.memory_space<vmem>>, vector<16xi32>,
            %parallel_loop3A_400 = arith.index_cast %and3A_76 : i32 to index
            %parallel_loop3A_401 = arith.index_cast %parallel_loop3A_115 : i32 to index
            %parallel_loop3A_402 = arith.constant 240 : index
            %parallel_loop3A_403 = tpu.vector_load %arg5[%parallel_loop3A_400, %parallel_loop3A_401, %parallel_loop3A_402] {strides = array<i32>} : memref<2x33x272xi32, #tpu.memory_space<vmem>>, vector<16xi32>,
            tpu.vector_store %arg5[%parallel_loop3A_400, %parallel_loop3A_401, %parallel_loop3A_402], %parallel_loop3A_339 {strides = array<i32>} : memref<2x33x272xi32, #tpu.memory_space<vmem>>, vector<16xi32>,
            %parallel_loop3A_404 = arith.index_cast %and3A_76 : i32 to index
            %parallel_loop3A_405 = arith.index_cast %parallel_loop3A_115 : i32 to index
            %parallel_loop3A_406 = arith.constant 256 : index
            %parallel_loop3A_407 = tpu.vector_load %arg5[%parallel_loop3A_404, %parallel_loop3A_405, %parallel_loop3A_406] {strides = array<i32>} : memref<2x33x272xi32, #tpu.memory_space<vmem>>, vector<16xi32>,
            tpu.vector_store %arg5[%parallel_loop3A_404, %parallel_loop3A_405, %parallel_loop3A_406], %broadcast_in_dim3A_8 {strides = array<i32>} : memref<2x33x272xi32, #tpu.memory_space<vmem>>, vector<16xi32>,
          } {sc.loop_unroll_factor = 1 : i64, sc.parallel_access}
          %eq3A = arith.constant 7 : i32
          %eq3A_111 = arith.cmpi eq, %scan3A_32, %eq3A : i32
          %convert_element_type3A_112 = arith.extui %eq3A_111 : i1 to i32
          %cond3A_113 = arith.constant 0 : i32
          %cond3A_114 = arith.cmpi ne, %convert_element_type3A_112, %cond3A_113 : i32
          scf.if %cond3A_114 {
            %swap3A_115 = arith.constant 32 : i32
            %swap3A_116 = arith.index_cast %and3A_76 : i32 to index
            %swap3A_117 = arith.index_cast %swap3A_115 : i32 to index
            %swap3A_118 = arith.constant 0 : index
            %swap3A_119 = tpu.vector_load %arg5[%swap3A_116, %swap3A_117, %swap3A_118] {strides = array<i32>} : memref<2x33x272xi32, #tpu.memory_space<vmem>>, vector<16xi32>,
            tpu.vector_store %arg5[%swap3A_116, %swap3A_117, %swap3A_118], %broadcast_in_dim3A_8 {strides = array<i32>} : memref<2x33x272xi32, #tpu.memory_space<vmem>>, vector<16xi32>,
            %swap3A_120 = arith.constant 32 : i32
            %swap3A_121 = arith.index_cast %and3A_76 : i32 to index
            %swap3A_122 = arith.index_cast %swap3A_120 : i32 to index
            %swap3A_123 = arith.constant 16 : index
            %swap3A_124 = tpu.vector_load %arg5[%swap3A_121, %swap3A_122, %swap3A_123] {strides = array<i32>} : memref<2x33x272xi32, #tpu.memory_space<vmem>>, vector<16xi32>,
            tpu.vector_store %arg5[%swap3A_121, %swap3A_122, %swap3A_123], %broadcast_in_dim3A_8 {strides = array<i32>} : memref<2x33x272xi32, #tpu.memory_space<vmem>>, vector<16xi32>,
            %swap3A_125 = arith.constant 32 : i32
            %swap3A_126 = arith.index_cast %and3A_76 : i32 to index
            %swap3A_127 = arith.index_cast %swap3A_125 : i32 to index
            %swap3A_128 = arith.constant 32 : index
            %swap3A_129 = tpu.vector_load %arg5[%swap3A_126, %swap3A_127, %swap3A_128] {strides = array<i32>} : memref<2x33x272xi32, #tpu.memory_space<vmem>>, vector<16xi32>,
            tpu.vector_store %arg5[%swap3A_126, %swap3A_127, %swap3A_128], %broadcast_in_dim3A_8 {strides = array<i32>} : memref<2x33x272xi32, #tpu.memory_space<vmem>>, vector<16xi32>,
            %swap3A_130 = arith.constant 32 : i32
            %swap3A_131 = arith.index_cast %and3A_76 : i32 to index
            %swap3A_132 = arith.index_cast %swap3A_130 : i32 to index
            %swap3A_133 = arith.constant 48 : index
            %swap3A_134 = tpu.vector_load %arg5[%swap3A_131, %swap3A_132, %swap3A_133] {strides = array<i32>} : memref<2x33x272xi32, #tpu.memory_space<vmem>>, vector<16xi32>,
            tpu.vector_store %arg5[%swap3A_131, %swap3A_132, %swap3A_133], %broadcast_in_dim3A_8 {strides = array<i32>} : memref<2x33x272xi32, #tpu.memory_space<vmem>>, vector<16xi32>,
            %swap3A_135 = arith.constant 32 : i32
            %swap3A_136 = arith.index_cast %and3A_76 : i32 to index
            %swap3A_137 = arith.index_cast %swap3A_135 : i32 to index
            %swap3A_138 = arith.constant 64 : index
            %swap3A_139 = tpu.vector_load %arg5[%swap3A_136, %swap3A_137, %swap3A_138] {strides = array<i32>} : memref<2x33x272xi32, #tpu.memory_space<vmem>>, vector<16xi32>,
            tpu.vector_store %arg5[%swap3A_136, %swap3A_137, %swap3A_138], %broadcast_in_dim3A_8 {strides = array<i32>} : memref<2x33x272xi32, #tpu.memory_space<vmem>>, vector<16xi32>,
            %swap3A_140 = arith.constant 32 : i32
            %swap3A_141 = arith.index_cast %and3A_76 : i32 to index
            %swap3A_142 = arith.index_cast %swap3A_140 : i32 to index
            %swap3A_143 = arith.constant 80 : index
            %swap3A_144 = tpu.vector_load %arg5[%swap3A_141, %swap3A_142, %swap3A_143] {strides = array<i32>} : memref<2x33x272xi32, #tpu.memory_space<vmem>>, vector<16xi32>,
            tpu.vector_store %arg5[%swap3A_141, %swap3A_142, %swap3A_143], %broadcast_in_dim3A_8 {strides = array<i32>} : memref<2x33x272xi32, #tpu.memory_space<vmem>>, vector<16xi32>,
            %swap3A_145 = arith.constant 32 : i32
            %swap3A_146 = arith.index_cast %and3A_76 : i32 to index
            %swap3A_147 = arith.index_cast %swap3A_145 : i32 to index
            %swap3A_148 = arith.constant 96 : index
            %swap3A_149 = tpu.vector_load %arg5[%swap3A_146, %swap3A_147, %swap3A_148] {strides = array<i32>} : memref<2x33x272xi32, #tpu.memory_space<vmem>>, vector<16xi32>,
            tpu.vector_store %arg5[%swap3A_146, %swap3A_147, %swap3A_148], %broadcast_in_dim3A_8 {strides = array<i32>} : memref<2x33x272xi32, #tpu.memory_space<vmem>>, vector<16xi32>,
            %swap3A_150 = arith.constant 32 : i32
            %swap3A_151 = arith.index_cast %and3A_76 : i32 to index
            %swap3A_152 = arith.index_cast %swap3A_150 : i32 to index
            %swap3A_153 = arith.constant 112 : index
            %swap3A_154 = tpu.vector_load %arg5[%swap3A_151, %swap3A_152, %swap3A_153] {strides = array<i32>} : memref<2x33x272xi32, #tpu.memory_space<vmem>>, vector<16xi32>,
            tpu.vector_store %arg5[%swap3A_151, %swap3A_152, %swap3A_153], %broadcast_in_dim3A_8 {strides = array<i32>} : memref<2x33x272xi32, #tpu.memory_space<vmem>>, vector<16xi32>,
            %swap3A_155 = arith.constant 32 : i32
            %swap3A_156 = arith.index_cast %and3A_76 : i32 to index
            %swap3A_157 = arith.index_cast %swap3A_155 : i32 to index
            %swap3A_158 = arith.constant 128 : index
            %swap3A_159 = tpu.vector_load %arg5[%swap3A_156, %swap3A_157, %swap3A_158] {strides = array<i32>} : memref<2x33x272xi32, #tpu.memory_space<vmem>>, vector<16xi32>,
            tpu.vector_store %arg5[%swap3A_156, %swap3A_157, %swap3A_158], %broadcast_in_dim3A_8 {strides = array<i32>} : memref<2x33x272xi32, #tpu.memory_space<vmem>>, vector<16xi32>,
            %swap3A_160 = arith.constant 32 : i32
            %swap3A_161 = arith.index_cast %and3A_76 : i32 to index
            %swap3A_162 = arith.index_cast %swap3A_160 : i32 to index
            %swap3A_163 = arith.constant 144 : index
            %swap3A_164 = tpu.vector_load %arg5[%swap3A_161, %swap3A_162, %swap3A_163] {strides = array<i32>} : memref<2x33x272xi32, #tpu.memory_space<vmem>>, vector<16xi32>,
            tpu.vector_store %arg5[%swap3A_161, %swap3A_162, %swap3A_163], %broadcast_in_dim3A_8 {strides = array<i32>} : memref<2x33x272xi32, #tpu.memory_space<vmem>>, vector<16xi32>,
            %swap3A_165 = arith.constant 32 : i32
            %swap3A_166 = arith.index_cast %and3A_76 : i32 to index
            %swap3A_167 = arith.index_cast %swap3A_165 : i32 to index
            %swap3A_168 = arith.constant 160 : index
            %swap3A_169 = tpu.vector_load %arg5[%swap3A_166, %swap3A_167, %swap3A_168] {strides = array<i32>} : memref<2x33x272xi32, #tpu.memory_space<vmem>>, vector<16xi32>,
            tpu.vector_store %arg5[%swap3A_166, %swap3A_167, %swap3A_168], %broadcast_in_dim3A_8 {strides = array<i32>} : memref<2x33x272xi32, #tpu.memory_space<vmem>>, vector<16xi32>,
            %swap3A_170 = arith.constant 32 : i32
            %swap3A_171 = arith.index_cast %and3A_76 : i32 to index
            %swap3A_172 = arith.index_cast %swap3A_170 : i32 to index
            %swap3A_173 = arith.constant 176 : index
            %swap3A_174 = tpu.vector_load %arg5[%swap3A_171, %swap3A_172, %swap3A_173] {strides = array<i32>} : memref<2x33x272xi32, #tpu.memory_space<vmem>>, vector<16xi32>,
            tpu.vector_store %arg5[%swap3A_171, %swap3A_172, %swap3A_173], %broadcast_in_dim3A_8 {strides = array<i32>} : memref<2x33x272xi32, #tpu.memory_space<vmem>>, vector<16xi32>,
            %swap3A_175 = arith.constant 32 : i32
            %swap3A_176 = arith.index_cast %and3A_76 : i32 to index
            %swap3A_177 = arith.index_cast %swap3A_175 : i32 to index
            %swap3A_178 = arith.constant 192 : index
            %swap3A_179 = tpu.vector_load %arg5[%swap3A_176, %swap3A_177, %swap3A_178] {strides = array<i32>} : memref<2x33x272xi32, #tpu.memory_space<vmem>>, vector<16xi32>,
            tpu.vector_store %arg5[%swap3A_176, %swap3A_177, %swap3A_178], %broadcast_in_dim3A_8 {strides = array<i32>} : memref<2x33x272xi32, #tpu.memory_space<vmem>>, vector<16xi32>,
            %swap3A_180 = arith.constant 32 : i32
            %swap3A_181 = arith.index_cast %and3A_76 : i32 to index
            %swap3A_182 = arith.index_cast %swap3A_180 : i32 to index
            %swap3A_183 = arith.constant 208 : index
            %swap3A_184 = tpu.vector_load %arg5[%swap3A_181, %swap3A_182, %swap3A_183] {strides = array<i32>} : memref<2x33x272xi32, #tpu.memory_space<vmem>>, vector<16xi32>,
            tpu.vector_store %arg5[%swap3A_181, %swap3A_182, %swap3A_183], %broadcast_in_dim3A_8 {strides = array<i32>} : memref<2x33x272xi32, #tpu.memory_space<vmem>>, vector<16xi32>,
            %swap3A_185 = arith.constant 32 : i32
            %swap3A_186 = arith.index_cast %and3A_76 : i32 to index
            %swap3A_187 = arith.index_cast %swap3A_185 : i32 to index
            %swap3A_188 = arith.constant 224 : index
            %swap3A_189 = tpu.vector_load %arg5[%swap3A_186, %swap3A_187, %swap3A_188] {strides = array<i32>} : memref<2x33x272xi32, #tpu.memory_space<vmem>>, vector<16xi32>,
            tpu.vector_store %arg5[%swap3A_186, %swap3A_187, %swap3A_188], %broadcast_in_dim3A_8 {strides = array<i32>} : memref<2x33x272xi32, #tpu.memory_space<vmem>>, vector<16xi32>,
            %swap3A_190 = arith.constant 32 : i32
            %swap3A_191 = arith.index_cast %and3A_76 : i32 to index
            %swap3A_192 = arith.index_cast %swap3A_190 : i32 to index
            %swap3A_193 = arith.constant 240 : index
            %swap3A_194 = tpu.vector_load %arg5[%swap3A_191, %swap3A_192, %swap3A_193] {strides = array<i32>} : memref<2x33x272xi32, #tpu.memory_space<vmem>>, vector<16xi32>,
            tpu.vector_store %arg5[%swap3A_191, %swap3A_192, %swap3A_193], %broadcast_in_dim3A_8 {strides = array<i32>} : memref<2x33x272xi32, #tpu.memory_space<vmem>>, vector<16xi32>,
            %swap3A_195 = arith.constant 32 : i32
            %swap3A_196 = arith.index_cast %and3A_76 : i32 to index
            %swap3A_197 = arith.index_cast %swap3A_195 : i32 to index
            %swap3A_198 = arith.constant 256 : index
            %swap3A_199 = tpu.vector_load %arg5[%swap3A_196, %swap3A_197, %swap3A_198] {strides = array<i32>} : memref<2x33x272xi32, #tpu.memory_space<vmem>>, vector<16xi32>,
            tpu.vector_store %arg5[%swap3A_196, %swap3A_197, %swap3A_198], %broadcast_in_dim3A_8 {strides = array<i32>} : memref<2x33x272xi32, #tpu.memory_space<vmem>>, vector<16xi32>,
          } else {
          }
        } else {
        }
        %gt3A_93 = arith.constant 255 : i32
        %gt3A_94 = arith.cmpi sgt, %add3A_87, %gt3A_93 : i32
        %convert_element_type3A_95 = arith.extui %gt3A_94 : i1 to i32
        %cond3A_96 = arith.constant 0 : i32
        %cond3A_97 = arith.cmpi ne, %convert_element_type3A_95, %cond3A_96 : i32
        scf.if %cond3A_97 {
          %scan3A_107 = arith.constant 0 : i32
          %scan3A_108 = arith.constant 0 : i32
          %scan3A_109 = arith.constant 33 : i32
          %scan3A_110 = arith.addi %scan3A_108, %scan3A_109 : i32
          %scan3A_111 = arith.constant 1 : i32
          %scan3A_112 = scf.for %scan3A_114 = %scan3A_108 to %scan3A_110 step %scan3A_111 iter_args(%scan3A_115 = %scan3A_107) -> (i32)  : i32 {
            %swap3A_116 = arith.index_cast %and3A_76 : i32 to index
            %swap3A_117 = arith.index_cast %scan3A_114 : i32 to index
            %swap3A_118 = arith.constant 0 : index
            %swap3A_119 = tpu.vector_load %arg5[%swap3A_116, %swap3A_117, %swap3A_118] {strides = array<i32>} : memref<2x33x272xi32, #tpu.memory_space<vmem>>, vector<16xi32>,
            tpu.vector_store %arg5[%swap3A_116, %swap3A_117, %swap3A_118], %broadcast_in_dim3A_8 {strides = array<i32>} : memref<2x33x272xi32, #tpu.memory_space<vmem>>, vector<16xi32>,
            %swap3A_120 = arith.index_cast %and3A_76 : i32 to index
            %swap3A_121 = arith.index_cast %scan3A_114 : i32 to index
            %swap3A_122 = arith.constant 16 : index
            %swap3A_123 = tpu.vector_load %arg5[%swap3A_120, %swap3A_121, %swap3A_122] {strides = array<i32>} : memref<2x33x272xi32, #tpu.memory_space<vmem>>, vector<16xi32>,
            tpu.vector_store %arg5[%swap3A_120, %swap3A_121, %swap3A_122], %broadcast_in_dim3A_8 {strides = array<i32>} : memref<2x33x272xi32, #tpu.memory_space<vmem>>, vector<16xi32>,
            %swap3A_124 = arith.index_cast %and3A_76 : i32 to index
            %swap3A_125 = arith.index_cast %scan3A_114 : i32 to index
            %swap3A_126 = arith.constant 32 : index
            %swap3A_127 = tpu.vector_load %arg5[%swap3A_124, %swap3A_125, %swap3A_126] {strides = array<i32>} : memref<2x33x272xi32, #tpu.memory_space<vmem>>, vector<16xi32>,
            tpu.vector_store %arg5[%swap3A_124, %swap3A_125, %swap3A_126], %broadcast_in_dim3A_8 {strides = array<i32>} : memref<2x33x272xi32, #tpu.memory_space<vmem>>, vector<16xi32>,
            %swap3A_128 = arith.index_cast %and3A_76 : i32 to index
            %swap3A_129 = arith.index_cast %scan3A_114 : i32 to index
            %swap3A_130 = arith.constant 48 : index
            %swap3A_131 = tpu.vector_load %arg5[%swap3A_128, %swap3A_129, %swap3A_130] {strides = array<i32>} : memref<2x33x272xi32, #tpu.memory_space<vmem>>, vector<16xi32>,
            tpu.vector_store %arg5[%swap3A_128, %swap3A_129, %swap3A_130], %broadcast_in_dim3A_8 {strides = array<i32>} : memref<2x33x272xi32, #tpu.memory_space<vmem>>, vector<16xi32>,
            %swap3A_132 = arith.index_cast %and3A_76 : i32 to index
            %swap3A_133 = arith.index_cast %scan3A_114 : i32 to index
            %swap3A_134 = arith.constant 64 : index
            %swap3A_135 = tpu.vector_load %arg5[%swap3A_132, %swap3A_133, %swap3A_134] {strides = array<i32>} : memref<2x33x272xi32, #tpu.memory_space<vmem>>, vector<16xi32>,
            tpu.vector_store %arg5[%swap3A_132, %swap3A_133, %swap3A_134], %broadcast_in_dim3A_8 {strides = array<i32>} : memref<2x33x272xi32, #tpu.memory_space<vmem>>, vector<16xi32>,
            %swap3A_136 = arith.index_cast %and3A_76 : i32 to index
            %swap3A_137 = arith.index_cast %scan3A_114 : i32 to index
            %swap3A_138 = arith.constant 80 : index
            %swap3A_139 = tpu.vector_load %arg5[%swap3A_136, %swap3A_137, %swap3A_138] {strides = array<i32>} : memref<2x33x272xi32, #tpu.memory_space<vmem>>, vector<16xi32>,
            tpu.vector_store %arg5[%swap3A_136, %swap3A_137, %swap3A_138], %broadcast_in_dim3A_8 {strides = array<i32>} : memref<2x33x272xi32, #tpu.memory_space<vmem>>, vector<16xi32>,
            %swap3A_140 = arith.index_cast %and3A_76 : i32 to index
            %swap3A_141 = arith.index_cast %scan3A_114 : i32 to index
            %swap3A_142 = arith.constant 96 : index
            %swap3A_143 = tpu.vector_load %arg5[%swap3A_140, %swap3A_141, %swap3A_142] {strides = array<i32>} : memref<2x33x272xi32, #tpu.memory_space<vmem>>, vector<16xi32>,
            tpu.vector_store %arg5[%swap3A_140, %swap3A_141, %swap3A_142], %broadcast_in_dim3A_8 {strides = array<i32>} : memref<2x33x272xi32, #tpu.memory_space<vmem>>, vector<16xi32>,
            %swap3A_144 = arith.index_cast %and3A_76 : i32 to index
            %swap3A_145 = arith.index_cast %scan3A_114 : i32 to index
            %swap3A_146 = arith.constant 112 : index
            %swap3A_147 = tpu.vector_load %arg5[%swap3A_144, %swap3A_145, %swap3A_146] {strides = array<i32>} : memref<2x33x272xi32, #tpu.memory_space<vmem>>, vector<16xi32>,
            tpu.vector_store %arg5[%swap3A_144, %swap3A_145, %swap3A_146], %broadcast_in_dim3A_8 {strides = array<i32>} : memref<2x33x272xi32, #tpu.memory_space<vmem>>, vector<16xi32>,
            %swap3A_148 = arith.index_cast %and3A_76 : i32 to index
            %swap3A_149 = arith.index_cast %scan3A_114 : i32 to index
            %swap3A_150 = arith.constant 128 : index
            %swap3A_151 = tpu.vector_load %arg5[%swap3A_148, %swap3A_149, %swap3A_150] {strides = array<i32>} : memref<2x33x272xi32, #tpu.memory_space<vmem>>, vector<16xi32>,
            tpu.vector_store %arg5[%swap3A_148, %swap3A_149, %swap3A_150], %broadcast_in_dim3A_8 {strides = array<i32>} : memref<2x33x272xi32, #tpu.memory_space<vmem>>, vector<16xi32>,
            %swap3A_152 = arith.index_cast %and3A_76 : i32 to index
            %swap3A_153 = arith.index_cast %scan3A_114 : i32 to index
            %swap3A_154 = arith.constant 144 : index
            %swap3A_155 = tpu.vector_load %arg5[%swap3A_152, %swap3A_153, %swap3A_154] {strides = array<i32>} : memref<2x33x272xi32, #tpu.memory_space<vmem>>, vector<16xi32>,
            tpu.vector_store %arg5[%swap3A_152, %swap3A_153, %swap3A_154], %broadcast_in_dim3A_8 {strides = array<i32>} : memref<2x33x272xi32, #tpu.memory_space<vmem>>, vector<16xi32>,
            %swap3A_156 = arith.index_cast %and3A_76 : i32 to index
            %swap3A_157 = arith.index_cast %scan3A_114 : i32 to index
            %swap3A_158 = arith.constant 160 : index
            %swap3A_159 = tpu.vector_load %arg5[%swap3A_156, %swap3A_157, %swap3A_158] {strides = array<i32>} : memref<2x33x272xi32, #tpu.memory_space<vmem>>, vector<16xi32>,
            tpu.vector_store %arg5[%swap3A_156, %swap3A_157, %swap3A_158], %broadcast_in_dim3A_8 {strides = array<i32>} : memref<2x33x272xi32, #tpu.memory_space<vmem>>, vector<16xi32>,
            %swap3A_160 = arith.index_cast %and3A_76 : i32 to index
            %swap3A_161 = arith.index_cast %scan3A_114 : i32 to index
            %swap3A_162 = arith.constant 176 : index
            %swap3A_163 = tpu.vector_load %arg5[%swap3A_160, %swap3A_161, %swap3A_162] {strides = array<i32>} : memref<2x33x272xi32, #tpu.memory_space<vmem>>, vector<16xi32>,
            tpu.vector_store %arg5[%swap3A_160, %swap3A_161, %swap3A_162], %broadcast_in_dim3A_8 {strides = array<i32>} : memref<2x33x272xi32, #tpu.memory_space<vmem>>, vector<16xi32>,
            %swap3A_164 = arith.index_cast %and3A_76 : i32 to index
            %swap3A_165 = arith.index_cast %scan3A_114 : i32 to index
            %swap3A_166 = arith.constant 192 : index
            %swap3A_167 = tpu.vector_load %arg5[%swap3A_164, %swap3A_165, %swap3A_166] {strides = array<i32>} : memref<2x33x272xi32, #tpu.memory_space<vmem>>, vector<16xi32>,
            tpu.vector_store %arg5[%swap3A_164, %swap3A_165, %swap3A_166], %broadcast_in_dim3A_8 {strides = array<i32>} : memref<2x33x272xi32, #tpu.memory_space<vmem>>, vector<16xi32>,
            %swap3A_168 = arith.index_cast %and3A_76 : i32 to index
            %swap3A_169 = arith.index_cast %scan3A_114 : i32 to index
            %swap3A_170 = arith.constant 208 : index
            %swap3A_171 = tpu.vector_load %arg5[%swap3A_168, %swap3A_169, %swap3A_170] {strides = array<i32>} : memref<2x33x272xi32, #tpu.memory_space<vmem>>, vector<16xi32>,
            tpu.vector_store %arg5[%swap3A_168, %swap3A_169, %swap3A_170], %broadcast_in_dim3A_8 {strides = array<i32>} : memref<2x33x272xi32, #tpu.memory_space<vmem>>, vector<16xi32>,
            %swap3A_172 = arith.index_cast %and3A_76 : i32 to index
            %swap3A_173 = arith.index_cast %scan3A_114 : i32 to index
            %swap3A_174 = arith.constant 224 : index
            %swap3A_175 = tpu.vector_load %arg5[%swap3A_172, %swap3A_173, %swap3A_174] {strides = array<i32>} : memref<2x33x272xi32, #tpu.memory_space<vmem>>, vector<16xi32>,
            tpu.vector_store %arg5[%swap3A_172, %swap3A_173, %swap3A_174], %broadcast_in_dim3A_8 {strides = array<i32>} : memref<2x33x272xi32, #tpu.memory_space<vmem>>, vector<16xi32>,
            %swap3A_176 = arith.index_cast %and3A_76 : i32 to index
            %swap3A_177 = arith.index_cast %scan3A_114 : i32 to index
            %swap3A_178 = arith.constant 240 : index
            %swap3A_179 = tpu.vector_load %arg5[%swap3A_176, %swap3A_177, %swap3A_178] {strides = array<i32>} : memref<2x33x272xi32, #tpu.memory_space<vmem>>, vector<16xi32>,
            tpu.vector_store %arg5[%swap3A_176, %swap3A_177, %swap3A_178], %broadcast_in_dim3A_8 {strides = array<i32>} : memref<2x33x272xi32, #tpu.memory_space<vmem>>, vector<16xi32>,
            %swap3A_180 = arith.index_cast %and3A_76 : i32 to index
            %swap3A_181 = arith.index_cast %scan3A_114 : i32 to index
            %swap3A_182 = arith.constant 256 : index
            %swap3A_183 = tpu.vector_load %arg5[%swap3A_180, %swap3A_181, %swap3A_182] {strides = array<i32>} : memref<2x33x272xi32, #tpu.memory_space<vmem>>, vector<16xi32>,
            tpu.vector_store %arg5[%swap3A_180, %swap3A_181, %swap3A_182], %broadcast_in_dim3A_8 {strides = array<i32>} : memref<2x33x272xi32, #tpu.memory_space<vmem>>, vector<16xi32>,
            %scan3A_184 = arith.constant 0 : i32
            scf.yield %scan3A_184 : i32
          }
          %scan3A_113 = arith.constant 33 : i32
        } else {
        }
        %sub3A = arith.constant 1 : i32
        %sub3A_98 = arith.subi %sub3A, %and3A_76 : i32
        %scan3A_99 = arith.constant 0 : i32
        %scan3A_100 = arith.constant 0 : i32
        %scan3A_101 = arith.constant 32 : i32
        %scan3A_102 = arith.addi %scan3A_100, %scan3A_101 : i32
        %scan3A_103 = arith.constant 1 : i32
        %scan3A_104 = scf.for %scan3A_107 = %scan3A_100 to %scan3A_102 step %scan3A_103 iter_args(%scan3A_108 = %scan3A_99) -> (i32)  : i32 {
          %parallel_loop3A = arith.constant 0 : i32
          %parallel_loop3A_109 = arith.constant 16 : i32
          %parallel_loop3A_110 = arith.constant 1 : i32
          scf.for %parallel_loop3A_112 = %parallel_loop3A to %parallel_loop3A_109 step %parallel_loop3A_110  : i32 {
            %parallel_loop3A_113 = arith.constant 16 : i32
            %parallel_loop3A_114 = arith.muli %parallel_loop3A_112, %parallel_loop3A_113 : i32
            %parallel_loop3A_115 = arith.index_cast %sub3A_98 : i32 to index
            %parallel_loop3A_116 = arith.index_cast %scan3A_107 : i32 to index
            %parallel_loop3A_117 = arith.index_cast %parallel_loop3A_114 : i32 to index
            %parallel_loop3A_118 = tpu.vector_load %arg5[%parallel_loop3A_115, %parallel_loop3A_116, %parallel_loop3A_117] {strides = array<i32>} : memref<2x33x272xi32, #tpu.memory_space<vmem>>, vector<16xi32>,
            %parallel_loop3A_119 = arith.constant 1 : i32
            %parallel_loop3A_120 = arith.addi %parallel_loop3A_114, %parallel_loop3A_119 : i32
            %parallel_loop3A_121 = arith.index_cast %sub3A_98 : i32 to index
            %parallel_loop3A_122 = arith.index_cast %scan3A_107 : i32 to index
            %parallel_loop3A_123 = arith.index_cast %parallel_loop3A_120 : i32 to index
            %parallel_loop3A_124 = tpu.vector_load %arg5[%parallel_loop3A_121, %parallel_loop3A_122, %parallel_loop3A_123] {strides = array<i32>} : memref<2x33x272xi32, #tpu.memory_space<vmem>>, vector<16xi32>,
            %parallel_loop3A_125 = arith.constant 1 : i32
            %parallel_loop3A_126 = arith.addi %scan3A_107, %parallel_loop3A_125 : i32
            %parallel_loop3A_127 = arith.index_cast %sub3A_98 : i32 to index
            %parallel_loop3A_128 = arith.index_cast %parallel_loop3A_126 : i32 to index
            %parallel_loop3A_129 = arith.index_cast %parallel_loop3A_114 : i32 to index
            %parallel_loop3A_130 = tpu.vector_load %arg5[%parallel_loop3A_127, %parallel_loop3A_128, %parallel_loop3A_129] {strides = array<i32>} : memref<2x33x272xi32, #tpu.memory_space<vmem>>, vector<16xi32>,
            %parallel_loop3A_131 = arith.constant 1 : i32
            %parallel_loop3A_132 = arith.addi %scan3A_107, %parallel_loop3A_131 : i32
            %parallel_loop3A_133 = arith.constant 1 : i32
            %parallel_loop3A_134 = arith.addi %parallel_loop3A_114, %parallel_loop3A_133 : i32
            %parallel_loop3A_135 = arith.index_cast %sub3A_98 : i32 to index
            %parallel_loop3A_136 = arith.index_cast %parallel_loop3A_132 : i32 to index
            %parallel_loop3A_137 = arith.index_cast %parallel_loop3A_134 : i32 to index
            %parallel_loop3A_138 = tpu.vector_load %arg5[%parallel_loop3A_135, %parallel_loop3A_136, %parallel_loop3A_137] {strides = array<i32>} : memref<2x33x272xi32, #tpu.memory_space<vmem>>, vector<16xi32>,
            %parallel_loop3A_139 = arith.index_cast %and3A_76 : i32 to index
            %parallel_loop3A_140 = arith.index_cast %scan3A_107 : i32 to index
            %parallel_loop3A_141 = arith.index_cast %parallel_loop3A_114 : i32 to index
            %parallel_loop3A_142 = tpu.vector_load %arg5[%parallel_loop3A_139, %parallel_loop3A_140, %parallel_loop3A_141] {strides = array<i32>} : memref<2x33x272xi32, #tpu.memory_space<vmem>>, vector<16xi32>,
            %parallel_loop3A_143 = arith.constant 1 : i32
            %parallel_loop3A_144 = arith.addi %parallel_loop3A_114, %parallel_loop3A_143 : i32
            %parallel_loop3A_145 = arith.index_cast %and3A_76 : i32 to index
            %parallel_loop3A_146 = arith.index_cast %scan3A_107 : i32 to index
            %parallel_loop3A_147 = arith.index_cast %parallel_loop3A_144 : i32 to index
            %parallel_loop3A_148 = tpu.vector_load %arg5[%parallel_loop3A_145, %parallel_loop3A_146, %parallel_loop3A_147] {strides = array<i32>} : memref<2x33x272xi32, #tpu.memory_space<vmem>>, vector<16xi32>,
            %parallel_loop3A_149 = arith.constant 1 : i32
            %parallel_loop3A_150 = arith.addi %scan3A_107, %parallel_loop3A_149 : i32
            %parallel_loop3A_151 = arith.index_cast %and3A_76 : i32 to index
            %parallel_loop3A_152 = arith.index_cast %parallel_loop3A_150 : i32 to index
            %parallel_loop3A_153 = arith.index_cast %parallel_loop3A_114 : i32 to index
            %parallel_loop3A_154 = tpu.vector_load %arg5[%parallel_loop3A_151, %parallel_loop3A_152, %parallel_loop3A_153] {strides = array<i32>} : memref<2x33x272xi32, #tpu.memory_space<vmem>>, vector<16xi32>,
            %parallel_loop3A_155 = arith.constant 1 : i32
            %parallel_loop3A_156 = arith.addi %scan3A_107, %parallel_loop3A_155 : i32
            %parallel_loop3A_157 = arith.constant 1 : i32
            %parallel_loop3A_158 = arith.addi %parallel_loop3A_114, %parallel_loop3A_157 : i32
            %parallel_loop3A_159 = arith.index_cast %and3A_76 : i32 to index
            %parallel_loop3A_160 = arith.index_cast %parallel_loop3A_156 : i32 to index
            %parallel_loop3A_161 = arith.index_cast %parallel_loop3A_158 : i32 to index
            %parallel_loop3A_162 = tpu.vector_load %arg5[%parallel_loop3A_159, %parallel_loop3A_160, %parallel_loop3A_161] {strides = array<i32>} : memref<2x33x272xi32, #tpu.memory_space<vmem>>, vector<16xi32>,
            %parallel_loop3A_163 = arith.maxsi %parallel_loop3A_118, %parallel_loop3A_142 : vector<16xi32>
            %parallel_loop3A_164 = arith.maxsi %parallel_loop3A_130, %parallel_loop3A_154 : vector<16xi32>
            %parallel_loop3A_165 = arith.maxsi %parallel_loop3A_124, %parallel_loop3A_148 : vector<16xi32>
            %parallel_loop3A_166 = arith.maxsi %parallel_loop3A_138, %parallel_loop3A_162 : vector<16xi32>
            %parallel_loop3A_167 = arith.maxsi %parallel_loop3A_118, %parallel_loop3A_130 : vector<16xi32>
            %parallel_loop3A_168 = arith.maxsi %parallel_loop3A_124, %parallel_loop3A_138 : vector<16xi32>
            %parallel_loop3A_169 = arith.maxsi %parallel_loop3A_163, %parallel_loop3A_164 : vector<16xi32>
            %parallel_loop3A_170 = arith.maxsi %parallel_loop3A_165, %parallel_loop3A_166 : vector<16xi32>
            %parallel_loop3A_171 = arith.cmpi sgt, %parallel_loop3A_124, %parallel_loop3A_118 : vector<16xi32>
            %parallel_loop3A_172 = arith.cmpi sgt, %parallel_loop3A_165, %parallel_loop3A_163 : vector<16xi32>
            %parallel_loop3A_173 = arith.cmpi sgt, %parallel_loop3A_168, %parallel_loop3A_167 : vector<16xi32>
            %parallel_loop3A_174 = arith.cmpi sgt, %parallel_loop3A_170, %parallel_loop3A_169 : vector<16xi32>
            %parallel_loop3A_175 = arith.addi %parallel_loop3A_118, %mul3A_3 : vector<16xi32>
            tpu.vector_store_idx %arg6[%parallel_loop3A_175], %broadcast_in_dim3A_4 masked %parallel_loop3A_171 {add = true} : memref<24608xi32, #tpu.memory_space<vmem>>[vector<16xi32>], vector<16xi32>, vector<16xi1>
            %parallel_loop3A_176 = arith.addi %parallel_loop3A_124, %mul3A_3 : vector<16xi32>
            tpu.vector_store_idx %arg6[%parallel_loop3A_176], %broadcast_in_dim3A_6 masked %parallel_loop3A_171 {add = true} : memref<24608xi32, #tpu.memory_space<vmem>>[vector<16xi32>], vector<16xi32>, vector<16xi1>
            %parallel_loop3A_177 = arith.addi %parallel_loop3A_163, %mul3A_3 : vector<16xi32>
            tpu.vector_store_idx %arg6[%parallel_loop3A_177], %broadcast_in_dim3A_6 masked %parallel_loop3A_172 {add = true} : memref<24608xi32, #tpu.memory_space<vmem>>[vector<16xi32>], vector<16xi32>, vector<16xi1>
            %parallel_loop3A_178 = arith.addi %parallel_loop3A_165, %mul3A_3 : vector<16xi32>
            tpu.vector_store_idx %arg6[%parallel_loop3A_178], %broadcast_in_dim3A_4 masked %parallel_loop3A_172 {add = true} : memref<24608xi32, #tpu.memory_space<vmem>>[vector<16xi32>], vector<16xi32>, vector<16xi1>
            %parallel_loop3A_179 = arith.addi %parallel_loop3A_167, %mul3A_3 : vector<16xi32>
            tpu.vector_store_idx %arg6[%parallel_loop3A_179], %broadcast_in_dim3A_6 masked %parallel_loop3A_173 {add = true} : memref<24608xi32, #tpu.memory_space<vmem>>[vector<16xi32>], vector<16xi32>, vector<16xi1>
            %parallel_loop3A_180 = arith.addi %parallel_loop3A_168, %mul3A_3 : vector<16xi32>
            tpu.vector_store_idx %arg6[%parallel_loop3A_180], %broadcast_in_dim3A_4 masked %parallel_loop3A_173 {add = true} : memref<24608xi32, #tpu.memory_space<vmem>>[vector<16xi32>], vector<16xi32>, vector<16xi1>
            %parallel_loop3A_181 = arith.addi %parallel_loop3A_169, %mul3A_3 : vector<16xi32>
            tpu.vector_store_idx %arg6[%parallel_loop3A_181], %broadcast_in_dim3A_4 masked %parallel_loop3A_174 {add = true} : memref<24608xi32, #tpu.memory_space<vmem>>[vector<16xi32>], vector<16xi32>, vector<16xi1>
            %parallel_loop3A_182 = arith.addi %parallel_loop3A_170, %mul3A_3 : vector<16xi32>
            tpu.vector_store_idx %arg6[%parallel_loop3A_182], %broadcast_in_dim3A_6 masked %parallel_loop3A_174 {add = true} : memref<24608xi32, #tpu.memory_space<vmem>>[vector<16xi32>], vector<16xi32>, vector<16xi1>
          } {sc.loop_unroll_factor = 4 : i64, sc.parallel_access}
          %scan3A_111 = arith.constant 0 : i32
          scf.yield %scan3A_111 : i32
        }
        %scan3A_105 = arith.constant 32 : i32
        %scan3A_106 = arith.constant 0 : i32
        scf.yield %scan3A_106 : i32
      }
      %scan3A_72 = arith.constant 8 : i32
      %scan3A_73 = arith.constant 0 : i32
      scf.yield %scan3A_73 : i32
    }
    %scan3A_24 = arith.constant 8 : i32
    %scan3A_25 = arith.constant 0 : i32
    %scan3A_26 = arith.constant 0 : i32
    %scan3A_27 = arith.constant 64 : i32
    %scan3A_28 = arith.addi %scan3A_26, %scan3A_27 : i32
    %scan3A_29 = arith.constant 1 : i32
    %scan3A_30 = scf.for %scan3A_32 = %scan3A_26 to %scan3A_28 step %scan3A_29 iter_args(%scan3A_33 = %scan3A_25) -> (i32)  : i32 {
      %mul3A_34 = arith.constant 16 : i32
      %mul3A_35 = arith.muli %scan3A_32, %mul3A_34 : i32
      %add3A_36 = arith.constant 0 : i32
      %add3A_37 = arith.addi %add3A_36, %mul3A_35 : i32
      %get3A = arith.index_cast %add3A_37 : i32 to index
      %get3A_38 = tpu.vector_load %arg6[%get3A] {strides = array<i32>} : memref<24608xi32, #tpu.memory_space<vmem>>, vector<16xi32>,
      %add3A_39 = arith.addi %broadcast_in_dim3A_10, %get3A_38 : vector<16xi32>
      %mul3A_40 = arith.constant 16 : i32
      %mul3A_41 = arith.muli %scan3A_32, %mul3A_40 : i32
      %add3A_42 = arith.constant 1537 : i32
      %add3A_43 = arith.addi %add3A_42, %mul3A_41 : i32
      %get3A_44 = arith.index_cast %add3A_43 : i32 to index
      %get3A_45 = tpu.vector_load %arg6[%get3A_44] {strides = array<i32>} : memref<24608xi32, #tpu.memory_space<vmem>>, vector<16xi32>,
      %add3A_46 = arith.addi %add3A_39, %get3A_45 : vector<16xi32>
      %mul3A_47 = arith.constant 16 : i32
      %mul3A_48 = arith.muli %scan3A_32, %mul3A_47 : i32
      %add3A_49 = arith.constant 3074 : i32
      %add3A_50 = arith.addi %add3A_49, %mul3A_48 : i32
      %get3A_51 = arith.index_cast %add3A_50 : i32 to index
      %get3A_52 = tpu.vector_load %arg6[%get3A_51] {strides = array<i32>} : memref<24608xi32, #tpu.memory_space<vmem>>, vector<16xi32>,
      %add3A_53 = arith.addi %add3A_46, %get3A_52 : vector<16xi32>
      %mul3A_54 = arith.constant 16 : i32
      %mul3A_55 = arith.muli %scan3A_32, %mul3A_54 : i32
      %add3A_56 = arith.constant 4611 : i32
      %add3A_57 = arith.addi %add3A_56, %mul3A_55 : i32
      %get3A_58 = arith.index_cast %add3A_57 : i32 to index
      %get3A_59 = tpu.vector_load %arg6[%get3A_58] {strides = array<i32>} : memref<24608xi32, #tpu.memory_space<vmem>>, vector<16xi32>,
      %add3A_60 = arith.addi %add3A_53, %get3A_59 : vector<16xi32>
      %mul3A_61 = arith.constant 16 : i32
      %mul3A_62 = arith.muli %scan3A_32, %mul3A_61 : i32
      %add3A_63 = arith.constant 6148 : i32
      %add3A_64 = arith.addi %add3A_63, %mul3A_62 : i32
      %get3A_65 = arith.index_cast %add3A_64 : i32 to index
      %get3A_66 = tpu.vector_load %arg6[%get3A_65] {strides = array<i32>} : memref<24608xi32, #tpu.memory_space<vmem>>, vector<16xi32>,
      %add3A_67 = arith.addi %add3A_60, %get3A_66 : vector<16xi32>
      %mul3A_68 = arith.constant 16 : i32
      %mul3A_69 = arith.muli %scan3A_32, %mul3A_68 : i32
      %add3A_70 = arith.constant 7685 : i32
      %add3A_71 = arith.addi %add3A_70, %mul3A_69 : i32
      %get3A_72 = arith.index_cast %add3A_71 : i32 to index
      %get3A_73 = tpu.vector_load %arg6[%get3A_72] {strides = array<i32>} : memref<24608xi32, #tpu.memory_space<vmem>>, vector<16xi32>,
      %add3A_74 = arith.addi %add3A_67, %get3A_73 : vector<16xi32>
      %mul3A_75 = arith.constant 16 : i32
      %mul3A_76 = arith.muli %scan3A_32, %mul3A_75 : i32
      %add3A_77 = arith.constant 9222 : i32
      %add3A_78 = arith.addi %add3A_77, %mul3A_76 : i32
      %get3A_79 = arith.index_cast %add3A_78 : i32 to index
      %get3A_80 = tpu.vector_load %arg6[%get3A_79] {strides = array<i32>} : memref<24608xi32, #tpu.memory_space<vmem>>, vector<16xi32>,
      %add3A_81 = arith.addi %add3A_74, %get3A_80 : vector<16xi32>
      %mul3A_82 = arith.constant 16 : i32
      %mul3A_83 = arith.muli %scan3A_32, %mul3A_82 : i32
      %add3A_84 = arith.constant 10759 : i32
      %add3A_85 = arith.addi %add3A_84, %mul3A_83 : i32
      %get3A_86 = arith.index_cast %add3A_85 : i32 to index
      %get3A_87 = tpu.vector_load %arg6[%get3A_86] {strides = array<i32>} : memref<24608xi32, #tpu.memory_space<vmem>>, vector<16xi32>,
      %add3A_88 = arith.addi %add3A_81, %get3A_87 : vector<16xi32>
      %mul3A_89 = arith.constant 16 : i32
      %mul3A_90 = arith.muli %scan3A_32, %mul3A_89 : i32
      %add3A_91 = arith.constant 12296 : i32
      %add3A_92 = arith.addi %add3A_91, %mul3A_90 : i32
      %get3A_93 = arith.index_cast %add3A_92 : i32 to index
      %get3A_94 = tpu.vector_load %arg6[%get3A_93] {strides = array<i32>} : memref<24608xi32, #tpu.memory_space<vmem>>, vector<16xi32>,
      %add3A_95 = arith.addi %add3A_88, %get3A_94 : vector<16xi32>
      %mul3A_96 = arith.constant 16 : i32
      %mul3A_97 = arith.muli %scan3A_32, %mul3A_96 : i32
      %add3A_98 = arith.constant 13833 : i32
      %add3A_99 = arith.addi %add3A_98, %mul3A_97 : i32
      %get3A_100 = arith.index_cast %add3A_99 : i32 to index
      %get3A_101 = tpu.vector_load %arg6[%get3A_100] {strides = array<i32>} : memref<24608xi32, #tpu.memory_space<vmem>>, vector<16xi32>,
      %add3A_102 = arith.addi %add3A_95, %get3A_101 : vector<16xi32>
      %mul3A_103 = arith.constant 16 : i32
      %mul3A_104 = arith.muli %scan3A_32, %mul3A_103 : i32
      %add3A_105 = arith.constant 15370 : i32
      %add3A_106 = arith.addi %add3A_105, %mul3A_104 : i32
      %get3A_107 = arith.index_cast %add3A_106 : i32 to index
      %get3A_108 = tpu.vector_load %arg6[%get3A_107] {strides = array<i32>} : memref<24608xi32, #tpu.memory_space<vmem>>, vector<16xi32>,
      %add3A_109 = arith.addi %add3A_102, %get3A_108 : vector<16xi32>
      %mul3A_110 = arith.constant 16 : i32
      %mul3A_111 = arith.muli %scan3A_32, %mul3A_110 : i32
      %add3A_112 = arith.constant 16907 : i32
      %add3A_113 = arith.addi %add3A_112, %mul3A_111 : i32
      %get3A_114 = arith.index_cast %add3A_113 : i32 to index
      %get3A_115 = tpu.vector_load %arg6[%get3A_114] {strides = array<i32>} : memref<24608xi32, #tpu.memory_space<vmem>>, vector<16xi32>,
      %add3A_116 = arith.addi %add3A_109, %get3A_115 : vector<16xi32>
      %mul3A_117 = arith.constant 16 : i32
      %mul3A_118 = arith.muli %scan3A_32, %mul3A_117 : i32
      %add3A_119 = arith.constant 18444 : i32
      %add3A_120 = arith.addi %add3A_119, %mul3A_118 : i32
      %get3A_121 = arith.index_cast %add3A_120 : i32 to index
      %get3A_122 = tpu.vector_load %arg6[%get3A_121] {strides = array<i32>} : memref<24608xi32, #tpu.memory_space<vmem>>, vector<16xi32>,
      %add3A_123 = arith.addi %add3A_116, %get3A_122 : vector<16xi32>
      %mul3A_124 = arith.constant 16 : i32
      %mul3A_125 = arith.muli %scan3A_32, %mul3A_124 : i32
      %add3A_126 = arith.constant 19981 : i32
      %add3A_127 = arith.addi %add3A_126, %mul3A_125 : i32
      %get3A_128 = arith.index_cast %add3A_127 : i32 to index
      %get3A_129 = tpu.vector_load %arg6[%get3A_128] {strides = array<i32>} : memref<24608xi32, #tpu.memory_space<vmem>>, vector<16xi32>,
      %add3A_130 = arith.addi %add3A_123, %get3A_129 : vector<16xi32>
      %mul3A_131 = arith.constant 16 : i32
      %mul3A_132 = arith.muli %scan3A_32, %mul3A_131 : i32
      %add3A_133 = arith.constant 21518 : i32
      %add3A_134 = arith.addi %add3A_133, %mul3A_132 : i32
      %get3A_135 = arith.index_cast %add3A_134 : i32 to index
      %get3A_136 = tpu.vector_load %arg6[%get3A_135] {strides = array<i32>} : memref<24608xi32, #tpu.memory_space<vmem>>, vector<16xi32>,
      %add3A_137 = arith.addi %add3A_130, %get3A_136 : vector<16xi32>
      %mul3A_138 = arith.constant 16 : i32
      %mul3A_139 = arith.muli %scan3A_32, %mul3A_138 : i32
      %add3A_140 = arith.constant 23055 : i32
      %add3A_141 = arith.addi %add3A_140, %mul3A_139 : i32
      %get3A_142 = arith.index_cast %add3A_141 : i32 to index
      %get3A_143 = tpu.vector_load %arg6[%get3A_142] {strides = array<i32>} : memref<24608xi32, #tpu.memory_space<vmem>>, vector<16xi32>,
      %add3A_144 = arith.addi %add3A_137, %get3A_143 : vector<16xi32>
      %mul3A_145 = arith.constant 16 : i32
      %mul3A_146 = arith.muli %scan3A_32, %mul3A_145 : i32
      %swap3A_147 = arith.index_cast %mul3A_146 : i32 to index
      %swap3A_148 = tpu.vector_load %arg7[%swap3A_147] {strides = array<i32>} : memref<1024xi32, #tpu.memory_space<vmem>>, vector<16xi32>,
      tpu.vector_store %arg7[%swap3A_147], %add3A_144 {strides = array<i32>} : memref<1024xi32, #tpu.memory_space<vmem>>, vector<16xi32>,
      %scan3A_149 = arith.constant 0 : i32
      scf.yield %scan3A_149 : i32
    }
    %scan3A_31 = arith.constant 64 : i32
    "tpu.region"() ({
      %run_scoped3A = tpu.sem_alloc : memref<!tpu.dma_semaphore, #tpu.memory_space<semaphore_mem>>
      %dma_start3A = arith.constant 0 : i32
      %dma_start3A_32 = tpu.memref_slice %arg3[%add3A, %dma_start3A] : memref<32x1024xi32, #tpu.memory_space<hbm>> -> memref<1x1024xi32, #tpu.memory_space<hbm>>
      %dma_start3A_33 = tpu.memref_squeeze %dma_start3A_32 : memref<1x1024xi32, #tpu.memory_space<hbm>> -> memref<1024xi32, #tpu.memory_space<hbm>>
      %dma_start3A_34 = arith.constant 0 : i32
      %dma_start3A_35 = tpu.memref_slice %arg3[%add3A, %dma_start3A_34] : memref<32x1024xi32, #tpu.memory_space<hbm>> -> memref<1x1024xi32, #tpu.memory_space<hbm>>
      %dma_start3A_36 = tpu.memref_squeeze %dma_start3A_35 : memref<1x1024xi32, #tpu.memory_space<hbm>> -> memref<1024xi32, #tpu.memory_space<hbm>>
      tpu.enqueue_dma source(%arg7 : memref<1024xi32, #tpu.memory_space<vmem>>) target(%dma_start3A_36 : memref<1024xi32, #tpu.memory_space<hbm>>) target_semaphore(%run_scoped3A : memref<!tpu.dma_semaphore, #tpu.memory_space<semaphore_mem>>)
      %dma_wait3A = arith.constant 0 : i32
      %dma_wait3A_37 = tpu.memref_slice %arg3[%add3A, %dma_wait3A] : memref<32x1024xi32, #tpu.memory_space<hbm>> -> memref<1x1024xi32, #tpu.memory_space<hbm>>
      %dma_wait3A_38 = tpu.memref_squeeze %dma_wait3A_37 : memref<1x1024xi32, #tpu.memory_space<hbm>> -> memref<1024xi32, #tpu.memory_space<hbm>>
      %dma_wait3A_39 = arith.constant 0 : i32
      %dma_wait3A_40 = tpu.memref_slice %arg3[%add3A, %dma_wait3A_39] : memref<32x1024xi32, #tpu.memory_space<hbm>> -> memref<1x1024xi32, #tpu.memory_space<hbm>>
      %dma_wait3A_41 = tpu.memref_squeeze %dma_wait3A_40 : memref<1x1024xi32, #tpu.memory_space<hbm>> -> memref<1024xi32, #tpu.memory_space<hbm>>
      tpu.wait_dma2 semaphore(%run_scoped3A : memref<!tpu.dma_semaphore, #tpu.memory_space<semaphore_mem>>) src(%arg7 : memref<1024xi32, #tpu.memory_space<vmem>>) dst(%dma_wait3A_41 : memref<1024xi32, #tpu.memory_space<hbm>>)
      tpu.yield
    }) : () -> ()
    return
  }
}

</mosaic_0001>

<sc_bundles>
// kernel: kernel.4.cloned.1.call-start
scs
__scs_entry_jumppad:
0x0: {  	(pc) =	sbr.rel $0x88, $3  }
0x1: {  	(tag) =	ssettag $0x0;
	lr =	simm.s32 $0x1  }
0x2: {  	[smem:$0x3FA0] =	sst lr;
	_ =	strace $0xD0000000  }
0x3: {  	_ = 	snop  }
0x4: {  	_ = 	snop  }
0x5: {  	_ = 	snop  }
0x6: {  	_ = 	snop  }
0x7: {  	_ = 	snop  }
__scs_overlays_trampoline_lowered:
0x8: {  	[smem:$0x3FAF] =	sst s0  }
0x9: {  	[smem:$0x3FB0] =	sst s1  }
0xa: {  	[smem:$0x3FB1] =	sst s2  }
0xb: {  	[smem:$0x3FB2] =	sst s3  }
0xc: {  	[smem:$0x3FB3] =	sst s4  }
0xd: {  	[smem:$0x3FB4] =	sst s5  }
0xe: {  	[smem:$0x3FB5] =	sst s6  }
0xf: {  	[smem:$0x3FB6] =	sst s7  }
0x10: {  	[smem:$0x3FB7] =	sst s8  }
0x11: {  	[smem:$0x3FB8] =	sst s9;
	s0 =	simm.s32 @!p0 $0x0  }
0x12: {  	s1 =	sld [smem:$0x3F9E];
	s0 =	simm.s32 @p0 $0x1  }
0x13: {  	[smem:$0x3FB9] =	sst s0;
	s0 =	simm.s32 @!p1 $0x0  }
0x14: {  	s2 =	sld [smem:$0x3F9D];
	s0 =	simm.s32 @p1 $0x1  }
0x15: {  	[smem:$0x3FBA] =	sst s0;
	s0 =	simm.s32 @!p2 $0x0  }
0x16: {  	s3 =	sld [smem:$0x3FDB];
	s0 =	simm.s32 @p2 $0x1  }
0x17: {  	s4 =	simm.s32 $0x1BF5;
	[smem:$0x3FBC] =	sst s0  }
0x18: {  	s0 =	sld [smem:$0x3F9F];
	_ =	swait.ge [sflag:s4], $0x0  }
0x19: {  	s7 =	sld [smem:$0x3FA0]  }
0x1a: {  	s8 =	sadd.s32 $0xFFFFE003, lr  }
0x1b: {  	s9 =	sadd.s32 $0xFFFFFEF7, lr;
	s5 =	simm.s32 $0xFFFFFFFF;
	p2 =	slt.u32 s8, $0xFFFFF086  }
0x1c: {  	p1 =	slt.u32 s9, $0xF7A;
	s5 =	simm.s32 @!p2 $0x0  }
0x1d: {  	s5 =	simm.s32 @p1 $0x1;
	p0 =	seq.s32 s7, s2  }
0x1e: {  	s7 =	smul.u32 @!p0 $0xF7A, s2;
	p2 =	seq.s32 @!p0 s5, $0x0  }
0x1f: {  	s9 =	smul.u32 $0xF7A, s1;
	s8 =	simm.s32 @!p0 $0x1BF5;
	p2 =	por !p2, p0  }
0x20: {  	[sflag:s8] =	ssyncset.s32 @!p0 $0xFFFFF086;
	s6 =	sadd.s32 @!p0 s3, s7;
	s7 =	simm.s32 @!p0 $0x108  }
0x21: {  	s3 =	sadd.s32 s3, s9;
	s6 =	sadd.s32 @!p0 $0x88, s6;
	s7 =	simm.s32 @p2 $0x1082  }
0x22: {  	[simem:s7], [sflag:s8] =	dma.local @!p0 [hbm:s6], $0xF7A  }
0x23: {  	s9 =	sor.u32 $0xD0000000, s2;
	s6 =	simm.s32 $0x108;
	_ =	swait.ge @!p0 [sflag:s8], $0x0  }
0x24: {  	s3 =	sadd.s32 $0x88, s3;
	s6 =	simm.s32 @!p1 $0x1082;
	[sflag:s4] =	ssyncset.s32 $0xFFFFF086  }
0x25: {  	[simem:s6], [sflag:s4] =	dma.local [hbm:s3], $0xF7A  }
0x26: {  	[smem:$0x3FA0] =	sst s1;
	(tag) =	ssettag s2;
	_ =	strace s9  }
0x27: {  	s1 =	sld [smem:$0x3FB0]  }
0x28: {  	s2 =	sld [smem:$0x3FB1]  }
0x29: {  	s4 =	sld [smem:$0x3FB3]  }
0x2a: {  	p0 =	seq.s32 s5, $0x0;
	s5 =	sld [smem:$0x3FB4]  }
0x2b: {  	s6 =	sld [smem:$0x3FB5]  }
0x2c: {  	s7 =	sld [smem:$0x3FB6]  }
0x2d: {  	s3 =	simm.s32 $0x108;
	s8 =	sld [smem:$0x3FB7]  }
0x2e: {  	s3 =	simm.s32 @!p0 $0x1082;
	s9 =	sld [smem:$0x3FB8]  }
0x2f: {  	lr =	sadd.s32 s0, s3;
	s0 =	sld [smem:$0x3FAF]  }
0x30: {  	s3 =	sld [smem:$0x3FB2]  }
0x31: {  	[smem:$0x3FBB] =	sst s10  }
0x32: {  	s10 =	sld [smem:$0x3FB9];
	_ =	sdelay $0x3  }
0x33: {  	p0 =	seq.s32 s10, $0x1;
	s10 =	sld [smem:$0x3FBB];
	_ =	sdelay $0x3  }
0x34: {  	[smem:$0x3FBB] =	sst s10  }
0x35: {  	s10 =	sld [smem:$0x3FBA];
	_ =	sdelay $0x3  }
0x36: {  	p1 =	seq.s32 s10, $0x1;
	s10 =	sld [smem:$0x3FBB];
	_ =	sdelay $0x3  }
0x37: {  	[smem:$0x3FBB] =	sst s10  }
0x38: {  	s10 =	sld [smem:$0x3FBC]  }
0x39: {  	_ = 	snop;
	(pc) =	sbr.ind lr, $3  }
0x3a: {  	_ = 	snop  }
0x3b: {  	_ = 	snop  }
0x3c: {  	p2 =	seq.s32 s10, $0x1;
	s10 =	sld [smem:$0x3FBB]  }
0x3d: {  	_ =	shalt  }
0x3e: {  	_ =	shalt  }
0x3f: {  	_ =	shalt  }
0x40: {  	_ =	shalt  }
0x41: {  	_ =	shalt  }
0x42: {  	_ =	shalt  }
0x43: {  	_ =	shalt  }
0x44: {  	_ =	shalt  }
0x45: {  	_ =	shalt  }
0x46: {  	_ =	shalt  }
0x47: {  	_ =	shalt  }
0x48: {  	_ =	shalt  }
0x49: {  	_ =	shalt  }
0x4a: {  	_ =	shalt  }
0x4b: {  	_ =	shalt  }
0x4c: {  	_ =	shalt  }
0x4d: {  	_ =	shalt  }
0x4e: {  	_ =	shalt  }
0x4f: {  	_ =	shalt  }
0x50: {  	_ =	shalt  }
0x51: {  	_ =	shalt  }
0x52: {  	_ =	shalt  }
0x53: {  	_ =	shalt  }
0x54: {  	_ =	shalt  }
0x55: {  	_ =	shalt  }
0x56: {  	_ =	shalt  }
0x57: {  	_ =	shalt  }
0x58: {  	_ =	shalt  }
0x59: {  	_ =	shalt  }
0x5a: {  	_ =	shalt  }
0x5b: {  	_ =	shalt  }
0x5c: {  	_ =	shalt  }
0x5d: {  	_ =	shalt  }
0x5e: {  	_ =	shalt  }
0x5f: {  	_ =	shalt  }
0x60: {  	_ =	shalt  }
0x61: {  	_ =	shalt  }
0x62: {  	_ =	shalt  }
0x63: {  	_ =	shalt  }
0x64: {  	_ =	shalt  }
0x65: {  	_ =	shalt  }
0x66: {  	_ =	shalt  }
0x67: {  	_ =	shalt  }
0x68: {  	_ =	shalt  }
0x69: {  	_ =	shalt  }
0x6a: {  	_ =	shalt  }
0x6b: {  	_ =	shalt  }
0x6c: {  	_ =	shalt  }
0x6d: {  	_ =	shalt  }
0x6e: {  	_ =	shalt  }
0x6f: {  	_ =	shalt  }
0x70: {  	_ =	shalt  }
0x71: {  	_ =	shalt  }
0x72: {  	_ =	shalt  }
0x73: {  	_ =	shalt  }
0x74: {  	_ =	shalt  }
0x75: {  	_ =	shalt  }
0x76: {  	_ =	shalt  }
0x77: {  	_ =	shalt  }
0x78: {  	_ =	shalt  }
0x79: {  	_ =	shalt  }
0x7a: {  	_ =	shalt  }
0x7b: {  	_ =	shalt  }
0x7c: {  	_ =	shalt  }
0x7d: {  	_ =	shalt  }
0x7e: {  	_ =	shalt  }
0x7f: {  	_ =	shalt  }
0x80: {  	_ =	shalt  }
0x81: {  	_ =	shalt  }
0x82: {  	_ =	shalt  }
0x83: {  	_ =	shalt  }
0x84: {  	_ =	shalt  }
0x85: {  	_ =	shalt  }
0x86: {  	_ =	shalt  }
0x87: {  	_ =	shalt  }
.Lfunc_end0:
.L_simem_size_0:
called_computation.1_lowered:
.L_overlay_start_0:
0x88: {  	s2 =	sld [smem:$0x3FD9]  }
0x89: {  	s3 =	sld [smem:$0x3FFE];
	_ =	sdelay $0x1  }
0x8a: {  	s1 =	srdreg.scid  }
0x8b: {  	s0 =	sand.u32 $0x1, s1  }
0x8c: {  	s16 =	sshll.u32 s0, $0xA;
	s2 =	sadd.s32 s3, s2  }
0x8d: {  	s2 =	sadd.s32 s2, s16  }
0x8e: {  	[smem:$0x3FC7] =	sst s2  }
0x8f: {  	_ = 	snop  }
0x90: {  	(tm) =	ssettm $0x1  }
0x91: {  	s17 =	sld [smem:$0x3FFB];
	_ =	sdelay $0x3  }
0x92: {  	_ =	strace s17  }
0x93: {  	s2 =	sld [smem:$0x3FFC];
	_ =	sdelay $0x3  }
0x94: {  	_ =	strace s2  }
0x95: {  	s2 =	sld [smem:$0x3FFD];
	_ =	sdelay $0x3  }
0x96: {  	_ =	strace s2  }
0x97: {  	_ =	strace $0x8FFFFFFF  }
0x98: {  	s18 =	sld [smem:$0x3FDB];
	_ =	sdelay $0x1  }
0x99: {  	s19 =	simm.s32 $_scs_section_size  }
0x9a: {  	s4 =	simm.s32 $_size__tile_overlayer_lowered;
	s5 =	simm.s32 $_tile_overlayer_lowered  }
0x9b: {  	s22 =	simm.s32 $0x1BFF;
	s21 =	sshll.u32 s5, $0x1;
	s2 =	sadd.s32 s19, s18  }
0x9c: {  	s6 =	simm.s32 $0x0;
	s20 =	sshll.u32 s4, $0x1;
	s4 =	sadd.s32 s21, s2  }
0x9d: {  	[timem:s6], [sflag:s22] =	dma.local [hbm:s4], s20  }
0x9e: {  	_ =	swait.ge [sflag:s22], s20  }
0x9f: {  	s3 =	ssub.s32 $0x0, s20;
	[sflag:s22] =	ssyncset.done $0x0  }
0xa0: {  	[sflag:s22] =	ssyncadd.s32 s3;
	_ =	sdelay $0x1  }
0xa1: {  	s23 =	simm.s32 $0x1B8B  }
0xa2: {  	_ =	swait.ge [sflag:s23], $0x1  }
0xa3: {  	[sflag:s23] =	ssyncset.done $0x0  }
0xa4: {  	s25 =	simm.s32 $0x1B8E;
	s24 =	sld [smem:$0x3FFE];
	[sflag:s23] =	ssyncadd.s32 $0xFFFFFFFF  }
0xa5: {  	s26 =	simm.s32 $execute0_lowered;
	[smem:$0x3FD2] =	sst s25  }
0xa6: {  	s4 =	sshll.u32 s26, $0x1;
	_ =	strace $0x80000049;
	[dreg:$0x1] =	wrdreg $0xFFFFFFFF  }
0xa7: {  	s28 =	simm.s32 $_size_execute0_lowered;
	s2 =	sadd.s32 s2, s4;
	[dreg:$0x0] =	wrdreg $0x0  }
0xa8: {  	s4 =	sshll.u32 s28, $0x1;
	[dreg:$0x2] =	wrdreg s2  }
0xa9: {  	[dreg:$0x3] =	wrdreg s4  }
0xaa: {  	[dreg:$0x4] =	wrdreg $0xC0  }
0xab: {  	_ =	task [dreg:s6], $0x5FFFF  }
0xac: {  	[dreg:$0x1] =	wrdreg $0xFFFFFFFF  }
0xad: {  	[dreg:$0x0] =	wrdreg $0x60  }
0xae: {  	[dreg:$0x2] =	wrdreg s24  }
0xaf: {  	[dreg:$0x3] =	wrdreg $0x9  }
0xb0: {  	_ =	task.clear_ibuf [dreg:s6], $0x4FFFF;
	_ =	strace $0x90000049  }
0xb1: {  	s29 =	simm.s32 $0x9;
	_ =	strace $0x8000004B  }
0xb2: {  	_ =	swait.ge [sflag:s29], $0x1  }
0xb3: {  	[sflag:s29] =	ssyncadd.s32 $0xFFFFFFFF  }
0xb4: {  	_ =	strace $0x9000004B  }
0xb5: {  	_ =	sfence  }
0xb6: {  	s30 =	sld [smem:$0x0];
	_ =	sdelay $0x2  }
0xb7: {  	s31 =	sshll.u32 s1, $0xD;
	s1 =	sshrl.u32 s1, $0x2  }
0xb8: {  	s3 =	sand.u32 $0x4000, s31;
	s1 =	sadd.s32 s1, s30  }
0xb9: {  	s0 =	sor.u32 s3, s0;
	s1 =	sshll.u32 s1, $0x11  }
0xba: {  	s0 =	sor.u32 s1, s0  }
0xbb: {  	s0 =	sadd.s32 $0x8F2B, s0  }
0xbc: {  	[sflag:s0] =	ssyncadd.remote.s32 $0x1  }
0xbd: {  	_ =	sfence.sel $0xFFFF  }
0xbe: {  	[dreg:$0x0] =	wrdreg $0xFFFFFFFF;
	(pc) =	sbr.abs _section_cstart, $3  }
0xbf: {  	[dreg:$0x1] =	wrdreg $0xFFFFFFFF  }
0xc0: {  	_ =	task.clear_ibuf [dreg:s6], $0x2FFFF;
	_ =	strace $0x9FFFFFFF  }
0xc1: {  	(tm) =	ssettm $0x7FFFFFFF  }
tec
execute0_lowered:
.L_overlay_start_1:
0x0: {  	(tag) =	ssettag $0x1  }
0x1: {  	s6 =	rddreg [dreg:$0x0]  }
0x2: {  	s0 =	rddreg [dreg:$0x1]  }
0x3: {  	s2 =	simm.s32 $0x0;
	s3 =	srdreg.scid;
	s1 =	stileid.u32  }
0x4: {  	s12 =	simm.s32 $0x8820;
	s13 =	simm.s32 $0xE840;
	s14 =	simm.s32 $0x2  }
0x5: {  	[smem:$0x7FF] =	sst s2;
	s3 =	sand.u32 $0x1, s3;
	s4 =	sshll.u32 s1, $0x1  }
0x6: {  	s15 =	simm.s32 $0x0;
	_ =	strace $0x8000004A;
	s4 =	sor.u32 s3, s4  }
0x7: {  	s5 =	ssub.s32 $0x2, s3;
	s3 =	sadd.s32 $0xC00, s6;
	s7 =	sshll.u32 s4, $0x7  }
0x8: {  	s8 =	sshrl.u32 s5, $0x1;
	s31 =	sshll.u32 s4, $0x10;
	s10 =	sadd.s32 s7, s6  }
0x9: {  	s11 =	ssub.s32 s5, s8;
	s5 =	sadd.s32 s3, s31;
	s6 =	sadd.s32 $0x2800, s6  }
0xa: {  	v0 =	vimm.s32 $0x0;
	v1 =	vimm.s32 $0x5FF;
	v2 =	vlaneseq.u32;
	s4 =	sshll.u32 s4, $0x3;
	s7 =	sadd.s32 $0x2000, s5;
	s8 =	sadd.s32 s31, s6  }
0xb: {  	v3 =	vimm.s32 $0x1;
	v4 =	vimm.s32 $0xFFFFFFFF;
	v2 =	vmul.u32 $0x601, v2;
	s9 =	sadd.s32 $0x3C00, s5;
	s10 =	sadd.s32 $0x200C00, s10;
	s11 =	smax.u32 s11, $0x1  }
.LBB2_1:
0xc: {  	s16 =	simm.s32 $0x0;
	s17 =	simm.s32 $0x200  }
.LBB2_2:
0xd: {  	p0 =	sne.s32 s17, $0x17E00;
	[tilespmem:s16+$0x8890] =	vst v0  }
0xe: {  	[tilespmem:s16+$0x8820] =	vst v0  }
0xf: {  	[tilespmem:s16+$0x8830] =	vst v0  }
.Ltmp0:
0x10: {  	[tilespmem:s16+$0x8840] =	vst v0;
	(pc) =	sbr.rel @p0 .LBB2_2-.Ltmp0, $4  }
0x11: {  	[tilespmem:s16+$0x8850] =	vst v0  }
0x12: {  	[tilespmem:s16+$0x8860] =	vst v0  }
0x13: {  	[tilespmem:s16+$0x8870] =	vst v0  }
0x14: {  	[tilespmem:s16+$0x8880] =	vst v0;
	s16 =	sshra.s32 s17, $0x2;
	s17 =	sadd.s32 $0x200, s17  }
0x15: {  	[tilespmem:s16+$0x8890] =	vst v0  }
0x16: {  	[tilespmem:s16+$0x8820] =	vst v0  }
0x17: {  	[tilespmem:s16+$0x8830] =	vst v0  }
0x18: {  	[tilespmem:s16+$0x8840] =	vst v0  }
.Ltmp1:
0x19: {  	[tilespmem:s16+$0x8850] =	vst v0;
	(pc) =	sbr.rel .LBB2_4-.Ltmp1, $4  }
0x1a: {  	[tilespmem:s16+$0x8860] =	vst v0  }
0x1b: {  	[tilespmem:s16+$0x8870] =	vst v0  }
0x1c: {  	[tilespmem:s16+$0x8880] =	vst v0  }
0x1d: {  	s16 =	simm.s32 $0x0;
	[tilespmem:$0xE820] =	vst v0  }
.LBB2_27:
0x1e: {  	s16 =	sadd.s32 $0x1, s16  }
0x1f: {  	p0 =	sne.s32 s16, $0x8  }
.Ltmp2:
0x20: {  	_ = 	snop;
	(pc) =	sbr.rel @!p0 .LBB2_28-.Ltmp2, $1  }
0x21: {  	_ =	sdelay $0x3  }
.LBB2_4:
0x22: {  	p0 =	seq.s32 s16, $0x7  }
0x23: {  	s17 =	simm.s32 @p0 $0x0;
	s18 =	simm.s32 @p0 $0x1  }
0x24: {  	[tilespmem:s17], [sflag:$0x1] =	stream.linear.gather @p0 [hbm4b:s8+s17], $0x2000, $0x38;
	[tilespmem:$0xEC40] =	vst v63  }
0x25: {  	_ =	swait.ge @p0 [sflag:s18], $0x2000  }
0x26: {  	[sflag:s18] =	ssyncset.done @p0 $0x0  }
0x27: {  	[sflag:s18] =	ssyncadd.s32 @p0 $0xFFFFE000;
	s18 =	simm.s32 @p0 $0x2100  }
0x28: {  	[tilespmem:s18], [sflag:$0x1] =	stream.linear.gather @p0 [hbm4b:s9+s17], $0x2000, $0x38;
	[tilespmem:$0xEC40] =	vst v63  }
0x29: {  	s17 =	sshll.u32 @!p0 s16, $0xA  }
0x2a: {  	s19 =	simm.s32 @!p0 $0x0;
	s18 =	sadd.s32 @!p0 s17, s5  }
0x2b: {  	[tilespmem:s19], [sflag:$0x1] =	stream.linear.gather @!p0 [hbm4b:s18+s19], $0x2100, $0x38;
	[tilespmem:$0xEC40] =	vst v63  }
0x2c: {  	s18 =	simm.s32 @!p0 $0x1  }
0x2d: {  	_ =	swait.ge @!p0 [sflag:s18], $0x2100  }
0x2e: {  	[sflag:s18] =	ssyncset.done @!p0 $0x0  }
0x2f: {  	s17 =	sadd.s32 @!p0 s17, s7;
	[sflag:s18] =	ssyncadd.s32 @!p0 $0xFFFFDF00;
	s18 =	simm.s32 @!p0 $0x2100  }
0x30: {  	[tilespmem:s18], [sflag:$0x1] =	stream.linear.gather @!p0 [hbm4b:s17+s19], $0x2100, $0x38;
	[tilespmem:$0xEC40] =	vst v63  }
0x31: {  	s17 =	simm.s32 @!p0 $0x21  }
0x32: {  	s18 =	simm.s32 @!p0 $0x0;
	s17 =	simm.s32 @p0 $0x20  }
0x33: {  	s19 =	simm.s32 $0x80;
	s18 =	simm.s32 @p0 $0x1;
	p0 =	sne.s32 s17, $0x1  }
.Ltmp3:
0x34: {  	v15 =	vld [tilespmem:s19+$0xFFFFFF80];
	(pc) =	sbr.rel @!p0 .LBB2_5-.Ltmp3, $4  }
0x35: {  	v16 =	vld [tilespmem:s19+$0xFFFFFF90];
	[smem:$0x7FC] =	sst s18  }
0x36: {  	v14 =	vld [tilespmem:s19+$0xFFFFFFA0];
	s20 =	simm.s32 @!p0 $0x0  }
0x37: {  	p2 =	por $0x0, $0x0;
	v13 =	vld [tilespmem:s19+$0xFFFFFFB0];
	s20 =	simm.s32 @p0 $0x1  }
0x38: {  	s18 =	simm.s32 $0x4280;
	s17 =	sadd.s32 $0xFFFFFFFF, s17;
	v11 =	vld [tilespmem:s19+$0x70];
	[smem:$0x7FD] =	sst s20  }
0x39: {  	v6 =	vld [tilespmem:s19+$0xFFFFFFC0]  }
0x3a: {  	v5 =	vmul.f32 $1.023000000e+03, v15;
	v8 =	vld [tilespmem:s19+$0xFFFFFFD0]  }
0x3b: {  	v12 =	vld [tilespmem:s19+$0xFFFFFFE0];
	v7 =	vmul.f32 $1.023000000e+03, v16  }
0x3c: {  	v15 =	vld [tilespmem:s19+$0x0];
	v9 =	vtrunc.f32 v5;
	v10 =	vmul.f32 $1.023000000e+03, v14  }
0x3d: {  	v18 =	vld [tilespmem:s19+$0x30];
	vm0 =	vgt.f32 v5, v9;
	v5 =	vtrunc.f32 v7;
	v13 =	vmul.f32 $1.023000000e+03, v13  }
0x3e: {  	v22 =	vld [tilespmem:s19+$0x50];
	v24 =	vcvt.f32.s32 v9;
	vm1 =	vgt.f32 v7, v5;
	v7 =	vtrunc.f32 v10  }
0x3f: {  	v16 =	vld [tilespmem:s19+$0x10];
	v11 =	vmul.f32 $1.023000000e+03, v11;
	v27 =	vcvt.f32.s32 v5  }
0x40: {  	vm2 =	vgt.f32 v10, v7;
	v10 =	vtrunc.f32 v13;
	v6 =	vmul.f32 $1.023000000e+03, v6  }
0x41: {  	v14 =	vld [tilespmem:s19+$0xFFFFFFF0];
	v8 =	vmul.f32 $1.023000000e+03, v8;
	v12 =	vmul.f32 $1.023000000e+03, v12  }
0x42: {  	v15 =	vmul.f32 $1.023000000e+03, v15;
	v18 =	vmul.f32 $1.023000000e+03, v18  }
0x43: {  	v22 =	vmul.f32 $1.023000000e+03, v22;
	v28 =	vcvt.f32.s32 v7;
	v31 =	vsel vm1, $0x1, v0  }
0x44: {  	vm3 =	vgt.f32 v13, v10;
	v17 =	vtrunc.f32 v11;
	v16 =	vmul.f32 $1.023000000e+03, v16  }
0x45: {  	v10 =	vcvt.f32.s32 v10;
	v33 =	vsel vm2, $0x1, v0;
	v19 =	vcvt.f32.s32 v17  }
0x46: {  	vm4 =	vgt.f32 v11, v17;
	v11 =	vtrunc.f32 v6;
	v14 =	vmul.f32 $1.023000000e+03, v14  }
0x47: {  	v27 =	vadd.s32 v27, v31;
	v21 =	vtrunc.f32 v8;
	v23 =	vtrunc.f32 v22  }
0x48: {  	v28 =	vadd.s32 v28, v33;
	v20 =	vsel vm4, $0x1, v0;
	vm4 =	vgt.f32 v6, v11  }
0x49: {  	v6 =	vtrunc.f32 v12;
	vm5 =	vgt.f32 v8, v21;
	v11 =	vcvt.f32.s32 v11  }
0x4a: {  	v13 =	vld [tilespmem:s19+$0x20];
	vm13 =	vgt.f32 v22, v23;
	v9 =	vcvt.f32.s32 v23;
	v19 =	vadd.s32 v19, v20  }
0x4b: {  	v8 =	vtrunc.f32 v14;
	vm6 =	vgt.f32 v12, v6;
	v12 =	vtrunc.f32 v15  }
0x4c: {  	v17 =	vld [tilespmem:s19+$0x40];
	v29 =	vcvt.f32.s32 v6;
	v34 =	vsel vm5, $0x1, v0;
	v26 =	vsel vm13, $0x1, v0  }
0x4d: {  	vm7 =	vgt.f32 v14, v8;
	v14 =	vtrunc.f32 v16;
	vm8 =	vgt.f32 v15, v12  }
0x4e: {  	v30 =	vcvt.f32.s32 v8;
	v12 =	vcvt.f32.s32 v12;
	v35 =	vsel vm6, $0x1, v0  }
0x4f: {  	v20 =	vld [tilespmem:s19+$0x60];
	v13 =	vmul.f32 $1.023000000e+03, v13;
	vm10 =	vgt.f32 v16, v14;
	v16 =	vtrunc.f32 v18  }
0x50: {  	v32 =	vcvt.f32.s32 v14;
	v36 =	vsel vm7, $0x1, v0;
	v37 =	vsel vm8, $0x1, v0  }
0x51: {  	v17 =	vmul.f32 $1.023000000e+03, v17;
	vm11 =	vgt.f32 v18, v16;
	v8 =	vcvt.f32.s32 v16  }
0x52: {  	v38 =	vsel vm10, $0x1, v0;
	v12 =	vadd.s32 v12, v37;
	v15 =	vtrunc.f32 v13  }
0x53: {  	v23 =	vsel vm11, $0x1, v0;
	vm9 =	vgt.f32 v13, v15;
	v13 =	vtrunc.f32 v17  }
0x54: {  	v20 =	vmul.f32 $1.023000000e+03, v20;
	v5 =	vcvt.f32.s32 v15;
	vm12 =	vgt.f32 v17, v13  }
0x55: {  	p4 =	sne.s32 s17, $0x1;
	s19 =	simm.s32 $0x180;
	v17 =	vcvt.f32.s32 v21;
	v21 =	vsel vm0, $0x1, v0;
	v6 =	vcvt.f32.s32 v13  }
.Ltmp4:
0x56: {  	[tilespmem:s18+$0x80] =	vst v1;
	v15 =	vld [tilespmem:s19+$0xFFFFFF80];
	v13 =	vsel vm3, $0x1, v0;
	v18 =	vtrunc.f32 v20;
	v22 =	vsel vm12, $0x1, v0;
	(pc) =	sbr.rel @!p4 .LBB2_7-.Ltmp4, $4  }
0x57: {  	[tilespmem:s18+$0x70] =	vst v19;
	v16 =	vld [tilespmem:s19+$0xFFFFFF90];
	v19 =	vadd.s32 v24, v21;
	v21 =	vadd.s32 v10, v13;
	v10 =	vadd.s32 v32, v38  }
0x58: {  	[tilespmem:s18+$0xFFFFFF90] =	vst v27;
	v14 =	vld [tilespmem:s19+$0xFFFFFFA0];
	vm14 =	vgt.f32 v20, v18;
	v7 =	vcvt.f32.s32 v18;
	v18 =	vsel vm4, $0x1, v0  }
0x59: {  	s22 =	sadd.s32 $0xFFFFFFFF, s17;
	v13 =	vld [tilespmem:s19+$0xFFFFFFB0];
	v20 =	vsel vm9, $0x1, v0;
	[tilespmem:s18+$0xFFFFFF80] =	vst v19;
	v19 =	vadd.s32 v17, v34;
	v17 =	vadd.s32 v30, v36  }
0x5a: {  	p3 =	por $0x1, $0x1;
	s21 =	simm.s32 $0x4280;
	s20 =	simm.s32 $0x4280;
	[tilespmem:s18+$0xFFFFFFA0] =	vst v28;
	v25 =	vsel vm14, $0x1, v0;
	v24 =	vadd.s32 v11, v18;
	v18 =	vadd.s32 v29, v35;
	v11 =	vld [tilespmem:s19+$0x70]  }
.LBB2_8:
0x5b: {  	p4 =	sne.s32 s22, $0x1;
	v15 =	vmul.f32 $1.023000000e+03, v15;
	v27 =	vld [tilespmem:s19+$0xFFFFFFC0];
	v5 =	vadd.s32 v5, v20;
	v8 =	vadd.s32 v8, v23;
	[tilespmem:s21+$0xFFFFFFB0] =	vst v21  }
0x5c: {  	v6 =	vadd.s32 v6, v22;
	v9 =	vadd.s32 v9, v26;
	v16 =	vmul.f32 $1.023000000e+03, v16;
	v20 =	vld [tilespmem:s19+$0xFFFFFFD0];
	[tilespmem:s21+$0xFFFFFFC0] =	vst v24  }
0x5d: {  	v7 =	vadd.s32 v7, v25;
	v21 =	vtrunc.f32 v15;
	v14 =	vmul.f32 $1.023000000e+03, v14;
	v22 =	vld [tilespmem:s19+$0xFFFFFFE0];
	[tilespmem:s21+$0xFFFFFFD0] =	vst v19  }
0x5e: {  	vm0 =	vgt.f32 v15, v21;
	v15 =	vtrunc.f32 v16;
	v13 =	vmul.f32 $1.023000000e+03, v13;
	v19 =	vld [tilespmem:s19+$0xFFFFFFF0];
	[tilespmem:s21+$0xFFFFFFE0] =	vst v18  }
0x5f: {  	vm1 =	vgt.f32 v16, v15;
	v16 =	vtrunc.f32 v14;
	v18 =	vld [tilespmem:s19+$0x0];
	v11 =	vmul.f32 $1.023000000e+03, v11;
	[tilespmem:s21+$0xFFFFFFF0] =	vst v17  }
0x60: {  	vm2 =	vgt.f32 v14, v16;
	v14 =	vtrunc.f32 v13;
	v17 =	vmul.f32 $1.023000000e+03, v27;
	v23 =	vld [tilespmem:s19+$0x10];
	[tilespmem:s21+$0x0] =	vst v12  }
0x61: {  	vm3 =	vgt.f32 v13, v14;
	v12 =	vmul.f32 $1.023000000e+03, v20;
	v13 =	vld [tilespmem:s19+$0x20];
	v20 =	vtrunc.f32 v11;
	[tilespmem:s21+$0x10] =	vst v10  }
0x62: {  	v10 =	vmul.f32 $1.023000000e+03, v22;
	v22 =	vld [tilespmem:s19+$0x30];
	v24 =	vcvt.f32.s32 v20;
	vm4 =	vgt.f32 v11, v20;
	[tilespmem:s21+$0x20] =	vst v5  }
0x63: {  	v5 =	vtrunc.f32 v17;
	v11 =	vmul.f32 $1.023000000e+03, v19;
	v19 =	vld [tilespmem:s19+$0x40];
	v20 =	vsel vm4, $0x1, v0;
	[tilespmem:s21+$0x30] =	vst v8  }
0x64: {  	v8 =	vtrunc.f32 v12;
	s21 =	sadd.s32 $0x110, s21;
	v18 =	vmul.f32 $1.023000000e+03, v18;
	v25 =	vld [tilespmem:s19+$0x50];
	v20 =	vadd.s32 v24, v20;
	[tilespmem:s20+$0x40] =	vst v6  }
0x65: {  	vm4 =	vgt.f32 v17, v5;
	v6 =	vtrunc.f32 v10;
	v17 =	vmul.f32 $1.023000000e+03, v23;
	v23 =	vld [tilespmem:s19+$0x60];
	[tilespmem:s21+$0x70] =	vst v20  }
0x66: {  	vm5 =	vgt.f32 v12, v8;
	v12 =	vtrunc.f32 v11;
	v13 =	vmul.f32 $1.023000000e+03, v13;
	[tilespmem:s20+$0x50] =	vst v9  }
0x67: {  	vm6 =	vgt.f32 v10, v6;
	v9 =	vtrunc.f32 v18;
	v10 =	vmul.f32 $1.023000000e+03, v22;
	[tilespmem:s20+$0x60] =	vst v7;
	s20 =	smov.u32 s21  }
0x68: {  	vm7 =	vgt.f32 v11, v12;
	v7 =	vtrunc.f32 v17;
	v11 =	vmul.f32 $1.023000000e+03, v19;
	[tilespmem:s21+$0x80] =	vst v1  }
0x69: {  	vm8 =	vgt.f32 v18, v9;
	v18 =	vtrunc.f32 v13;
	v19 =	vmul.f32 $1.023000000e+03, v25  }
0x6a: {  	vm9 =	vgt.f32 v17, v7;
	v17 =	vtrunc.f32 v10;
	v20 =	vmul.f32 $1.023000000e+03, v23  }
0x6b: {  	vm10 =	vgt.f32 v13, v18;
	v13 =	vtrunc.f32 v11;
	v22 =	vtrunc.f32 v19  }
0x6c: {  	v21 =	vcvt.f32.s32 v21;
	vm11 =	vgt.f32 v10, v17;
	v10 =	vtrunc.f32 v20  }
0x6d: {  	v27 =	vcvt.f32.s32 v16;
	v24 =	vcvt.f32.s32 v15;
	vm12 =	vgt.f32 v11, v13  }
0x6e: {  	v28 =	vcvt.f32.s32 v5;
	v11 =	vcvt.f32.s32 v14;
	vm13 =	vgt.f32 v19, v22  }
0x6f: {  	v29 =	vcvt.f32.s32 v6;
	v19 =	vcvt.f32.s32 v8;
	vm14 =	vgt.f32 v20, v10  }
0x70: {  	v12 =	vcvt.f32.s32 v12;
	v30 =	vcvt.f32.s32 v9;
	v14 =	vsel vm0, $0x1, v0  }
0x71: {  	v31 =	vsel vm1, $0x1, v0;
	v32 =	vcvt.f32.s32 v7;
	v5 =	vcvt.f32.s32 v18  }
0x72: {  	v18 =	vsel vm2, $0x1, v0;
	v6 =	vcvt.f32.s32 v13;
	v8 =	vcvt.f32.s32 v17  }
0x73: {  	v13 =	vsel vm3, $0x1, v0;
	v9 =	vcvt.f32.s32 v22;
	v7 =	vcvt.f32.s32 v10  }
0x74: {  	v33 =	vsel vm6, $0x1, v0;
	v17 =	vsel vm5, $0x1, v0;
	v10 =	vsel vm4, $0x1, v0  }
0x75: {  	s19 =	sadd.s32 $0x100, s19;
	v34 =	vsel vm7, $0x1, v0;
	v35 =	vsel vm8, $0x1, v0;
	v36 =	vsel vm9, $0x1, v0  }
.Ltmp5:
0x76: {  	v23 =	vsel vm11, $0x1, v0;
	v22 =	vsel vm12, $0x1, v0;
	v20 =	vsel vm10, $0x1, v0;
	v15 =	vld [tilespmem:s19+$0xFFFFFF80];
	(pc) =	sbr.rel @p4 .LBB2_8-.Ltmp5, $4  }
0x77: {  	v37 =	vadd.s32 v21, v14;
	v26 =	vsel vm13, $0x1, v0;
	v25 =	vsel vm14, $0x1, v0;
	v16 =	vld [tilespmem:s19+$0xFFFFFF90]  }
0x78: {  	v31 =	vadd.s32 v24, v31;
	v27 =	vadd.s32 v27, v18;
	v21 =	vadd.s32 v11, v13;
	v14 =	vld [tilespmem:s19+$0xFFFFFFA0];
	[tilespmem:s21+$0xFFFFFF80] =	vst v37  }
0x79: {  	v18 =	vadd.s32 v29, v33;
	v24 =	vadd.s32 v28, v10;
	v19 =	vadd.s32 v19, v17;
	v13 =	vld [tilespmem:s19+$0xFFFFFFB0];
	[tilespmem:s21+$0xFFFFFF90] =	vst v31  }
0x7a: {  	s22 =	sadd.s32 $0xFFFFFFFF, s22;
	v17 =	vadd.s32 v12, v34;
	v12 =	vadd.s32 v30, v35;
	v10 =	vadd.s32 v32, v36;
	v11 =	vld [tilespmem:s19+$0x70];
	[tilespmem:s21+$0xFFFFFFA0] =	vst v27  }
.LBB2_9:
0x7b: {  	v27 =	vld [tilespmem:s19+$0xFFFFFFC0]  }
0x7c: {  	v44 =	vld [tilespmem:s19+$0xFFFFFFD0]  }
0x7d: {  	v46 =	vld [tilespmem:s19+$0xFFFFFFE0]  }
0x7e: {  	v48 =	vld [tilespmem:s19+$0xFFFFFFF0]  }
0x7f: {  	v15 =	vmul.f32 $1.023000000e+03, v15;
	v28 =	vld [tilespmem:s19+$0x0]  }
0x80: {  	v29 =	vld [tilespmem:s19+$0x10];
	v16 =	vmul.f32 $1.023000000e+03, v16  }
0x81: {  	v52 =	vld [tilespmem:s19+$0x20];
	v45 =	vtrunc.f32 v15;
	v14 =	vmul.f32 $1.023000000e+03, v14  }
0x82: {  	v54 =	vld [tilespmem:s19+$0x30];
	v47 =	vtrunc.f32 v16;
	v13 =	vmul.f32 $1.023000000e+03, v13  }
0x83: {  	[tilespmem:s21+$0xFFFFFFB0] =	vst @p3 v21;
	v58 =	vld [tilespmem:s19+$0x40];
	v42 =	vcvt.f32.s32 v45;
	v49 =	vtrunc.f32 v14  }
0x84: {  	v5 =	vadd.s32 @p3 v5, v20;
	[tilespmem:s21+$0xFFFFFFC0] =	vst @p3 v24;
	v31 =	vld [tilespmem:s19+$0x50];
	v11 =	vmul.f32 $1.023000000e+03, v11;
	v50 =	vtrunc.f32 v13  }
0x85: {  	v8 =	vadd.s32 @p3 v8, v23;
	[tilespmem:s21+$0xFFFFFFD0] =	vst @p3 v19;
	v32 =	vld [tilespmem:s19+$0x60];
	v27 =	vmul.f32 $1.023000000e+03, v27;
	v51 =	vmul.f32 $1.023000000e+03, v44  }
0x86: {  	v6 =	vadd.s32 @p3 v6, v22;
	[tilespmem:s21+$0xFFFFFFE0] =	vst @p3 v18;
	v53 =	vmul.f32 $1.023000000e+03, v46;
	v57 =	vmul.f32 $1.023000000e+03, v48  }
0x87: {  	v9 =	vadd.s32 @p3 v9, v26;
	[tilespmem:s21+$0xFFFFFFF0] =	vst @p3 v17;
	v28 =	vmul.f32 $1.023000000e+03, v28;
	v63 =	vmul.f32 $1.023000000e+03, v29  }
0x88: {  	v7 =	vadd.s32 @p3 v7, v25;
	[tilespmem:s21+$0x0] =	vst @p3 v12;
	v20 =	vmul.f32 $1.023000000e+03, v52;
	v35 =	vmul.f32 $1.023000000e+03, v54  }
0x89: {  	[tilespmem:s21+$0x10] =	vst @p3 v10;
	vm0 =	vgt.f32 v15, v45;
	v37 =	vmul.f32 $1.023000000e+03, v58;
	v38 =	vmul.f32 $1.023000000e+03, v31  }
0x8a: {  	[tilespmem:s21+$0x20] =	vst @p3 v5;
	vm1 =	vgt.f32 v16, v47;
	v40 =	vmul.f32 $1.023000000e+03, v32;
	v44 =	vcvt.f32.s32 v47  }
0x8b: {  	[tilespmem:s21+$0x30] =	vst @p3 v8;
	vm2 =	vgt.f32 v14, v49;
	v45 =	vcvt.f32.s32 v49;
	v30 =	vtrunc.f32 v11  }
0x8c: {  	[tilespmem:s20+$0x60] =	vst @p3 v7;
	v46 =	vsel vm0, $0x1, v0;
	v7 =	vcvt.f32.s32 v50;
	v55 =	vcvt.f32.s32 v30  }
0x8d: {  	v47 =	vsel vm1, $0x1, v0;
	v56 =	vtrunc.f32 v27;
	v60 =	vtrunc.f32 v51  }
0x8e: {  	vm3 =	vgt.f32 v13, v50;
	v62 =	vtrunc.f32 v53;
	v33 =	vtrunc.f32 v57  }
0x8f: {  	v13 =	vadd.s32 v42, v46;
	v34 =	vtrunc.f32 v28;
	v36 =	vtrunc.f32 v63  }
0x90: {  	v48 =	vsel vm2, $0x1, v0;
	v5 =	vtrunc.f32 v20;
	v39 =	vtrunc.f32 v35  }
0x91: {  	[tilespmem:s20+$0x40] =	vst @p3 v6;
	vm4 =	vgt.f32 v11, v30;
	v6 =	vtrunc.f32 v37;
	v41 =	vtrunc.f32 v38  }
0x92: {  	s19 =	sadd.s32 @p3 $0x110, s21;
	[tilespmem:s20+$0x50] =	vst @p3 v9;
	v43 =	vtrunc.f32 v40;
	v9 =	vadd.s32 v44, v47;
	v50 =	vsel vm3, $0x1, v0  }
0x93: {  	s18 =	smov.u32 @p3 s19;
	v14 =	vadd.s32 v45, v48;
	v59 =	vsel vm4, $0x1, v0;
	vm4 =	vgt.f32 v27, v56  }
0x94: {  	[tilespmem:s18+$0x80] =	vst v1;
	vm5 =	vgt.f32 v51, v60;
	vm6 =	vgt.f32 v53, v62;
	vm7 =	vgt.f32 v57, v33  }
0x95: {  	[tilespmem:s18+$0xFFFFFF80] =	vst v13;
	vm8 =	vgt.f32 v28, v34;
	vm9 =	vgt.f32 v63, v36;
	vm10 =	vgt.f32 v20, v5  }
0x96: {  	vm11 =	vgt.f32 v35, v39;
	vm12 =	vgt.f32 v37, v6;
	v11 =	vcvt.f32.s32 v56;
	[tilespmem:s18+$0xFFFFFF90] =	vst v9  }
0x97: {  	vm14 =	vgt.f32 v38, v41;
	v49 =	vcvt.f32.s32 v60;
	v7 =	vadd.s32 v7, v50;
	[tilespmem:s18+$0xFFFFFFA0] =	vst v14  }
0x98: {  	v51 =	vcvt.f32.s32 v62;
	v61 =	vadd.s32 v55, v59;
	v52 =	vsel vm4, $0x1, v0;
	[tilespmem:s18+$0xFFFFFFB0] =	vst v7  }
0x99: {  	vm15 =	vgt.f32 v40, v43;
	v53 =	vsel vm5, $0x1, v0;
	[tilespmem:s18+$0x70] =	vst v61;
	v11 =	vadd.s32 v11, v52  }
0x9a: {  	v5 =	vcvt.f32.s32 v5;
	v54 =	vsel vm6, $0x1, v0;
	v13 =	vadd.s32 v49, v53;
	[tilespmem:s18+$0xFFFFFFC0] =	vst v11  }
0x9b: {  	v6 =	vcvt.f32.s32 v6;
	v59 =	vsel vm10, $0x1, v0;
	v9 =	vadd.s32 v51, v54;
	[tilespmem:s18+$0xFFFFFFD0] =	vst v13  }
0x9c: {  	v7 =	vcvt.f32.s32 v33;
	v62 =	vsel vm12, $0x1, v0;
	v5 =	vadd.s32 v5, v59;
	[tilespmem:s18+$0xFFFFFFE0] =	vst v9  }
0x9d: {  	v55 =	vcvt.f32.s32 v34;
	v56 =	vsel vm7, $0x1, v0;
	v6 =	vadd.s32 v6, v62;
	[tilespmem:s18+$0x20] =	vst v5  }
0x9e: {  	v10 =	vcvt.f32.s32 v36;
	v57 =	vsel vm8, $0x1, v0;
	v7 =	vadd.s32 v7, v56;
	[tilespmem:s18+$0x40] =	vst v6  }
0x9f: {  	v58 =	vsel vm9, $0x1, v0;
	v11 =	vadd.s32 v55, v57;
	[tilespmem:s18+$0xFFFFFFF0] =	vst v7;
	v7 =	vcvt.f32.s32 v39  }
0xa0: {  	v60 =	vsel vm11, $0x1, v0;
	v61 =	vcvt.f32.s32 v41;
	v9 =	vadd.s32 v10, v58;
	[tilespmem:s18+$0x0] =	vst v11  }
0xa1: {  	v63 =	vsel vm14, $0x1, v0;
	v5 =	vcvt.f32.s32 v43;
	[tilespmem:s18+$0x10] =	vst v9;
	v7 =	vadd.s32 v7, v60  }
0xa2: {  	v8 =	vadd.s32 v61, v63;
	[tilespmem:s18+$0x30] =	vst v7;
	v7 =	vsel vm15, $0x1, v0  }
0xa3: {  	p3 =	sne.s32 s16, $0x7;
	[tilespmem:s18+$0x50] =	vst v8;
	v5 =	vadd.s32 v5, v7  }
0xa4: {  	[tilespmem:s18+$0x60] =	vst v5;
	v5 =	vimm.s32 @!p3 $0x5FF  }
0xa5: {  	[tilespmem:$0x6400] =	vst @!p3 v5  }
0xa6: {  	[tilespmem:$0x6410] =	vst @!p3 v5  }
0xa7: {  	[tilespmem:$0x6420] =	vst @!p3 v5  }
0xa8: {  	[tilespmem:$0x6430] =	vst @!p3 v5  }
0xa9: {  	[tilespmem:$0x6440] =	vst @!p3 v5  }
0xaa: {  	[tilespmem:$0x6450] =	vst @!p3 v5  }
0xab: {  	[tilespmem:$0x6460] =	vst @!p3 v5  }
0xac: {  	[tilespmem:$0x6470] =	vst @!p3 v5  }
0xad: {  	[tilespmem:$0x6480] =	vst @!p3 v5  }
0xae: {  	[tilespmem:$0x6490] =	vst @!p3 v5  }
0xaf: {  	[tilespmem:$0x64A0] =	vst @!p3 v5  }
0xb0: {  	[tilespmem:$0x64B0] =	vst @!p3 v5  }
0xb1: {  	[tilespmem:$0x64C0] =	vst @!p3 v5  }
0xb2: {  	[tilespmem:$0x64D0] =	vst @!p3 v5  }
0xb3: {  	[tilespmem:$0x64E0] =	vst @!p3 v5  }
0xb4: {  	s31 =	sshll.u32 s16, $0xA;
	[tilespmem:$0x64F0] =	vst @!p3 v5  }
0xb5: {  	p4 =	por $0x1, $0x1;
	s19 =	simm.s32 $0x1;
	s18 =	sadd.s32 s3, s31;
	[tilespmem:$0x6500] =	vst @!p3 v5  }
.LBB2_10:
0xb6: {  	s23 =	sadd.s32 s4, s19  }
0xb7: {  	p5 =	sgt.u32 s23, $0xFF  }
0xb8: {  	p6 =	seq.s32 @!p5 s16, $0x7  }
0xb9: {  	p1 =	por !p6, p5  }
0xba: {  	s20 =	simm.s32 @!p1 $0x1  }
0xbb: {  	_ =	swait.ge @!p1 [sflag:s20], $0x2000  }
0xbc: {  	p0 =	por p6, p5;
	p6 =	seq.s32 s19, $0x8;
	[sflag:s20] =	ssyncset.done @!p1 $0x0  }
0xbd: {  	[sflag:s20] =	ssyncadd.s32 @!p1 $0xFFFFE000;
	p1 =	sgt.u32 @!p6 s23, $0xFE  }
0xbe: {  	s22 =	simm.s32 $0x1;
	p1 =	por p6, p1  }
.Ltmp6:
0xbf: {  	s22 =	simm.s32 @!p4 $0x0;
	(pc) =	sbr.rel @p1 .LBB2_12-.Ltmp6, $4  }
0xc0: {  	s21 =	smul.u32 $0x8C40, s22;
	s24 =	simm.s32 @!p0 $0x1  }
0xc1: {  	_ =	swait.ge @!p0 [sflag:s24], $0x2100  }
0xc2: {  	s20 =	sshrl.u32 s21, $0x2;
	[sflag:s24] =	ssyncset.done @!p0 $0x0  }
0xc3: {  	s21 =	sadd.s32 $0x4280, s20;
	[sflag:s24] =	ssyncadd.s32 @!p0 $0xFFFFDF00;
	s24 =	sand.u32 $0x1, s19  }
0xc4: {  	s26 =	sld [smem:$0x7FC];
	_ =	sdelay $0x2  }
0xc5: {  	s25 =	sxor.u32 @!p6 $0x1, s24;
	p0 =	seq.s32 s26, $0x1  }
0xc6: {  	s26 =	smul.u32 @p0 $0x8400, s25  }
0xc7: {  	s23 =	sadd.s32 @!p6 $0x1, s23;
	s25 =	smul.u32 @!p0 $0x8400, s25  }
.Ltmp7:
0xc8: {  	s28 =	sshll.u32 @p0 s23, $0xD;
	s29 =	simm.s32 @p0 $0x0;
	(pc) =	sbr.rel .LBB2_13-.Ltmp7, $4  }
0xc9: {  	s23 =	sshll.u32 @!p0 s23, $0xD;
	s28 =	sadd.s32 @p0 s28, s6;
	s26 =	sshrl.u32 @p0 s26, $0x2  }
0xca: {  	[tilespmem:s26], [sflag:$0x1] =	stream.linear.gather @p0 [hbm4b:s28+s29], $0x2000, $0x38;
	[tilespmem:$0xEC40] =	vst v63  }
0xcb: {  	s23 =	sadd.s32 @!p0 s23, s18;
	s25 =	sshrl.u32 @!p0 s25, $0x2;
	s26 =	simm.s32 @!p0 $0x0  }
0xcc: {  	[tilespmem:s25], [sflag:$0x1] =	stream.linear.gather @!p0 [hbm4b:s23+s26], $0x2100, $0x38;
	[tilespmem:$0xEC40] =	vst v63  }
.LBB2_12:
.Ltmp8:
0xcd: {  	(pc) =	sbr.rel @p5 .LBB2_19-.Ltmp8, $2  }
0xce: {  	_ =	sdelay $0x2  }
0xcf: {  	s23 =	simm.s32 $0x0  }
.LBB2_13:
0xd0: {  	s22 =	smul.u32 $0x8400, s22;
	s31 =	sld [smem:$0x7FD]  }
0xd1: {  	_ = 	snop  }
0xd2: {  	s22 =	sshrl.u32 s22, $0x2  }
0xd3: {  	s23 =	sor.u32 $0x80, s22;
	p0 =	seq.s32 s31, $0x1  }
.Ltmp9:
0xd4: {  	v18 =	vld [tilespmem:s23+$0xFFFFFF80];
	(pc) =	sbr.rel @!p0 .LBB2_14-.Ltmp9, $4  }
0xd5: {  	v17 =	vld [tilespmem:s23+$0xFFFFFF90]  }
0xd6: {  	s30 =	smul.u32 $0x8C40, s24;
	v14 =	vld [tilespmem:s23+$0xFFFFFFA0]  }
0xd7: {  	v13 =	vld [tilespmem:s23+$0xFFFFFFB0]  }
0xd8: {  	p5 =	por $0x0, $0x0;
	s22 =	sshrl.u32 s30, $0x2;
	v11 =	vld [tilespmem:s23+$0x70]  }
0xd9: {  	v6 =	vld [tilespmem:s23+$0xFFFFFFC0]  }
0xda: {  	v5 =	vmul.f32 $1.023000000e+03, v18;
	v8 =	vld [tilespmem:s23+$0xFFFFFFD0]  }
0xdb: {  	v12 =	vld [tilespmem:s23+$0xFFFFFFE0];
	v7 =	vmul.f32 $1.023000000e+03, v17  }
0xdc: {  	v15 =	vld [tilespmem:s23+$0x0];
	v9 =	vtrunc.f32 v5  }
0xdd: {  	v16 =	vld [tilespmem:s23+$0x10];
	v10 =	vmul.f32 $1.023000000e+03, v14;
	vm0 =	vgt.f32 v5, v9;
	v5 =	vtrunc.f32 v7  }
0xde: {  	v18 =	vld [tilespmem:s23+$0x30];
	v13 =	vmul.f32 $1.023000000e+03, v13;
	v24 =	vcvt.f32.s32 v9  }
0xdf: {  	v22 =	vld [tilespmem:s23+$0x50];
	vm1 =	vgt.f32 v7, v5;
	v7 =	vtrunc.f32 v10;
	v11 =	vmul.f32 $1.023000000e+03, v11  }
0xe0: {  	v27 =	vcvt.f32.s32 v5;
	vm2 =	vgt.f32 v10, v7;
	v10 =	vtrunc.f32 v13  }
0xe1: {  	v6 =	vmul.f32 $1.023000000e+03, v6;
	v8 =	vmul.f32 $1.023000000e+03, v8  }
0xe2: {  	v14 =	vld [tilespmem:s23+$0xFFFFFFF0];
	v12 =	vmul.f32 $1.023000000e+03, v12;
	v15 =	vmul.f32 $1.023000000e+03, v15  }
0xe3: {  	v16 =	vmul.f32 $1.023000000e+03, v16;
	v18 =	vmul.f32 $1.023000000e+03, v18  }
0xe4: {  	v22 =	vmul.f32 $1.023000000e+03, v22;
	v28 =	vcvt.f32.s32 v7  }
0xe5: {  	v32 =	vsel vm1, $0x1, v0;
	vm3 =	vgt.f32 v13, v10;
	v17 =	vtrunc.f32 v11  }
0xe6: {  	v10 =	vcvt.f32.s32 v10;
	v27 =	vadd.s32 v27, v32;
	v19 =	vcvt.f32.s32 v17  }
0xe7: {  	vm4 =	vgt.f32 v11, v17;
	v11 =	vtrunc.f32 v6;
	v14 =	vmul.f32 $1.023000000e+03, v14  }
0xe8: {  	v21 =	vtrunc.f32 v8;
	v23 =	vtrunc.f32 v22;
	v20 =	vsel vm4, $0x1, v0  }
0xe9: {  	vm4 =	vgt.f32 v6, v11;
	v6 =	vtrunc.f32 v12;
	vm5 =	vgt.f32 v8, v21  }
0xea: {  	v11 =	vcvt.f32.s32 v11;
	vm13 =	vgt.f32 v22, v23;
	v29 =	vcvt.f32.s32 v21  }
0xeb: {  	v13 =	vld [tilespmem:s23+$0x20];
	v21 =	vsel vm0, $0x1, v0;
	v9 =	vcvt.f32.s32 v23;
	v19 =	vadd.s32 v19, v20  }
0xec: {  	v8 =	vtrunc.f32 v14;
	vm6 =	vgt.f32 v12, v6;
	v12 =	vtrunc.f32 v15  }
0xed: {  	v17 =	vld [tilespmem:s23+$0x40];
	v30 =	vcvt.f32.s32 v6;
	v34 =	vsel vm5, $0x1, v0;
	v26 =	vsel vm13, $0x1, v0  }
0xee: {  	vm7 =	vgt.f32 v14, v8;
	v14 =	vtrunc.f32 v16;
	vm8 =	vgt.f32 v15, v12  }
0xef: {  	v20 =	vld [tilespmem:s23+$0x60];
	v31 =	vcvt.f32.s32 v8;
	v12 =	vcvt.f32.s32 v12;
	v35 =	vsel vm6, $0x1, v0  }
0xf0: {  	[tilespmem:s21+$0x70] =	vst v19;
	v19 =	vadd.s32 v24, v21;
	v13 =	vmul.f32 $1.023000000e+03, v13;
	vm10 =	vgt.f32 v16, v14  }
0xf1: {  	v16 =	vtrunc.f32 v18;
	v33 =	vcvt.f32.s32 v14;
	v36 =	vsel vm7, $0x1, v0  }
0xf2: {  	v37 =	vsel vm8, $0x1, v0;
	[tilespmem:s21+$0xFFFFFF80] =	vst v19;
	v19 =	vadd.s32 v29, v34;
	v17 =	vmul.f32 $1.023000000e+03, v17  }
0xf3: {  	vm11 =	vgt.f32 v18, v16;
	v8 =	vcvt.f32.s32 v16;
	v16 =	vsel vm4, $0x1, v0  }
0xf4: {  	v38 =	vsel vm10, $0x1, v0;
	v12 =	vadd.s32 v12, v37;
	v20 =	vmul.f32 $1.023000000e+03, v20  }
0xf5: {  	v15 =	vtrunc.f32 v13;
	v23 =	vsel vm11, $0x1, v0;
	v24 =	vadd.s32 v11, v16  }
0xf6: {  	p6 =	sne.s32 s17, $0x1;
	s23 =	sadd.s32 $0x100, s23;
	v16 =	vadd.s32 v30, v35;
	vm9 =	vgt.f32 v13, v15;
	v18 =	vtrunc.f32 v20  }
.Ltmp10:
0xf7: {  	v13 =	vtrunc.f32 v17;
	vm14 =	vgt.f32 v20, v18;
	v7 =	vcvt.f32.s32 v18;
	v18 =	vld [tilespmem:s23+$0xFFFFFF80];
	(pc) =	sbr.rel @!p6 .LBB2_16-.Ltmp10, $4  }
0xf8: {  	v5 =	vcvt.f32.s32 v15;
	v15 =	vsel vm2, $0x1, v0;
	vm12 =	vgt.f32 v17, v13;
	v17 =	vld [tilespmem:s23+$0xFFFFFF90]  }
0xf9: {  	[tilespmem:s21+$0x80] =	vst v1;
	v14 =	vld [tilespmem:s23+$0xFFFFFFA0];
	v6 =	vcvt.f32.s32 v13;
	v13 =	vsel vm3, $0x1, v0;
	v28 =	vadd.s32 v28, v15  }
0xfa: {  	s26 =	sadd.s32 $0xFFFFFFFF, s17;
	[tilespmem:s21+$0xFFFFFF90] =	vst v27;
	v15 =	vadd.s32 v31, v36;
	v22 =	vsel vm12, $0x1, v0;
	v21 =	vadd.s32 v10, v13;
	v13 =	vld [tilespmem:s23+$0xFFFFFFB0]  }
0xfb: {  	p5 =	por $0x1, $0x1;
	s25 =	smov.u32 s21;
	s24 =	smov.u32 s21;
	v11 =	vld [tilespmem:s23+$0x70];
	v10 =	vadd.s32 v33, v38;
	[tilespmem:s21+$0xFFFFFFA0] =	vst v28;
	v20 =	vsel vm9, $0x1, v0;
	v25 =	vsel vm14, $0x1, v0  }
.LBB2_17:
0xfc: {  	p6 =	sne.s32 s26, $0x1;
	v18 =	vmul.f32 $1.023000000e+03, v18;
	v27 =	vld [tilespmem:s23+$0xFFFFFFC0];
	v5 =	vadd.s32 v5, v20;
	v8 =	vadd.s32 v8, v23;
	[tilespmem:s25+$0xFFFFFFB0] =	vst v21  }
0xfd: {  	v6 =	vadd.s32 v6, v22;
	v9 =	vadd.s32 v9, v26;
	v17 =	vmul.f32 $1.023000000e+03, v17;
	v20 =	vld [tilespmem:s23+$0xFFFFFFD0];
	[tilespmem:s25+$0xFFFFFFC0] =	vst v24  }
0xfe: {  	v7 =	vadd.s32 v7, v25;
	v21 =	vtrunc.f32 v18;
	v14 =	vmul.f32 $1.023000000e+03, v14;
	v22 =	vld [tilespmem:s23+$0xFFFFFFE0];
	[tilespmem:s25+$0xFFFFFFD0] =	vst v19  }
0xff: {  	vm0 =	vgt.f32 v18, v21;
	v18 =	vtrunc.f32 v17;
	v13 =	vmul.f32 $1.023000000e+03, v13;
	v19 =	vld [tilespmem:s23+$0xFFFFFFF0];
	[tilespmem:s25+$0xFFFFFFE0] =	vst v16  }
0x100: {  	vm1 =	vgt.f32 v17, v18;
	v16 =	vtrunc.f32 v14;
	v17 =	vld [tilespmem:s23+$0x0];
	v11 =	vmul.f32 $1.023000000e+03, v11;
	[tilespmem:s25+$0xFFFFFFF0] =	vst v15  }
0x101: {  	vm2 =	vgt.f32 v14, v16;
	v14 =	vtrunc.f32 v13;
	v15 =	vmul.f32 $1.023000000e+03, v27;
	v23 =	vld [tilespmem:s23+$0x10];
	[tilespmem:s25+$0x0] =	vst v12  }
0x102: {  	vm3 =	vgt.f32 v13, v14;
	v12 =	vmul.f32 $1.023000000e+03, v20;
	v13 =	vld [tilespmem:s23+$0x20];
	v20 =	vtrunc.f32 v11;
	[tilespmem:s25+$0x10] =	vst v10  }
0x103: {  	v10 =	vmul.f32 $1.023000000e+03, v22;
	v22 =	vld [tilespmem:s23+$0x30];
	v24 =	vcvt.f32.s32 v20;
	vm4 =	vgt.f32 v11, v20;
	[tilespmem:s25+$0x20] =	vst v5  }
0x104: {  	v5 =	vtrunc.f32 v15;
	v11 =	vmul.f32 $1.023000000e+03, v19;
	v19 =	vld [tilespmem:s23+$0x40];
	v20 =	vsel vm4, $0x1, v0;
	[tilespmem:s25+$0x30] =	vst v8  }
0x105: {  	v8 =	vtrunc.f32 v12;
	s25 =	sadd.s32 $0x110, s25;
	v17 =	vmul.f32 $1.023000000e+03, v17;
	v25 =	vld [tilespmem:s23+$0x50];
	v20 =	vadd.s32 v24, v20;
	[tilespmem:s24+$0x40] =	vst v6  }
0x106: {  	vm4 =	vgt.f32 v15, v5;
	v6 =	vtrunc.f32 v10;
	v15 =	vmul.f32 $1.023000000e+03, v23;
	v23 =	vld [tilespmem:s23+$0x60];
	[tilespmem:s25+$0x70] =	vst v20  }
0x107: {  	vm5 =	vgt.f32 v12, v8;
	v12 =	vtrunc.f32 v11;
	v13 =	vmul.f32 $1.023000000e+03, v13;
	[tilespmem:s24+$0x50] =	vst v9  }
0x108: {  	vm6 =	vgt.f32 v10, v6;
	v9 =	vtrunc.f32 v17;
	v10 =	vmul.f32 $1.023000000e+03, v22;
	[tilespmem:s24+$0x60] =	vst v7;
	s24 =	smov.u32 s25  }
0x109: {  	vm7 =	vgt.f32 v11, v12;
	v7 =	vtrunc.f32 v15;
	v11 =	vmul.f32 $1.023000000e+03, v19;
	[tilespmem:s25+$0x80] =	vst v1  }
0x10a: {  	vm8 =	vgt.f32 v17, v9;
	v17 =	vtrunc.f32 v13;
	v19 =	vmul.f32 $1.023000000e+03, v25  }
0x10b: {  	vm9 =	vgt.f32 v15, v7;
	v15 =	vtrunc.f32 v10;
	v20 =	vmul.f32 $1.023000000e+03, v23  }
0x10c: {  	vm10 =	vgt.f32 v13, v17;
	v13 =	vtrunc.f32 v11;
	v22 =	vtrunc.f32 v19  }
0x10d: {  	v21 =	vcvt.f32.s32 v21;
	vm11 =	vgt.f32 v10, v15;
	v10 =	vtrunc.f32 v20  }
0x10e: {  	v16 =	vcvt.f32.s32 v16;
	v24 =	vcvt.f32.s32 v18;
	vm12 =	vgt.f32 v11, v13  }
0x10f: {  	v27 =	vcvt.f32.s32 v5;
	v11 =	vcvt.f32.s32 v14;
	vm13 =	vgt.f32 v19, v22  }
0x110: {  	v28 =	vcvt.f32.s32 v6;
	v19 =	vcvt.f32.s32 v8;
	vm14 =	vgt.f32 v20, v10  }
0x111: {  	v12 =	vcvt.f32.s32 v12;
	v29 =	vcvt.f32.s32 v9;
	v14 =	vsel vm0, $0x1, v0  }
0x112: {  	v30 =	vsel vm1, $0x1, v0;
	v31 =	vcvt.f32.s32 v7;
	v5 =	vcvt.f32.s32 v17  }
0x113: {  	v32 =	vsel vm2, $0x1, v0;
	v6 =	vcvt.f32.s32 v13;
	v8 =	vcvt.f32.s32 v15  }
0x114: {  	v13 =	vsel vm3, $0x1, v0;
	v9 =	vcvt.f32.s32 v22;
	v7 =	vcvt.f32.s32 v10  }
0x115: {  	v33 =	vsel vm6, $0x1, v0;
	v15 =	vsel vm5, $0x1, v0;
	v10 =	vsel vm4, $0x1, v0  }
0x116: {  	s23 =	sadd.s32 $0x100, s23;
	v34 =	vsel vm7, $0x1, v0;
	v35 =	vsel vm8, $0x1, v0;
	v36 =	vsel vm9, $0x1, v0  }
.Ltmp11:
0x117: {  	v23 =	vsel vm11, $0x1, v0;
	v22 =	vsel vm12, $0x1, v0;
	v20 =	vsel vm10, $0x1, v0;
	v18 =	vld [tilespmem:s23+$0xFFFFFF80];
	(pc) =	sbr.rel @p6 .LBB2_17-.Ltmp11, $4  }
0x118: {  	v37 =	vadd.s32 v21, v14;
	v26 =	vsel vm13, $0x1, v0;
	v25 =	vsel vm14, $0x1, v0;
	v17 =	vld [tilespmem:s23+$0xFFFFFF90]  }
0x119: {  	v32 =	vadd.s32 v16, v32;
	v30 =	vadd.s32 v24, v30;
	v21 =	vadd.s32 v11, v13;
	v14 =	vld [tilespmem:s23+$0xFFFFFFA0];
	[tilespmem:s25+$0xFFFFFF80] =	vst v37  }
0x11a: {  	v16 =	vadd.s32 v28, v33;
	v24 =	vadd.s32 v27, v10;
	v19 =	vadd.s32 v19, v15;
	v13 =	vld [tilespmem:s23+$0xFFFFFFB0];
	[tilespmem:s25+$0xFFFFFF90] =	vst v30  }
0x11b: {  	s26 =	sadd.s32 $0xFFFFFFFF, s26;
	v15 =	vadd.s32 v12, v34;
	v12 =	vadd.s32 v29, v35;
	v10 =	vadd.s32 v31, v36;
	v11 =	vld [tilespmem:s23+$0x70];
	[tilespmem:s25+$0xFFFFFFA0] =	vst v32  }
.LBB2_18:
0x11c: {  	v27 =	vld [tilespmem:s23+$0xFFFFFFC0]  }
0x11d: {  	v44 =	vld [tilespmem:s23+$0xFFFFFFD0]  }
0x11e: {  	v46 =	vld [tilespmem:s23+$0xFFFFFFE0]  }
0x11f: {  	v48 =	vld [tilespmem:s23+$0xFFFFFFF0]  }
0x120: {  	v18 =	vmul.f32 $1.023000000e+03, v18;
	v28 =	vld [tilespmem:s23+$0x0]  }
0x121: {  	v29 =	vld [tilespmem:s23+$0x10];
	v17 =	vmul.f32 $1.023000000e+03, v17  }
0x122: {  	v52 =	vld [tilespmem:s23+$0x20];
	v45 =	vtrunc.f32 v18;
	v14 =	vmul.f32 $1.023000000e+03, v14  }
0x123: {  	v54 =	vld [tilespmem:s23+$0x30];
	v47 =	vtrunc.f32 v17;
	v13 =	vmul.f32 $1.023000000e+03, v13  }
0x124: {  	[tilespmem:s25+$0xFFFFFFB0] =	vst @p5 v21;
	v58 =	vld [tilespmem:s23+$0x40];
	v42 =	vcvt.f32.s32 v45;
	v49 =	vtrunc.f32 v14  }
0x125: {  	v5 =	vadd.s32 @p5 v5, v20;
	[tilespmem:s25+$0xFFFFFFC0] =	vst @p5 v24;
	v31 =	vld [tilespmem:s23+$0x50];
	v11 =	vmul.f32 $1.023000000e+03, v11;
	v50 =	vtrunc.f32 v13  }
0x126: {  	v8 =	vadd.s32 @p5 v8, v23;
	[tilespmem:s25+$0xFFFFFFD0] =	vst @p5 v19;
	v32 =	vld [tilespmem:s23+$0x60];
	v27 =	vmul.f32 $1.023000000e+03, v27;
	v51 =	vmul.f32 $1.023000000e+03, v44  }
0x127: {  	v6 =	vadd.s32 @p5 v6, v22;
	[tilespmem:s25+$0xFFFFFFE0] =	vst @p5 v16;
	v53 =	vmul.f32 $1.023000000e+03, v46;
	v57 =	vmul.f32 $1.023000000e+03, v48  }
0x128: {  	v9 =	vadd.s32 @p5 v9, v26;
	[tilespmem:s25+$0xFFFFFFF0] =	vst @p5 v15;
	v28 =	vmul.f32 $1.023000000e+03, v28;
	v63 =	vmul.f32 $1.023000000e+03, v29  }
0x129: {  	v7 =	vadd.s32 @p5 v7, v25;
	[tilespmem:s25+$0x0] =	vst @p5 v12;
	v20 =	vmul.f32 $1.023000000e+03, v52;
	v35 =	vmul.f32 $1.023000000e+03, v54  }
0x12a: {  	[tilespmem:s25+$0x10] =	vst @p5 v10;
	vm0 =	vgt.f32 v18, v45;
	v37 =	vmul.f32 $1.023000000e+03, v58;
	v38 =	vmul.f32 $1.023000000e+03, v31  }
0x12b: {  	[tilespmem:s25+$0x20] =	vst @p5 v5;
	vm1 =	vgt.f32 v17, v47;
	v40 =	vmul.f32 $1.023000000e+03, v32;
	v44 =	vcvt.f32.s32 v47  }
0x12c: {  	[tilespmem:s25+$0x30] =	vst @p5 v8;
	vm2 =	vgt.f32 v14, v49;
	v45 =	vcvt.f32.s32 v49;
	v30 =	vtrunc.f32 v11  }
0x12d: {  	[tilespmem:s24+$0x60] =	vst @p5 v7;
	v46 =	vsel vm0, $0x1, v0;
	v7 =	vcvt.f32.s32 v50;
	v55 =	vcvt.f32.s32 v30  }
0x12e: {  	v47 =	vsel vm1, $0x1, v0;
	v56 =	vtrunc.f32 v27;
	v60 =	vtrunc.f32 v51  }
0x12f: {  	vm3 =	vgt.f32 v13, v50;
	v62 =	vtrunc.f32 v53;
	v33 =	vtrunc.f32 v57  }
0x130: {  	v13 =	vadd.s32 v42, v46;
	v34 =	vtrunc.f32 v28;
	v36 =	vtrunc.f32 v63  }
0x131: {  	v48 =	vsel vm2, $0x1, v0;
	v5 =	vtrunc.f32 v20;
	v39 =	vtrunc.f32 v35  }
0x132: {  	[tilespmem:s24+$0x40] =	vst @p5 v6;
	vm4 =	vgt.f32 v11, v30;
	v6 =	vtrunc.f32 v37;
	v41 =	vtrunc.f32 v38  }
0x133: {  	s23 =	sadd.s32 @p5 $0x110, s25;
	[tilespmem:s24+$0x50] =	vst @p5 v9;
	v43 =	vtrunc.f32 v40;
	v9 =	vadd.s32 v44, v47;
	v50 =	vsel vm3, $0x1, v0  }
0x134: {  	s21 =	smov.u32 @p5 s23;
	v14 =	vadd.s32 v45, v48;
	v59 =	vsel vm4, $0x1, v0;
	vm4 =	vgt.f32 v27, v56  }
0x135: {  	[tilespmem:s21+$0x80] =	vst v1;
	vm5 =	vgt.f32 v51, v60;
	vm6 =	vgt.f32 v53, v62;
	vm7 =	vgt.f32 v57, v33  }
0x136: {  	[tilespmem:s21+$0xFFFFFF80] =	vst v13;
	vm8 =	vgt.f32 v28, v34;
	vm9 =	vgt.f32 v63, v36;
	vm10 =	vgt.f32 v20, v5  }
0x137: {  	vm11 =	vgt.f32 v35, v39;
	vm12 =	vgt.f32 v37, v6;
	v11 =	vcvt.f32.s32 v56;
	[tilespmem:s21+$0xFFFFFF90] =	vst v9  }
0x138: {  	vm14 =	vgt.f32 v38, v41;
	v49 =	vcvt.f32.s32 v60;
	v7 =	vadd.s32 v7, v50;
	[tilespmem:s21+$0xFFFFFFA0] =	vst v14  }
0x139: {  	v51 =	vcvt.f32.s32 v62;
	v61 =	vadd.s32 v55, v59;
	v52 =	vsel vm4, $0x1, v0;
	[tilespmem:s21+$0xFFFFFFB0] =	vst v7  }
0x13a: {  	vm15 =	vgt.f32 v40, v43;
	v53 =	vsel vm5, $0x1, v0;
	[tilespmem:s21+$0x70] =	vst v61;
	v11 =	vadd.s32 v11, v52  }
0x13b: {  	v5 =	vcvt.f32.s32 v5;
	v54 =	vsel vm6, $0x1, v0;
	v13 =	vadd.s32 v49, v53;
	[tilespmem:s21+$0xFFFFFFC0] =	vst v11  }
0x13c: {  	v6 =	vcvt.f32.s32 v6;
	v59 =	vsel vm10, $0x1, v0;
	v9 =	vadd.s32 v51, v54;
	[tilespmem:s21+$0xFFFFFFD0] =	vst v13  }
0x13d: {  	v7 =	vcvt.f32.s32 v33;
	v62 =	vsel vm12, $0x1, v0;
	v5 =	vadd.s32 v5, v59;
	[tilespmem:s21+$0xFFFFFFE0] =	vst v9  }
0x13e: {  	v55 =	vcvt.f32.s32 v34;
	v56 =	vsel vm7, $0x1, v0;
	v6 =	vadd.s32 v6, v62;
	[tilespmem:s21+$0x20] =	vst v5  }
0x13f: {  	v10 =	vcvt.f32.s32 v36;
	v57 =	vsel vm8, $0x1, v0;
	v7 =	vadd.s32 v7, v56;
	[tilespmem:s21+$0x40] =	vst v6  }
0x140: {  	v58 =	vsel vm9, $0x1, v0;
	v11 =	vadd.s32 v55, v57;
	[tilespmem:s21+$0xFFFFFFF0] =	vst v7;
	v7 =	vcvt.f32.s32 v39  }
0x141: {  	v60 =	vsel vm11, $0x1, v0;
	v61 =	vcvt.f32.s32 v41;
	v9 =	vadd.s32 v10, v58;
	[tilespmem:s21+$0x0] =	vst v11  }
0x142: {  	v63 =	vsel vm14, $0x1, v0;
	v5 =	vcvt.f32.s32 v43;
	[tilespmem:s21+$0x10] =	vst v9;
	v7 =	vadd.s32 v7, v60  }
0x143: {  	v8 =	vadd.s32 v61, v63;
	[tilespmem:s21+$0x30] =	vst v7;
	v7 =	vsel vm15, $0x1, v0  }
0x144: {  	[tilespmem:s21+$0x50] =	vst v8;
	v5 =	vadd.s32 v5, v7  }
0x145: {  	[tilespmem:s21+$0x60] =	vst v5;
	v5 =	vimm.s32 @!p3 $0x5FF  }
0x146: {  	[tilespmem:s22+$0x6400] =	vst @!p3 v5  }
0x147: {  	[tilespmem:s22+$0x6410] =	vst @!p3 v5  }
0x148: {  	[tilespmem:s22+$0x6420] =	vst @!p3 v5  }
0x149: {  	[tilespmem:s22+$0x6430] =	vst @!p3 v5  }
0x14a: {  	[tilespmem:s22+$0x6440] =	vst @!p3 v5  }
0x14b: {  	[tilespmem:s22+$0x6450] =	vst @!p3 v5  }
0x14c: {  	[tilespmem:s22+$0x6460] =	vst @!p3 v5  }
0x14d: {  	[tilespmem:s22+$0x6470] =	vst @!p3 v5  }
0x14e: {  	[tilespmem:s22+$0x6480] =	vst @!p3 v5  }
0x14f: {  	[tilespmem:s22+$0x6490] =	vst @!p3 v5  }
0x150: {  	[tilespmem:s22+$0x64A0] =	vst @!p3 v5  }
0x151: {  	[tilespmem:s22+$0x64B0] =	vst @!p3 v5  }
.Ltmp12:
0x152: {  	[tilespmem:s22+$0x64C0] =	vst @!p3 v5;
	(pc) =	sbr.rel .LBB2_22-.Ltmp12, $4  }
0x153: {  	[tilespmem:s22+$0x64D0] =	vst @!p3 v5  }
0x154: {  	[tilespmem:s22+$0x64E0] =	vst @!p3 v5  }
0x155: {  	[tilespmem:s22+$0x64F0] =	vst @!p3 v5  }
0x156: {  	[tilespmem:s22+$0x6500] =	vst @!p3 v5  }
.LBB2_19:
0x157: {  	s22 =	sshra.s32 s23, $0x2  }
0x158: {  	s22 =	sadd.s32 s22, s21  }
0x159: {  	[tilespmem:s22+$0x80] =	vst v1  }
0x15a: {  	[tilespmem:s22+$0xFFFFFF80] =	vst v1  }
0x15b: {  	[tilespmem:s22+$0xFFFFFF90] =	vst v1  }
0x15c: {  	[tilespmem:s22+$0xFFFFFFA0] =	vst v1  }
0x15d: {  	[tilespmem:s22+$0xFFFFFFB0] =	vst v1  }
0x15e: {  	[tilespmem:s22+$0xFFFFFFC0] =	vst v1  }
0x15f: {  	[tilespmem:s22+$0xFFFFFFD0] =	vst v1  }
0x160: {  	[tilespmem:s22+$0xFFFFFFE0] =	vst v1  }
0x161: {  	[tilespmem:s22+$0xFFFFFFF0] =	vst v1  }
0x162: {  	[tilespmem:s22+$0x0] =	vst v1  }
0x163: {  	[tilespmem:s22+$0x10] =	vst v1  }
0x164: {  	[tilespmem:s22+$0x20] =	vst v1  }
0x165: {  	[tilespmem:s22+$0x30] =	vst v1  }
0x166: {  	[tilespmem:s22+$0x40] =	vst v1  }
0x167: {  	s31 =	sadd.s32 $0x440, s23;
	[tilespmem:s22+$0x50] =	vst v1  }
0x168: {  	s24 =	sshra.s32 s31, $0x2;
	s23 =	sadd.s32 $0x440, s31;
	[tilespmem:s22+$0x60] =	vst v1  }
.LBB2_20:
0x169: {  	p5 =	sne.s32 s23, $0x8800;
	[tilespmem:s22+$0x70] =	vst v1;
	s22 =	sadd.s32 s24, s21  }
0x16a: {  	[tilespmem:s22+$0x80] =	vst v1  }
0x16b: {  	[tilespmem:s22+$0xFFFFFF80] =	vst v1  }
0x16c: {  	[tilespmem:s22+$0xFFFFFF90] =	vst v1  }
0x16d: {  	[tilespmem:s22+$0xFFFFFFA0] =	vst v1  }
0x16e: {  	[tilespmem:s22+$0xFFFFFFB0] =	vst v1  }
0x16f: {  	[tilespmem:s22+$0xFFFFFFC0] =	vst v1  }
0x170: {  	[tilespmem:s22+$0xFFFFFFD0] =	vst v1  }
0x171: {  	[tilespmem:s22+$0xFFFFFFE0] =	vst v1  }
0x172: {  	[tilespmem:s22+$0xFFFFFFF0] =	vst v1  }
0x173: {  	[tilespmem:s22+$0x0] =	vst v1  }
0x174: {  	[tilespmem:s22+$0x10] =	vst v1  }
.Ltmp13:
0x175: {  	[tilespmem:s22+$0x20] =	vst v1;
	(pc) =	sbr.rel @p5 .LBB2_20-.Ltmp13, $4  }
0x176: {  	[tilespmem:s22+$0x30] =	vst v1  }
0x177: {  	[tilespmem:s22+$0x40] =	vst v1  }
0x178: {  	[tilespmem:s22+$0x50] =	vst v1  }
0x179: {  	s24 =	sshra.s32 s23, $0x2;
	s23 =	sadd.s32 $0x440, s23;
	[tilespmem:s22+$0x60] =	vst v1  }
0x17a: {  	s21 =	sadd.s32 s24, s21;
	[tilespmem:s22+$0x70] =	vst v1  }
0x17b: {  	[tilespmem:s21+$0x80] =	vst v1  }
0x17c: {  	[tilespmem:s21+$0xFFFFFF80] =	vst v1  }
0x17d: {  	[tilespmem:s21+$0xFFFFFF90] =	vst v1  }
0x17e: {  	[tilespmem:s21+$0xFFFFFFA0] =	vst v1  }
0x17f: {  	[tilespmem:s21+$0xFFFFFFB0] =	vst v1  }
0x180: {  	[tilespmem:s21+$0xFFFFFFC0] =	vst v1  }
0x181: {  	[tilespmem:s21+$0xFFFFFFD0] =	vst v1  }
0x182: {  	[tilespmem:s21+$0xFFFFFFE0] =	vst v1  }
0x183: {  	[tilespmem:s21+$0xFFFFFFF0] =	vst v1  }
0x184: {  	[tilespmem:s21+$0x0] =	vst v1  }
0x185: {  	[tilespmem:s21+$0x10] =	vst v1  }
0x186: {  	[tilespmem:s21+$0x20] =	vst v1  }
0x187: {  	[tilespmem:s21+$0x30] =	vst v1  }
0x188: {  	[tilespmem:s21+$0x40] =	vst v1  }
0x189: {  	[tilespmem:s21+$0x50] =	vst v1  }
0x18a: {  	[tilespmem:s21+$0x60] =	vst v1  }
0x18b: {  	[tilespmem:s21+$0x70] =	vst v1  }
.LBB2_22:
0x18c: {  	s21 =	simm.s32 $0x1  }
0x18d: {  	s21 =	simm.s32 @!p2 $0x0  }
0x18e: {  	s21 =	smul.u32 $0x8C40, s21;
	_ =	sdelay $0x1  }
0x18f: {  	s21 =	sshrl.u32 s21, $0x2  }
0x190: {  	s20 =	sadd.s32 $0x4310, s20;
	s22 =	simm.s32 $0x0;
	s21 =	sadd.s32 $0x4310, s21  }
.LBB2_23:
0x191: {  	v9 =	vld [tilespmem:s21+$0x21]  }
0x192: {  	v8 =	vld [tilespmem:s20+$0xFFFFFF11]  }
0x193: {  	v7 =	vld [tilespmem:s21+$0xFFFFFF20]  }
0x194: {  	v11 =	vld [tilespmem:s21+$0xFFFFFF21]  }
0x195: {  	v12 =	vld [tilespmem:s21+$0x30]  }
0x196: {  	v13 =	vld [tilespmem:s20+$0xFFFFFF20]  }
0x197: {  	v14 =	vld [tilespmem:s21+$0x31]  }
0x198: {  	v15 =	vld [tilespmem:s20+$0x30]  }
0x199: {  	v16 =	vld [tilespmem:s21+$0xFFFFFF11]  }
0x19a: {  	v21 =	vld [tilespmem:s20+$0xFFFFFF10]  }
0x19b: {  	v24 =	vld [tilespmem:s21+$0xFFFFFF10]  }
0x19c: {  	v36 =	vld [tilespmem:s20+$0xFFFFFF00]  }
0x19d: {  	v37 =	vld [tilespmem:s21+$0xFFFFFF00]  }
0x19e: {  	v17 =	vld [tilespmem:s20+$0xFFFFFF21]  }
0x19f: {  	v34 =	vld [tilespmem:s21+$0x10];
	vm0 =	vgt.s32 v11, v14;
	v23 =	vadd.s32 v2, v16  }
0x1a0: {  	v5 =	vld [tilespmem:s21+$0x11];
	vm1 =	vgt.s32 v7, v13;
	v22 =	vadd.s32 v2, v7;
	v29 =	vadd.s32 v2, v11  }
0x1a1: {  	v18 =	vld [tilespmem:s20+$0x11];
	vm4 =	vgt.s32 v16, v8;
	vm6 =	vgt.s32 v16, v9;
	vm7 =	vgt.s32 v24, v21  }
0x1a2: {  	v10 =	vld [tilespmem:s21+$0x20];
	vm5 =	vgt.s32 v16, v24;
	v40 =	vadd.s32 v2, v24;
	vm11 =	vgt.s32 v37, v36  }
0x1a3: {  	v19 =	vld [tilespmem:s20+$0x20];
	v20 =	vsel vm0, v11, v14;
	vm0 =	vgt.s32 v12, v15;
	v13 =	vsel vm1, v7, v13  }
0x1a4: {  	v6 =	vld [tilespmem:s21+$0xFFFFFEF0];
	vm1 =	vgt.s32 v11, v17;
	v39 =	vsel vm7, v24, v21;
	vm7 =	vgt.s32 v37, v34  }
0x1a5: {  	v26 =	vld [tilespmem:s20+$0x21];
	v15 =	vsel vm0, v12, v15;
	vm0 =	vgt.s32 v11, v7;
	v17 =	vsel vm1, v11, v17  }
0x1a6: {  	v32 =	vld [tilespmem:s20+$0xFFFFFF01];
	vm1 =	vgt.s32 v5, v18;
	v27 =	vadd.s32 v2, v13;
	v33 =	vadd.s32 v2, v20  }
0x1a7: {  	v38 =	vld [tilespmem:s20+$0xFFFFFEF0];
	v41 =	vadd.s32 v2, v39;
	vm2 =	vgt.s32 v13, v15;
	v28 =	vsel vm1, v5, v18  }
0x1a8: {  	v11 =	vld [tilespmem:s20+$0x31];
	v18 =	vadd.s32 v2, v17;
	vm1 =	vgt.s32 v10, v19;
	vm3 =	vgt.s32 v17, v13  }
0x1a9: {  	v21 =	vld [tilespmem:s21+$0x1];
	v25 =	vsel vm2, v13, v15;
	vm2 =	vgt.s32 v7, v12;
	v15 =	vadd.s32 v2, v6  }
0x1aa: {  	v31 =	vsel vm1, v10, v19;
	vm1 =	vgt.s32 v9, v26;
	v12 =	vsel vm2, v7, v12;
	v7 =	vld [tilespmem:s21+$0xFFFFFF01]  }
0x1ab: {  	v19 =	vsel vm4, v16, v8;
	v16 =	vsel vm6, v16, v9;
	[tilespmem:v40+s12+$0x0] =	vst.idx.add.s32.msk vm5, v3  }
0x1ac: {  	v35 =	vadd.s32 v2, v25;
	vm2 =	vgt.s32 v24, v10;
	[tilespmem:v23+s12+$0x0] =	vst.idx.add.s32.msk vm5, v4  }
0x1ad: {  	vm12 =	vgt.s32 v39, v31;
	vm8 =	vgt.s32 v14, v11;
	[tilespmem:v22+s12+$0x0] =	vst.idx.add.s32.msk vm0, v3  }
0x1ae: {  	v30 =	vadd.s32 v2, v12;
	v31 =	vsel vm12, v39, v31;
	v13 =	vsel vm8, v14, v11;
	v14 =	vld [tilespmem:s21+$0xFFFFFEF1]  }
0x1af: {  	v11 =	vsel vm2, v24, v10;
	v22 =	vld [tilespmem:s20+$0x1];
	vm8 =	vgt.s32 v20, v12;
	vm2 =	vgt.s32 v17, v13  }
0x1b0: {  	[tilespmem:v29+s12+$0x0] =	vst.idx.add.s32.msk vm0, v4;
	v10 =	vadd.s32 v2, v11;
	vm4 =	vgt.s32 v7, v32  }
0x1b1: {  	v42 =	vsel vm2, v17, v13;
	vm2 =	vgt.s32 v6, v38;
	[tilespmem:v27+s12+$0x0] =	vst.idx.add.s32.msk vm3, v4  }
0x1b2: {  	v12 =	vld [tilespmem:s20+$0xFFFFFEF1];
	v17 =	vadd.s32 v2, v37;
	v13 =	vsel vm4, v7, v32;
	vm6 =	vgt.s32 v42, v25  }
0x1b3: {  	v24 =	vsel vm2, v6, v38;
	v63 =	vadd.s32 v2, v42;
	[tilespmem:v18+s12+$0x0] =	vst.idx.add.s32.msk vm3, v3  }
0x1b4: {  	v18 =	vsel vm1, v9, v26;
	vm3 =	vgt.s32 v19, v39;
	v32 =	vadd.s32 v2, v19  }
0x1b5: {  	vm1 =	vgt.s32 v7, v37;
	v8 =	vadd.s32 v2, v13;
	vm9 =	vgt.s32 v13, v28  }
0x1b6: {  	v27 =	vld [tilespmem:s20+$0x10];
	v26 =	vadd.s32 v2, v24;
	v25 =	vadd.s32 v2, v14;
	vm10 =	vgt.s32 v14, v21  }
0x1b7: {  	v23 =	vld [tilespmem:s20+$0x0];
	vm2 =	vgt.s32 v14, v6;
	vm0 =	vgt.s32 v14, v12;
	vm4 =	vgt.s32 v21, v22  }
0x1b8: {  	[tilespmem:v30+s12+$0x0] =	vst.idx.add.s32.msk vm8, v4;
	v30 =	vsel vm0, v14, v12;
	v12 =	vsel vm9, v13, v28  }
0x1b9: {  	v29 =	vsel vm10, v14, v21;
	v28 =	vsel vm11, v37, v36;
	[tilespmem:v33+s12+$0x0] =	vst.idx.add.s32.msk vm8, v3  }
0x1ba: {  	v14 =	vsel vm7, v37, v34;
	vm7 =	vgt.s32 v7, v5;
	vm0 =	vgt.s32 v30, v24;
	v33 =	vld [tilespmem:s21+$0x0]  }
0x1bb: {  	v20 =	vadd.s32 v2, v30;
	vm5 =	vgt.s32 v34, v27;
	[tilespmem:v35+s12+$0x0] =	vst.idx.add.s32.msk vm6, v3  }
0x1bc: {  	vm8 =	vgt.s32 v19, v18;
	v9 =	vsel vm5, v34, v27;
	[tilespmem:v41+s12+$0x0] =	vst.idx.add.s32.msk vm3, v4  }
0x1bd: {  	s23 =	simm.s32 $0x0;
	s24 =	smov.u32 s20;
	s25 =	smov.u32 s21;
	v27 =	vadd.s32 v2, v16;
	vm5 =	vgt.s32 v28, v9;
	[tilespmem:v63+s12+$0x0] =	vst.idx.add.s32.msk vm6, v4  }
.LBB2_24:
0x1be: {  	s23 =	sadd.s32 $0x4, s23;
	v22 =	vsel vm4, v21, v22;
	[tilespmem:v15+s12+$0x0] =	vst.idx.add.s32.msk vm2, v3;
	v15 =	vsel vm5, v28, v9;
	s24 =	sadd.s32 $0x40, s24;
	s25 =	sadd.s32 $0x40, s25  }
0x1bf: {  	v9 =	vld [tilespmem:s25+$0x21];
	p5 =	slt.u32 s23, $0xC;
	vm4 =	vgt.s32 v33, v23;
	vm5 =	vgt.s32 v6, v33;
	vm6 =	vgt.s32 v30, v22  }
0x1c0: {  	v35 =	vadd.s32 v2, v29;
	v18 =	vsel vm8, v19, v18;
	v21 =	vld [tilespmem:s24+$0xFFFFFF11];
	v34 =	vsel vm4, v33, v23  }
0x1c1: {  	v5 =	vsel vm7, v7, v5;
	v33 =	vsel vm5, v6, v33;
	v23 =	vld [tilespmem:s25+$0x20];
	vm4 =	vgt.s32 v24, v34  }
0x1c2: {  	v22 =	vsel vm6, v30, v22;
	v36 =	vld [tilespmem:s24+$0x20];
	v24 =	vsel vm4, v24, v34;
	vm4 =	vgt.s32 v18, v31  }
0x1c3: {  	vm5 =	vgt.s32 v5, v14;
	v30 =	vadd.s32 v2, v31;
	v19 =	vld [tilespmem:s24+$0xFFFFFF10]  }
0x1c4: {  	[tilespmem:v25+s12+$0x0] =	vst.idx.add.s32.msk vm2, v4;
	v25 =	vadd.s32 v2, v14  }
0x1c5: {  	v31 =	vadd.s32 v2, v5;
	[tilespmem:v32+s12+$0x0] =	vst.idx.add.s32.msk vm3, v3  }
0x1c6: {  	v32 =	vadd.s32 v2, v18;
	v6 =	vld [tilespmem:s25+$0xFFFFFEF0]  }
0x1c7: {  	v18 =	vld [tilespmem:s24+$0x21]  }
0x1c8: {  	v34 =	vadd.s32 v2, v12;
	v14 =	vld [tilespmem:s25+$0x10]  }
0x1c9: {  	v5 =	vld [tilespmem:s25+$0x11]  }
0x1ca: {  	v37 =	vld [tilespmem:s24+$0x11]  }
0x1cb: {  	v38 =	vld [tilespmem:s25+$0xFFFFFF20]  }
0x1cc: {  	v39 =	vld [tilespmem:s25+$0xFFFFFF21]  }
0x1cd: {  	vm3 =	vgt.s32 v16, v11;
	v40 =	vld [tilespmem:s25+$0x30]  }
0x1ce: {  	v11 =	vld [tilespmem:s24+$0xFFFFFF20]  }
0x1cf: {  	vm2 =	vgt.s32 v13, v28;
	v16 =	vld [tilespmem:s24+$0xFFFFFF21]  }
0x1d0: {  	v28 =	vadd.s32 v2, v28;
	v13 =	vld [tilespmem:s24+$0x30]  }
0x1d1: {  	v7 =	vadd.s32 v2, v7;
	vm6 =	vgt.s32 v29, v33;
	v41 =	vld [tilespmem:s25+$0x31]  }
0x1d2: {  	v29 =	vld [tilespmem:s25+$0xFFFFFF10]  }
0x1d3: {  	[tilespmem:v17+s12+$0x0] =	vst.idx.add.s32.msk vm1, v3  }
0x1d4: {  	v17 =	vld [tilespmem:s25+$0xFFFFFF11]  }
0x1d5: {  	[tilespmem:v26+s12+$0x0] =	vst.idx.add.s32.msk vm0, v4  }
0x1d6: {  	v26 =	vadd.s32 v2, v33;
	vm7 =	vgt.s32 v39, v41;
	[tilespmem:v7+s12+$0x0] =	vst.idx.add.s32.msk vm1, v4  }
0x1d7: {  	v33 =	vsel vm7, v39, v41;
	[tilespmem:v10+s12+$0x0] =	vst.idx.add.s32.msk vm3, v4  }
0x1d8: {  	[tilespmem:v27+s12+$0x0] =	vst.idx.add.s32.msk vm3, v3  }
0x1d9: {  	[tilespmem:v20+s12+$0x0] =	vst.idx.add.s32.msk vm0, v3  }
0x1da: {  	vm1 =	vgt.s32 v22, v24;
	[tilespmem:v28+s12+$0x0] =	vst.idx.add.s32.msk vm2, v4  }
0x1db: {  	v7 =	vadd.s32 v2, v24;
	[tilespmem:v26+s12+$0x0] =	vst.idx.add.s32.msk vm6, v4  }
0x1dc: {  	v10 =	vadd.s32 v2, v22;
	[tilespmem:v35+s12+$0x0] =	vst.idx.add.s32.msk vm6, v3  }
0x1dd: {  	vm3 =	vgt.s32 v12, v15;
	[tilespmem:v8+s12+$0x0] =	vst.idx.add.s32.msk vm2, v3;
	v8 =	vadd.s32 v2, v15  }
0x1de: {  	v20 =	vadd.s32 v2, v17;
	vm0 =	vgt.s32 v40, v13;
	[tilespmem:v30+s12+$0x0] =	vst.idx.add.s32.msk vm4, v3  }
0x1df: {  	v12 =	vsel vm0, v40, v13;
	vm2 =	vgt.s32 v39, v16;
	[tilespmem:v25+s12+$0x0] =	vst.idx.add.s32.msk vm5, v4  }
0x1e0: {  	vm0 =	vgt.s32 v39, v38;
	vm6 =	vgt.s32 v38, v11;
	[tilespmem:v7+s12+$0x0] =	vst.idx.add.s32.msk vm1, v3  }
0x1e1: {  	v13 =	vadd.s32 v2, v38;
	v11 =	vsel vm6, v38, v11;
	[tilespmem:v31+s12+$0x0] =	vst.idx.add.s32.msk vm5, v3  }
0x1e2: {  	v16 =	vsel vm2, v39, v16;
	vm2 =	vgt.s32 v11, v12;
	[tilespmem:v32+s12+$0x0] =	vst.idx.add.s32.msk vm4, v4  }
0x1e3: {  	v24 =	vadd.s32 v2, v11;
	v12 =	vsel vm2, v11, v12;
	[tilespmem:v10+s12+$0x0] =	vst.idx.add.s32.msk vm1, v4  }
0x1e4: {  	vm2 =	vgt.s32 v38, v40;
	vm1 =	vgt.s32 v5, v37;
	[tilespmem:v8+s12+$0x0] =	vst.idx.add.s32.msk vm3, v3  }
0x1e5: {  	v27 =	vadd.s32 v2, v16;
	v26 =	vsel vm1, v5, v37;
	[tilespmem:v34+s12+$0x0] =	vst.idx.add.s32.msk vm3, v4  }
0x1e6: {  	v10 =	vadd.s32 v2, v39;
	v8 =	vsel vm2, v38, v40;
	v7 =	vld [tilespmem:s25+$0xFFFFFF01]  }
0x1e7: {  	v28 =	vadd.s32 v2, v8;
	v34 =	vadd.s32 v2, v12;
	v25 =	vld [tilespmem:s24+$0x31]  }
0x1e8: {  	vm1 =	vgt.s32 v23, v36;
	v31 =	vld [tilespmem:s24+$0xFFFFFF00]  }
0x1e9: {  	v15 =	vadd.s32 v2, v6;
	v35 =	vsel vm1, v23, v36;
	[tilespmem:v13+s12+$0x0] =	vst.idx.add.s32.msk vm0, v3  }
0x1ea: {  	v32 =	vadd.s32 v2, v33;
	vm2 =	vgt.s32 v29, v23;
	vm1 =	vgt.s32 v9, v18;
	v13 =	vld [tilespmem:s24+$0xFFFFFF01]  }
0x1eb: {  	vm6 =	vgt.s32 v17, v9;
	vm4 =	vgt.s32 v17, v21;
	vm3 =	vgt.s32 v16, v11;
	v36 =	vld [tilespmem:s25+$0xFFFFFF00]  }
0x1ec: {  	vm7 =	vgt.s32 v29, v19;
	vm5 =	vgt.s32 v17, v29;
	v22 =	vld [tilespmem:s24+$0x1];
	vm8 =	vgt.s32 v41, v25  }
0x1ed: {  	v37 =	vsel vm7, v29, v19;
	v38 =	vadd.s32 v2, v29;
	v30 =	vld [tilespmem:s24+$0xFFFFFEF0];
	v25 =	vsel vm8, v41, v25  }
0x1ee: {  	v19 =	vsel vm4, v17, v21;
	v11 =	vsel vm2, v29, v23;
	v39 =	vld [tilespmem:s25+$0xFFFFFEF1];
	vm2 =	vgt.s32 v16, v25  }
0x1ef: {  	v40 =	vadd.s32 v2, v37;
	v23 =	vld [tilespmem:s24+$0x0];
	vm4 =	vgt.s32 v7, v13;
	v29 =	vsel vm2, v16, v25  }
0x1f0: {  	vm8 =	vgt.s32 v33, v8;
	v16 =	vsel vm6, v17, v9;
	v21 =	vld [tilespmem:s25+$0x1];
	v13 =	vsel vm4, v7, v13  }
0x1f1: {  	vm7 =	vgt.s32 v36, v14;
	vm6 =	vgt.s32 v29, v12;
	v33 =	vld [tilespmem:s24+$0xFFFFFEF1];
	v8 =	vadd.s32 v2, v13  }
0x1f2: {  	vm9 =	vgt.s32 v13, v26;
	vm2 =	vgt.s32 v6, v30;
	[tilespmem:v10+s12+$0x0] =	vst.idx.add.s32.msk vm0, v4  }
0x1f3: {  	v10 =	vadd.s32 v2, v11;
	v25 =	vadd.s32 v2, v39;
	[tilespmem:v24+s12+$0x0] =	vst.idx.add.s32.msk vm3, v4  }
0x1f4: {  	v17 =	vadd.s32 v2, v36;
	v42 =	vadd.s32 v2, v29;
	v24 =	vsel vm2, v6, v30;
	v41 =	vld [tilespmem:s24+$0x10]  }
0x1f5: {  	vm2 =	vgt.s32 v39, v6;
	vm10 =	vgt.s32 v39, v21;
	[tilespmem:v27+s12+$0x0] =	vst.idx.add.s32.msk vm3, v3  }
0x1f6: {  	vm11 =	vgt.s32 v36, v31;
	vm0 =	vgt.s32 v39, v33;
	[tilespmem:v28+s12+$0x0] =	vst.idx.add.s32.msk vm8, v4  }
0x1f7: {  	vm4 =	vgt.s32 v21, v22;
	v30 =	vsel vm0, v39, v33;
	[tilespmem:v38+s12+$0x0] =	vst.idx.add.s32.msk vm5, v3  }
0x1f8: {  	v18 =	vsel vm1, v9, v18;
	vm12 =	vgt.s32 v37, v35;
	vm3 =	vgt.s32 v19, v37  }
0x1f9: {  	v12 =	vsel vm9, v13, v26;
	vm0 =	vgt.s32 v30, v24;
	[tilespmem:v32+s12+$0x0] =	vst.idx.add.s32.msk vm8, v3  }
0x1fa: {  	v26 =	vadd.s32 v2, v24;
	v29 =	vsel vm10, v39, v21;
	[tilespmem:v20+s12+$0x0] =	vst.idx.add.s32.msk vm5, v4  }
.Ltmp14:
0x1fb: {  	v32 =	vadd.s32 v2, v19;
	v20 =	vadd.s32 v2, v30;
	vm5 =	vgt.s32 v14, v41;
	(pc) =	sbr.rel @p5 .LBB2_24-.Ltmp14, $4  }
0x1fc: {  	vm1 =	vgt.s32 v7, v36;
	v28 =	vsel vm11, v36, v31;
	v31 =	vsel vm12, v37, v35;
	v33 =	vld [tilespmem:s25+$0x0]  }
0x1fd: {  	v27 =	vadd.s32 v2, v16;
	v9 =	vsel vm5, v14, v41;
	[tilespmem:v34+s12+$0x0] =	vst.idx.add.s32.msk vm6, v3  }
0x1fe: {  	v14 =	vsel vm7, v36, v14;
	vm5 =	vgt.s32 v28, v9;
	[tilespmem:v40+s12+$0x0] =	vst.idx.add.s32.msk vm3, v4  }
0x1ff: {  	vm8 =	vgt.s32 v19, v18;
	vm7 =	vgt.s32 v7, v5;
	[tilespmem:v42+s12+$0x0] =	vst.idx.add.s32.msk vm6, v4  }
0x200: {  	_ =	sdelay $0x4  }
0x201: {  	v21 =	vsel vm4, v21, v22;
	[tilespmem:v15+s12+$0x0] =	vst.idx.add.s32.msk vm2, v3  }
0x202: {  	vm13 =	vgt.s32 v16, v11;
	v55 =	vadd.s32 v2, v7;
	v56 =	vadd.s32 v2, v29  }
0x203: {  	v18 =	vsel vm8, v19, v18;
	[tilespmem:v32+s12+$0x0] =	vst.idx.add.s32.msk vm3, v3;
	vm3 =	vgt.s32 v13, v28  }
0x204: {  	[tilespmem:v17+s12+$0x0] =	vst.idx.add.s32.msk vm1, v3;
	v57 =	vadd.s32 v2, v28;
	v5 =	vsel vm7, v7, v5  }
0x205: {  	v59 =	vadd.s32 v2, v31;
	vm6 =	vgt.s32 v6, v33;
	[tilespmem:v25+s12+$0x0] =	vst.idx.add.s32.msk vm2, v4  }
0x206: {  	vm12 =	vgt.s32 v33, v23;
	v6 =	vsel vm6, v6, v33;
	[tilespmem:v26+s12+$0x0] =	vst.idx.add.s32.msk vm0, v4  }
0x207: {  	v54 =	vsel vm12, v33, v23;
	vm6 =	vgt.s32 v29, v6;
	[tilespmem:v20+s12+$0x0] =	vst.idx.add.s32.msk vm0, v3  }
0x208: {  	vm12 =	vgt.s32 v18, v31;
	v6 =	vadd.s32 v2, v6;
	[tilespmem:v55+s12+$0x0] =	vst.idx.add.s32.msk vm1, v4  }
0x209: {  	vm14 =	vgt.s32 v30, v21;
	v61 =	vadd.s32 v2, v18;
	[tilespmem:v10+s12+$0x0] =	vst.idx.add.s32.msk vm13, v4  }
0x20a: {  	v58 =	vsel vm14, v30, v21;
	vm15 =	vgt.s32 v24, v54;
	[tilespmem:v57+s12+$0x0] =	vst.idx.add.s32.msk vm3, v4  }
0x20b: {  	v7 =	vsel vm15, v24, v54;
	[tilespmem:v27+s12+$0x0] =	vst.idx.add.s32.msk vm13, v3;
	vm13 =	vgt.s32 v5, v14  }
0x20c: {  	v60 =	vadd.s32 v2, v14;
	vm14 =	vgt.s32 v58, v7;
	[tilespmem:v8+s12+$0x0] =	vst.idx.add.s32.msk vm3, v3  }
0x20d: {  	[tilespmem:v6+s12+$0x0] =	vst.idx.add.s32.msk vm6, v4;
	v6 =	vadd.s32 v2, v7  }
0x20e: {  	v5 =	vadd.s32 v2, v5;
	[tilespmem:v59+s12+$0x0] =	vst.idx.add.s32.msk vm12, v3;
	v7 =	vsel vm5, v28, v9  }
0x20f: {  	v62 =	vadd.s32 v2, v58;
	[tilespmem:v61+s12+$0x0] =	vst.idx.add.s32.msk vm12, v4;
	vm15 =	vgt.s32 v12, v7  }
0x210: {  	s22 =	sadd.s32 $0x1, s22;
	[tilespmem:v56+s12+$0x0] =	vst.idx.add.s32.msk vm6, v3;
	v7 =	vadd.s32 v2, v7  }
0x211: {  	v63 =	vadd.s32 v2, v12;
	p0 =	sne.s32 s22, $0x20;
	[tilespmem:v60+s12+$0x0] =	vst.idx.add.s32.msk vm13, v4  }
.Ltmp15:
0x212: {  	[tilespmem:v6+s12+$0x0] =	vst.idx.add.s32.msk vm14, v3;
	(pc) =	sbr.rel @p0 .LBB2_23-.Ltmp15, $4  }
0x213: {  	[tilespmem:v5+s12+$0x0] =	vst.idx.add.s32.msk vm13, v3  }
0x214: {  	[tilespmem:v62+s12+$0x0] =	vst.idx.add.s32.msk vm14, v4  }
0x215: {  	[tilespmem:v7+s12+$0x0] =	vst.idx.add.s32.msk vm15, v3  }
0x216: {  	s20 =	sadd.s32 $0x110, s20;
	s21 =	sadd.s32 $0x110, s21;
	[tilespmem:v63+s12+$0x0] =	vst.idx.add.s32.msk vm15, v4  }
0x217: {  	s19 =	sadd.s32 $0x1, s19  }
0x218: {  	p0 =	sne.s32 s19, $0x9  }
.Ltmp16:
0x219: {  	_ = 	snop;
	(pc) =	sbr.rel @p0 .LBB2_10-.Ltmp16, $4  }
.Ltmp17:
0x21a: {  	_ = 	snop;
	(pc) =	sbr.rel @!p0 .LBB2_27-.Ltmp17, $4  }
0x21b: {  	_ = 	snop  }
0x21c: {  	_ = 	snop  }
0x21d: {  	p4 =	por !p4, !p4;
	p2 =	por !p2, !p2  }
0x21e: {  	_ = 	snop  }
.LBB2_14:
.Ltmp18:
0x21f: {  	(pc) =	sbr.rel .LBB2_18-.Ltmp18, $2  }
0x220: {  	_ =	sdelay $0x2  }
0x221: {  	s25 =	smov.u32 s21  }
.LBB2_16:
.Ltmp19:
0x222: {  	(pc) =	sbr.rel .LBB2_18-.Ltmp19, $2  }
0x223: {  	_ =	sdelay $0x2  }
0x224: {  	s25 =	smov.u32 s21;
	s24 =	smov.u32 s21  }
.LBB2_5:
.Ltmp20:
0x225: {  	(pc) =	sbr.rel .LBB2_9-.Ltmp20, $2  }
0x226: {  	_ =	sdelay $0x2  }
0x227: {  	s21 =	simm.s32 $0x4280;
	p3 =	por $0x0, $0x0  }
.LBB2_7:
.Ltmp21:
0x228: {  	(pc) =	sbr.rel .LBB2_9-.Ltmp21, $2  }
0x229: {  	_ =	sdelay $0x2  }
0x22a: {  	s21 =	simm.s32 $0x4280;
	s20 =	simm.s32 $0x4280  }
.LBB2_28:
0x22b: {  	s16 =	simm.s32 $0x0  }
0x22c: {  	v5 =	vld [tilespmem:s16+$0x8820]  }
0x22d: {  	v6 =	vld [tilespmem:s16+$0x8E21]  }
0x22e: {  	v7 =	vld [tilespmem:s16+$0x9422]  }
0x22f: {  	v8 =	vld [tilespmem:s16+$0x9A23]  }
0x230: {  	v9 =	vld [tilespmem:s16+$0xA024]  }
0x231: {  	v10 =	vld [tilespmem:s16+$0xA625]  }
0x232: {  	v5 =	vadd.s32 v5, v6;
	v6 =	vld [tilespmem:s16+$0xAC26]  }
0x233: {  	v5 =	vadd.s32 v7, v5;
	v7 =	vld [tilespmem:s16+$0xB227]  }
0x234: {  	v5 =	vadd.s32 v8, v5;
	v8 =	vld [tilespmem:s16+$0xB828]  }
0x235: {  	v5 =	vadd.s32 v9, v5;
	v9 =	vld [tilespmem:s16+$0xBE29]  }
0x236: {  	v5 =	vadd.s32 v10, v5;
	v10 =	vld [tilespmem:s16+$0xC42A]  }
0x237: {  	v11 =	vld [tilespmem:s16+$0xCA2B];
	v5 =	vadd.s32 v6, v5  }
0x238: {  	v6 =	vld [tilespmem:s16+$0xD02C];
	v5 =	vadd.s32 v7, v5  }
0x239: {  	v7 =	vld [tilespmem:s16+$0xD62D];
	v5 =	vadd.s32 v8, v5  }
0x23a: {  	v8 =	vld [tilespmem:s16+$0xDC2E];
	v5 =	vadd.s32 v9, v5  }
0x23b: {  	s17 =	simm.s32 $0x10;
	v9 =	vld [tilespmem:s16+$0xE22F];
	v10 =	vadd.s32 v10, v5  }
0x23c: {  	s18 =	simm.s32 $0x80;
	v5 =	vld [tilespmem:s17+$0x8820];
	v10 =	vadd.s32 v11, v10  }
.LBB2_29:
0x23d: {  	p0 =	sne.s32 s18, $0xFC0;
	v11 =	vld [tilespmem:s17+$0x8E21];
	v6 =	vadd.s32 v6, v10  }
0x23e: {  	v10 =	vld [tilespmem:s17+$0x9422];
	v6 =	vadd.s32 v7, v6  }
0x23f: {  	v7 =	vld [tilespmem:s17+$0x9A23];
	v6 =	vadd.s32 v8, v6  }
0x240: {  	v8 =	vld [tilespmem:s17+$0xA024];
	v6 =	vadd.s32 v9, v6  }
0x241: {  	v9 =	vld [tilespmem:s17+$0xA625];
	[tilespmem:s16+$0xE840] =	vst v6;
	s16 =	smov.u32 s17  }
0x242: {  	v5 =	vadd.s32 v5, v11;
	v6 =	vld [tilespmem:s16+$0xAC26]  }
0x243: {  	v5 =	vadd.s32 v10, v5;
	v10 =	vld [tilespmem:s16+$0xB227]  }
0x244: {  	v5 =	vadd.s32 v7, v5;
	v7 =	vld [tilespmem:s16+$0xB828]  }
0x245: {  	v5 =	vadd.s32 v8, v5;
	v8 =	vld [tilespmem:s16+$0xBE29]  }
0x246: {  	v5 =	vadd.s32 v9, v5;
	v9 =	vld [tilespmem:s16+$0xC42A]  }
0x247: {  	v5 =	vadd.s32 v6, v5;
	v11 =	vld [tilespmem:s16+$0xCA2B]  }
.Ltmp22:
0x248: {  	v5 =	vadd.s32 v10, v5;
	v6 =	vld [tilespmem:s16+$0xD02C];
	(pc) =	sbr.rel @p0 .LBB2_29-.Ltmp22, $4  }
0x249: {  	v5 =	vadd.s32 v7, v5;
	v7 =	vld [tilespmem:s16+$0xD62D]  }
0x24a: {  	v5 =	vadd.s32 v8, v5;
	v8 =	vld [tilespmem:s16+$0xDC2E]  }
0x24b: {  	s17 =	sshra.s32 s18, $0x2;
	v10 =	vadd.s32 v9, v5;
	v9 =	vld [tilespmem:s16+$0xE22F]  }
0x24c: {  	s18 =	sadd.s32 $0x40, s18;
	v5 =	vld [tilespmem:s17+$0x8820];
	v10 =	vadd.s32 v11, v10  }
0x24d: {  	v11 =	vld [tilespmem:s17+$0x8E21];
	v6 =	vadd.s32 v6, v10  }
0x24e: {  	v55 =	vld [tilespmem:s17+$0x9422];
	v6 =	vadd.s32 v7, v6  }
0x24f: {  	v7 =	vld [tilespmem:s17+$0x9A23];
	v6 =	vadd.s32 v8, v6  }
0x250: {  	v56 =	vld [tilespmem:s17+$0xA024];
	v6 =	vadd.s32 v9, v6  }
0x251: {  	v57 =	vld [tilespmem:s17+$0xA625];
	[tilespmem:s16+$0xE840] =	vst v6  }
0x252: {  	v5 =	vadd.s32 v5, v11;
	v6 =	vld [tilespmem:s17+$0xAC26]  }
0x253: {  	v58 =	vld [tilespmem:s17+$0xB227];
	v5 =	vadd.s32 v55, v5  }
0x254: {  	v5 =	vadd.s32 v7, v5;
	v7 =	vld [tilespmem:s17+$0xB828]  }
0x255: {  	v59 =	vld [tilespmem:s17+$0xBE29];
	v5 =	vadd.s32 v56, v5  }
0x256: {  	v60 =	vld [tilespmem:s17+$0xC42A];
	v5 =	vadd.s32 v57, v5  }
0x257: {  	v5 =	vadd.s32 v6, v5;
	v6 =	vld [tilespmem:s17+$0xCA2B]  }
0x258: {  	v61 =	vld [tilespmem:s17+$0xD02C];
	v5 =	vadd.s32 v58, v5  }
0x259: {  	v5 =	vadd.s32 v7, v5;
	v7 =	vld [tilespmem:s17+$0xD62D]  }
0x25a: {  	v62 =	vld [tilespmem:s17+$0xDC2E];
	v5 =	vadd.s32 v59, v5  }
0x25b: {  	v63 =	vld [tilespmem:s17+$0xE22F];
	v5 =	vadd.s32 v60, v5  }
0x25c: {  	v5 =	vadd.s32 v6, v5  }
0x25d: {  	v5 =	vadd.s32 v61, v5  }
0x25e: {  	v5 =	vadd.s32 v7, v5  }
0x25f: {  	s15 =	sadd.s32 $0x1, s15;
	v5 =	vadd.s32 v62, v5  }
0x260: {  	p0 =	sne.s32 s15, s11;
	v5 =	vadd.s32 v63, v5  }
.Ltmp23:
0x261: {  	[tilespmem:s17+$0xE840] =	vst v5;
	(pc) =	sbr.rel @p0 .LBB2_1-.Ltmp23, $4  }
0x262: {  	[hbm4b:s10+s2] =	stream.linear.scatter [tilespmem:s13], [sflag:$0x2], $0x400, $0x38;
	[tilespmem:$0xEC40] =	vst v63  }
0x263: {  	_ =	swait.ge [sflag:s14], $0x400  }
0x264: {  	[sflag:s14] =	ssyncset.done $0x0  }
0x265: {  	[sflag:s14] =	ssyncadd.s32 $0xFFFFFC00  }
0x266: {  	_ =	sfence.sel $0x180000  }
0x267: {  	[bflag:$0x0] =	sbarrier.arrive $0xFFFF  }
0x268: {  	p0 =	sne.s32 s1, $0x0;
	_ =	strace $0x9000004A  }
0x269: {  	s0 =	sadd.s32 @!p0 $0x100000, s0;
	[bflag:$0x2] =	sbarrier.arrive $0xFFFF  }
0x26a: {  	[sflag:s0] =	ssyncadd.tile.s32 @!p0 $0x1;
	_ =	shalt  }
.Lfunc_end2:
_tile_overlayer_lowered:
.L_overlay_start_2:
0x26b: {  	(tag) =	ssettag $0x2  }
0x26c: {  	s0 =	rddreg [dreg:$0x0];
	s2 =	stileid.u32  }
0x26d: {  	s1 =	rddreg [dreg:$0x1];
	p0 =	sne.s32 s2, $0x0  }
0x26e: {  	s3 =	rddreg [dreg:$0x2];
	[bflag:$0x3] =	sbarrier.arrive $0xFFFF;
	s2 =	simm.s32 @!p0 $0x1C02  }
0x26f: {  	[timem:s3], [sflag:s2] =	dma.local @!p0 [hbm:s0], s1  }
0x270: {  	s0 =	simm.s32 @!p0 $0x2  }
0x271: {  	_ =	swait.ge @!p0 [sflag:s0], s1  }
0x272: {  	s1 =	ssub.s32 @!p0 $0x0, s1;
	[sflag:s0] =	ssyncset.done @!p0 $0x0  }
0x273: {  	[sflag:s0] =	ssyncadd.s32 @!p0 s1  }
0x274: {  	[bflag:$0x3] =	sbarrier.arrive $0xFFFF  }
0x275: {  	_ =	shalt  }

// kernel: kernel.7.cloned.1.call-start
scs
__scs_entry_jumppad:
0x0: {  	(pc) =	sbr.rel $0x88, $3  }
0x1: {  	(tag) =	ssettag $0x0;
	lr =	simm.s32 $0x1  }
0x2: {  	[smem:$0x3FA0] =	sst lr;
	_ =	strace $0xD0000000  }
0x3: {  	_ = 	snop  }
0x4: {  	_ = 	snop  }
0x5: {  	_ = 	snop  }
0x6: {  	_ = 	snop  }
0x7: {  	_ = 	snop  }
__scs_overlays_trampoline_lowered:
0x8: {  	[smem:$0x3FAF] =	sst s0  }
0x9: {  	[smem:$0x3FB0] =	sst s1  }
0xa: {  	[smem:$0x3FB1] =	sst s2  }
0xb: {  	[smem:$0x3FB2] =	sst s3  }
0xc: {  	[smem:$0x3FB3] =	sst s4  }
0xd: {  	[smem:$0x3FB4] =	sst s5  }
0xe: {  	[smem:$0x3FB5] =	sst s6  }
0xf: {  	[smem:$0x3FB6] =	sst s7  }
0x10: {  	[smem:$0x3FB7] =	sst s8  }
0x11: {  	[smem:$0x3FB8] =	sst s9;
	s0 =	simm.s32 @!p0 $0x0  }
0x12: {  	s1 =	sld [smem:$0x3F9E];
	s0 =	simm.s32 @p0 $0x1  }
0x13: {  	[smem:$0x3FB9] =	sst s0;
	s0 =	simm.s32 @!p1 $0x0  }
0x14: {  	s2 =	sld [smem:$0x3F9D];
	s0 =	simm.s32 @p1 $0x1  }
0x15: {  	[smem:$0x3FBA] =	sst s0;
	s0 =	simm.s32 @!p2 $0x0  }
0x16: {  	s3 =	sld [smem:$0x3FDB];
	s0 =	simm.s32 @p2 $0x1  }
0x17: {  	s4 =	simm.s32 $0x1BF5;
	[smem:$0x3FBC] =	sst s0  }
0x18: {  	s0 =	sld [smem:$0x3F9F];
	_ =	swait.ge [sflag:s4], $0x0  }
0x19: {  	s7 =	sld [smem:$0x3FA0]  }
0x1a: {  	s8 =	sadd.s32 $0xFFFFE003, lr  }
0x1b: {  	s9 =	sadd.s32 $0xFFFFFEF7, lr;
	s5 =	simm.s32 $0xFFFFFFFF;
	p2 =	slt.u32 s8, $0xFFFFF086  }
0x1c: {  	p1 =	slt.u32 s9, $0xF7A;
	s5 =	simm.s32 @!p2 $0x0  }
0x1d: {  	s5 =	simm.s32 @p1 $0x1;
	p0 =	seq.s32 s7, s2  }
0x1e: {  	s7 =	smul.u32 @!p0 $0xF7A, s2;
	p2 =	seq.s32 @!p0 s5, $0x0  }
0x1f: {  	s9 =	smul.u32 $0xF7A, s1;
	s8 =	simm.s32 @!p0 $0x1BF5;
	p2 =	por !p2, p0  }
0x20: {  	[sflag:s8] =	ssyncset.s32 @!p0 $0xFFFFF086;
	s6 =	sadd.s32 @!p0 s3, s7;
	s7 =	simm.s32 @!p0 $0x108  }
0x21: {  	s3 =	sadd.s32 s3, s9;
	s6 =	sadd.s32 @!p0 $0x88, s6;
	s7 =	simm.s32 @p2 $0x1082  }
0x22: {  	[simem:s7], [sflag:s8] =	dma.local @!p0 [hbm:s6], $0xF7A  }
0x23: {  	s9 =	sor.u32 $0xD0000000, s2;
	s6 =	simm.s32 $0x108;
	_ =	swait.ge @!p0 [sflag:s8], $0x0  }
0x24: {  	s3 =	sadd.s32 $0x88, s3;
	s6 =	simm.s32 @!p1 $0x1082;
	[sflag:s4] =	ssyncset.s32 $0xFFFFF086  }
0x25: {  	[simem:s6], [sflag:s4] =	dma.local [hbm:s3], $0xF7A  }
0x26: {  	[smem:$0x3FA0] =	sst s1;
	(tag) =	ssettag s2;
	_ =	strace s9  }
0x27: {  	s1 =	sld [smem:$0x3FB0]  }
0x28: {  	s2 =	sld [smem:$0x3FB1]  }
0x29: {  	s4 =	sld [smem:$0x3FB3]  }
0x2a: {  	p0 =	seq.s32 s5, $0x0;
	s5 =	sld [smem:$0x3FB4]  }
0x2b: {  	s6 =	sld [smem:$0x3FB5]  }
0x2c: {  	s7 =	sld [smem:$0x3FB6]  }
0x2d: {  	s3 =	simm.s32 $0x108;
	s8 =	sld [smem:$0x3FB7]  }
0x2e: {  	s3 =	simm.s32 @!p0 $0x1082;
	s9 =	sld [smem:$0x3FB8]  }
0x2f: {  	lr =	sadd.s32 s0, s3;
	s0 =	sld [smem:$0x3FAF]  }
0x30: {  	s3 =	sld [smem:$0x3FB2]  }
0x31: {  	[smem:$0x3FBB] =	sst s10  }
0x32: {  	s10 =	sld [smem:$0x3FB9];
	_ =	sdelay $0x3  }
0x33: {  	p0 =	seq.s32 s10, $0x1;
	s10 =	sld [smem:$0x3FBB];
	_ =	sdelay $0x3  }
0x34: {  	[smem:$0x3FBB] =	sst s10  }
0x35: {  	s10 =	sld [smem:$0x3FBA];
	_ =	sdelay $0x3  }
0x36: {  	p1 =	seq.s32 s10, $0x1;
	s10 =	sld [smem:$0x3FBB];
	_ =	sdelay $0x3  }
0x37: {  	[smem:$0x3FBB] =	sst s10  }
0x38: {  	s10 =	sld [smem:$0x3FBC]  }
0x39: {  	_ = 	snop;
	(pc) =	sbr.ind lr, $3  }
0x3a: {  	_ = 	snop  }
0x3b: {  	_ = 	snop  }
0x3c: {  	p2 =	seq.s32 s10, $0x1;
	s10 =	sld [smem:$0x3FBB]  }
0x3d: {  	_ =	shalt  }
0x3e: {  	_ =	shalt  }
0x3f: {  	_ =	shalt  }
0x40: {  	_ =	shalt  }
0x41: {  	_ =	shalt  }
0x42: {  	_ =	shalt  }
0x43: {  	_ =	shalt  }
0x44: {  	_ =	shalt  }
0x45: {  	_ =	shalt  }
0x46: {  	_ =	shalt  }
0x47: {  	_ =	shalt  }
0x48: {  	_ =	shalt  }
0x49: {  	_ =	shalt  }
0x4a: {  	_ =	shalt  }
0x4b: {  	_ =	shalt  }
0x4c: {  	_ =	shalt  }
0x4d: {  	_ =	shalt  }
0x4e: {  	_ =	shalt  }
0x4f: {  	_ =	shalt  }
0x50: {  	_ =	shalt  }
0x51: {  	_ =	shalt  }
0x52: {  	_ =	shalt  }
0x53: {  	_ =	shalt  }
0x54: {  	_ =	shalt  }
0x55: {  	_ =	shalt  }
0x56: {  	_ =	shalt  }
0x57: {  	_ =	shalt  }
0x58: {  	_ =	shalt  }
0x59: {  	_ =	shalt  }
0x5a: {  	_ =	shalt  }
0x5b: {  	_ =	shalt  }
0x5c: {  	_ =	shalt  }
0x5d: {  	_ =	shalt  }
0x5e: {  	_ =	shalt  }
0x5f: {  	_ =	shalt  }
0x60: {  	_ =	shalt  }
0x61: {  	_ =	shalt  }
0x62: {  	_ =	shalt  }
0x63: {  	_ =	shalt  }
0x64: {  	_ =	shalt  }
0x65: {  	_ =	shalt  }
0x66: {  	_ =	shalt  }
0x67: {  	_ =	shalt  }
0x68: {  	_ =	shalt  }
0x69: {  	_ =	shalt  }
0x6a: {  	_ =	shalt  }
0x6b: {  	_ =	shalt  }
0x6c: {  	_ =	shalt  }
0x6d: {  	_ =	shalt  }
0x6e: {  	_ =	shalt  }
0x6f: {  	_ =	shalt  }
0x70: {  	_ =	shalt  }
0x71: {  	_ =	shalt  }
0x72: {  	_ =	shalt  }
0x73: {  	_ =	shalt  }
0x74: {  	_ =	shalt  }
0x75: {  	_ =	shalt  }
0x76: {  	_ =	shalt  }
0x77: {  	_ =	shalt  }
0x78: {  	_ =	shalt  }
0x79: {  	_ =	shalt  }
0x7a: {  	_ =	shalt  }
0x7b: {  	_ =	shalt  }
0x7c: {  	_ =	shalt  }
0x7d: {  	_ =	shalt  }
0x7e: {  	_ =	shalt  }
0x7f: {  	_ =	shalt  }
0x80: {  	_ =	shalt  }
0x81: {  	_ =	shalt  }
0x82: {  	_ =	shalt  }
0x83: {  	_ =	shalt  }
0x84: {  	_ =	shalt  }
0x85: {  	_ =	shalt  }
0x86: {  	_ =	shalt  }
0x87: {  	_ =	shalt  }
.Lfunc_end0:
.L_simem_size_0:
called_computation.2_lowered:
.L_overlay_start_0:
0x88: {  	s2 =	sld [smem:$0x3FD9]  }
0x89: {  	s3 =	sld [smem:$0x3FFE];
	_ =	sdelay $0x1  }
0x8a: {  	s1 =	srdreg.scid  }
0x8b: {  	s0 =	sand.u32 $0x1, s1  }
0x8c: {  	s17 =	sshll.u32 s0, $0xA;
	s2 =	sadd.s32 s3, s2  }
0x8d: {  	s2 =	sadd.s32 s2, s17  }
0x8e: {  	[smem:$0x3FC7] =	sst s2  }
0x8f: {  	_ = 	snop  }
0x90: {  	s2 =	sld [smem:$0x3FD0];
	(tm) =	ssettm $0x1  }
0x91: {  	s18 =	sld [smem:$0x3FFB];
	_ =	sdelay $0x3  }
0x92: {  	_ =	strace s18  }
0x93: {  	s3 =	sld [smem:$0x3FFC];
	_ =	sdelay $0x3  }
0x94: {  	_ =	strace s3  }
0x95: {  	s3 =	sld [smem:$0x3FFD];
	_ =	sdelay $0x3  }
0x96: {  	_ =	strace s3  }
0x97: {  	_ =	strace $0x8FFFFFFF  }
0x98: {  	s19 =	sld [smem:$0x3FDB];
	_ =	sdelay $0x1  }
0x99: {  	s4 =	simm.s32 $_scs_section_size  }
0x9a: {  	s5 =	simm.s32 $_size__tile_overlayer_lowered;
	s6 =	simm.s32 $_tile_overlayer_lowered  }
0x9b: {  	s22 =	simm.s32 $0x1BFF;
	s21 =	sshll.u32 s6, $0x1;
	s3 =	sadd.s32 s4, s19  }
0x9c: {  	s7 =	simm.s32 $0x0;
	s20 =	sshll.u32 s5, $0x1;
	s5 =	sadd.s32 s21, s3  }
0x9d: {  	[timem:s7], [sflag:s22] =	dma.local [hbm:s5], s20  }
0x9e: {  	_ =	swait.ge [sflag:s22], s20  }
0x9f: {  	s4 =	ssub.s32 $0x0, s20;
	[sflag:s22] =	ssyncset.done $0x0  }
0xa0: {  	[sflag:s22] =	ssyncadd.s32 s4;
	_ =	sdelay $0x1  }
0xa1: {  	s23 =	simm.s32 $0x1B8B  }
0xa2: {  	_ =	swait.ge [sflag:s23], $0x1  }
0xa3: {  	[sflag:s23] =	ssyncset.done $0x0  }
0xa4: {  	s25 =	simm.s32 $0x1B8E;
	s24 =	sld [smem:$0x3FFE];
	[sflag:s23] =	ssyncadd.s32 $0xFFFFFFFF  }
0xa5: {  	s26 =	simm.s32 $execute0_lowered;
	[smem:$0x3FD2] =	sst s25  }
0xa6: {  	s5 =	sshll.u32 s26, $0x1;
	_ =	strace $0x8000004C;
	[dreg:$0x1] =	wrdreg $0xFFFFFFFF  }
0xa7: {  	s28 =	simm.s32 $_size_execute0_lowered;
	s3 =	sadd.s32 s3, s5;
	[dreg:$0x0] =	wrdreg $0x0  }
0xa8: {  	s5 =	sshll.u32 s28, $0x1;
	[dreg:$0x2] =	wrdreg s3  }
0xa9: {  	[dreg:$0x3] =	wrdreg s5  }
0xaa: {  	[dreg:$0x4] =	wrdreg $0xC0  }
0xab: {  	_ =	task [dreg:s7], $0x5FFFF  }
0xac: {  	[dreg:$0x1] =	wrdreg $0xFFFFFFFF  }
0xad: {  	[dreg:$0x0] =	wrdreg $0x60  }
0xae: {  	[dreg:$0x2] =	wrdreg s24  }
0xaf: {  	[dreg:$0x3] =	wrdreg s2  }
0xb0: {  	[dreg:$0x4] =	wrdreg $0x9  }
0xb1: {  	_ =	task.clear_ibuf [dreg:s7], $0x5FFFF;
	_ =	strace $0x9000004C  }
0xb2: {  	s29 =	simm.s32 $0x9;
	_ =	strace $0x8000004E  }
0xb3: {  	_ =	swait.ge [sflag:s29], $0x1  }
0xb4: {  	[sflag:s29] =	ssyncadd.s32 $0xFFFFFFFF  }
0xb5: {  	_ =	strace $0x9000004E  }
0xb6: {  	_ =	sfence  }
0xb7: {  	s30 =	sld [smem:$0x0];
	_ =	sdelay $0x2  }
0xb8: {  	s31 =	sshll.u32 s1, $0xD;
	s1 =	sshrl.u32 s1, $0x2  }
0xb9: {  	s3 =	sand.u32 $0x4000, s31;
	s1 =	sadd.s32 s1, s30  }
0xba: {  	s0 =	sor.u32 s3, s0;
	s1 =	sshll.u32 s1, $0x11  }
0xbb: {  	s0 =	sor.u32 s1, s0  }
0xbc: {  	s0 =	sadd.s32 $0x8F2B, s0  }
0xbd: {  	[sflag:s0] =	ssyncadd.remote.s32 $0x1  }
0xbe: {  	_ =	sfence.sel $0xFFFF  }
0xbf: {  	[dreg:$0x0] =	wrdreg $0xFFFFFFFF;
	(pc) =	sbr.abs _section_cstart, $3  }
0xc0: {  	[dreg:$0x1] =	wrdreg $0xFFFFFFFF  }
0xc1: {  	_ =	task.clear_ibuf [dreg:s7], $0x2FFFF;
	_ =	strace $0x9FFFFFFF  }
0xc2: {  	(tm) =	ssettm $0x7FFFFFFF  }
0xc3: {  	_ =	shalt  }
tec
execute0_lowered:
.L_overlay_start_1:
0x0: {  	(tag) =	ssettag $0x1  }
0x1: {  	s0 =	srdreg.scid  }
0x2: {  	s4 =	sand.u32 $0x1, s0;
	s0 =	stileid.u32  }
0x3: {  	s5 =	sshll.u32 s0, $0x1;
	s6 =	ssub.s32 $0x0, s4  }
0x4: {  	p0 =	sne.s32 s5, s6  }
.Ltmp0:
0x5: {  	_ = 	snop;
	(pc) =	sbr.rel @p0 .LBB2_7-.Ltmp0, $4  }
0x6: {  	_ = 	snop  }
0x7: {  	s3 =	rddreg [dreg:$0x0]  }
0x8: {  	s2 =	rddreg [dreg:$0x1]  }
0x9: {  	s1 =	rddreg [dreg:$0x2];
	_ =	strace $0x8000004D  }
0xa: {  	s4 =	ssub.s32 $0x2, s4  }
0xb: {  	s3 =	sadd.s32 $0x200C00, s3;
	s5 =	sshrl.u32 s4, $0x1  }
0xc: {  	s6 =	simm.s32 $0x1;
	s7 =	simm.s32 $0x8000;
	s4 =	ssub.s32 s4, s5  }
0xd: {  	s8 =	simm.s32 $0x0;
	s5 =	simm.s32 $0x0;
	s4 =	smax.u32 s4, $0x1  }
.LBB2_2:
0xe: {  	[tilespmem:s5], [sflag:$0x1] =	stream.linear.gather [hbm4b:s3+s5], $0x8000, $0x38;
	[tilespmem:$0x8400] =	vst v63  }
0xf: {  	_ =	swait.ge [sflag:s6], $0x8000  }
0x10: {  	[sflag:s6] =	ssyncset.done $0x0  }
0x11: {  	s9 =	simm.s32 $0x0;
	[sflag:s6] =	ssyncadd.s32 $0xFFFF8000  }
0x12: {  	v0 =	vld [tilespmem:s9+$0x0]  }
0x13: {  	v1 =	vld [tilespmem:s9+$0x400]  }
0x14: {  	v2 =	vld [tilespmem:s9+$0x800]  }
0x15: {  	v3 =	vld [tilespmem:s9+$0xC00]  }
0x16: {  	v4 =	vld [tilespmem:s9+$0x1000]  }
0x17: {  	v5 =	vld [tilespmem:s9+$0x1400]  }
0x18: {  	v0 =	vadd.s32 v0, v1;
	v1 =	vld [tilespmem:s9+$0x1800]  }
0x19: {  	v0 =	vadd.s32 v2, v0;
	v2 =	vld [tilespmem:s9+$0x1C00]  }
0x1a: {  	v0 =	vadd.s32 v3, v0;
	v3 =	vld [tilespmem:s9+$0x2000]  }
0x1b: {  	v0 =	vadd.s32 v4, v0;
	v4 =	vld [tilespmem:s9+$0x2400]  }
0x1c: {  	v0 =	vadd.s32 v5, v0;
	v5 =	vld [tilespmem:s9+$0x2800]  }
0x1d: {  	v0 =	vadd.s32 v1, v0;
	v1 =	vld [tilespmem:s9+$0x2C00]  }
0x1e: {  	v0 =	vadd.s32 v2, v0;
	v2 =	vld [tilespmem:s9+$0x3000]  }
0x1f: {  	v0 =	vadd.s32 v3, v0;
	v3 =	vld [tilespmem:s9+$0x3400]  }
0x20: {  	v0 =	vadd.s32 v4, v0;
	v4 =	vld [tilespmem:s9+$0x3800]  }
0x21: {  	v0 =	vadd.s32 v5, v0;
	v5 =	vld [tilespmem:s9+$0x3C00]  }
0x22: {  	v0 =	vadd.s32 v1, v0;
	v1 =	vld [tilespmem:s9+$0x4000]  }
0x23: {  	v0 =	vadd.s32 v2, v0;
	v2 =	vld [tilespmem:s9+$0x4400]  }
0x24: {  	v0 =	vadd.s32 v3, v0;
	v3 =	vld [tilespmem:s9+$0x4800]  }
0x25: {  	v0 =	vadd.s32 v4, v0;
	v4 =	vld [tilespmem:s9+$0x4C00]  }
0x26: {  	v0 =	vadd.s32 v5, v0;
	v5 =	vld [tilespmem:s9+$0x5000]  }
0x27: {  	v0 =	vadd.s32 v1, v0;
	v1 =	vld [tilespmem:s9+$0x5400]  }
0x28: {  	v0 =	vadd.s32 v2, v0;
	v2 =	vld [tilespmem:s9+$0x5800]  }
0x29: {  	v0 =	vadd.s32 v3, v0;
	v3 =	vld [tilespmem:s9+$0x5C00]  }
0x2a: {  	v0 =	vadd.s32 v4, v0;
	v4 =	vld [tilespmem:s9+$0x6000]  }
0x2b: {  	v0 =	vadd.s32 v5, v0;
	v5 =	vld [tilespmem:s9+$0x6400]  }
0x2c: {  	v6 =	vld [tilespmem:s9+$0x6800];
	v0 =	vadd.s32 v1, v0  }
0x2d: {  	v7 =	vld [tilespmem:s9+$0x6C00];
	v0 =	vadd.s32 v2, v0  }
0x2e: {  	v1 =	vld [tilespmem:s9+$0x7000];
	v0 =	vadd.s32 v3, v0  }
0x2f: {  	v2 =	vld [tilespmem:s9+$0x7400];
	v0 =	vadd.s32 v4, v0  }
0x30: {  	v3 =	vld [tilespmem:s9+$0x7800];
	v0 =	vadd.s32 v5, v0  }
0x31: {  	s11 =	simm.s32 $0x10;
	v4 =	vld [tilespmem:s9+$0x7C00];
	v5 =	vadd.s32 v6, v0  }
0x32: {  	s10 =	simm.s32 $0x80;
	v0 =	vld [tilespmem:s11+$0x0];
	v5 =	vadd.s32 v7, v5  }
.LBB2_3:
0x33: {  	p0 =	sne.s32 s10, $0xFC0;
	v6 =	vld [tilespmem:s11+$0x400];
	v1 =	vadd.s32 v1, v5  }
0x34: {  	v5 =	vld [tilespmem:s11+$0x800];
	v1 =	vadd.s32 v2, v1  }
0x35: {  	v2 =	vld [tilespmem:s11+$0xC00];
	v1 =	vadd.s32 v3, v1  }
0x36: {  	v3 =	vld [tilespmem:s11+$0x1000];
	v1 =	vadd.s32 v4, v1  }
0x37: {  	v4 =	vld [tilespmem:s11+$0x1400];
	[tilespmem:s9+$0x8000] =	vst v1;
	s9 =	smov.u32 s11  }
0x38: {  	v0 =	vadd.s32 v0, v6;
	v1 =	vld [tilespmem:s9+$0x1800]  }
0x39: {  	v0 =	vadd.s32 v5, v0;
	v5 =	vld [tilespmem:s9+$0x1C00]  }
0x3a: {  	v0 =	vadd.s32 v2, v0;
	v2 =	vld [tilespmem:s9+$0x2000]  }
0x3b: {  	v0 =	vadd.s32 v3, v0;
	v3 =	vld [tilespmem:s9+$0x2400]  }
0x3c: {  	v0 =	vadd.s32 v4, v0;
	v4 =	vld [tilespmem:s9+$0x2800]  }
0x3d: {  	v0 =	vadd.s32 v1, v0;
	v1 =	vld [tilespmem:s9+$0x2C00]  }
0x3e: {  	v0 =	vadd.s32 v5, v0;
	v5 =	vld [tilespmem:s9+$0x3000]  }
0x3f: {  	v0 =	vadd.s32 v2, v0;
	v2 =	vld [tilespmem:s9+$0x3400]  }
0x40: {  	v0 =	vadd.s32 v3, v0;
	v3 =	vld [tilespmem:s9+$0x3800]  }
0x41: {  	v0 =	vadd.s32 v4, v0;
	v4 =	vld [tilespmem:s9+$0x3C00]  }
0x42: {  	v0 =	vadd.s32 v1, v0;
	v1 =	vld [tilespmem:s9+$0x4000]  }
0x43: {  	v0 =	vadd.s32 v5, v0;
	v5 =	vld [tilespmem:s9+$0x4400]  }
0x44: {  	v0 =	vadd.s32 v2, v0;
	v2 =	vld [tilespmem:s9+$0x4800]  }
0x45: {  	v0 =	vadd.s32 v3, v0;
	v3 =	vld [tilespmem:s9+$0x4C00]  }
0x46: {  	v0 =	vadd.s32 v4, v0;
	v4 =	vld [tilespmem:s9+$0x5000]  }
0x47: {  	v0 =	vadd.s32 v1, v0;
	v1 =	vld [tilespmem:s9+$0x5400]  }
0x48: {  	v0 =	vadd.s32 v5, v0;
	v5 =	vld [tilespmem:s9+$0x5800]  }
0x49: {  	v0 =	vadd.s32 v2, v0;
	v2 =	vld [tilespmem:s9+$0x5C00]  }
0x4a: {  	v0 =	vadd.s32 v3, v0;
	v3 =	vld [tilespmem:s9+$0x6000]  }
0x4b: {  	v0 =	vadd.s32 v4, v0;
	v4 =	vld [tilespmem:s9+$0x6400]  }
0x4c: {  	v0 =	vadd.s32 v1, v0;
	v6 =	vld [tilespmem:s9+$0x6800]  }
0x4d: {  	v0 =	vadd.s32 v5, v0;
	v5 =	vld [tilespmem:s9+$0x6C00]  }
.Ltmp1:
0x4e: {  	v0 =	vadd.s32 v2, v0;
	v1 =	vld [tilespmem:s9+$0x7000];
	(pc) =	sbr.rel @p0 .LBB2_3-.Ltmp1, $4  }
0x4f: {  	v0 =	vadd.s32 v3, v0;
	v2 =	vld [tilespmem:s9+$0x7400]  }
0x50: {  	v0 =	vadd.s32 v4, v0;
	v3 =	vld [tilespmem:s9+$0x7800]  }
0x51: {  	s11 =	sshra.s32 s10, $0x2;
	v6 =	vadd.s32 v6, v0;
	v4 =	vld [tilespmem:s9+$0x7C00]  }
0x52: {  	s10 =	sadd.s32 $0x40, s10;
	v0 =	vld [tilespmem:s11+$0x0];
	v5 =	vadd.s32 v5, v6  }
0x53: {  	v6 =	vld [tilespmem:s11+$0x400];
	v1 =	vadd.s32 v1, v5  }
0x54: {  	v34 =	vld [tilespmem:s11+$0x800];
	v1 =	vadd.s32 v2, v1  }
0x55: {  	v35 =	vld [tilespmem:s11+$0xC00];
	v1 =	vadd.s32 v3, v1  }
0x56: {  	v36 =	vld [tilespmem:s11+$0x1000];
	v1 =	vadd.s32 v4, v1  }
0x57: {  	v37 =	vld [tilespmem:s11+$0x1400];
	[tilespmem:s9+$0x8000] =	vst v1  }
0x58: {  	v0 =	vadd.s32 v0, v6;
	v1 =	vld [tilespmem:s11+$0x1800]  }
0x59: {  	v38 =	vld [tilespmem:s11+$0x1C00];
	v0 =	vadd.s32 v34, v0  }
0x5a: {  	v39 =	vld [tilespmem:s11+$0x2000];
	v0 =	vadd.s32 v35, v0  }
0x5b: {  	v40 =	vld [tilespmem:s11+$0x2400];
	v0 =	vadd.s32 v36, v0  }
0x5c: {  	v41 =	vld [tilespmem:s11+$0x2800];
	v0 =	vadd.s32 v37, v0  }
0x5d: {  	v42 =	vld [tilespmem:s11+$0x2C00];
	v0 =	vadd.s32 v1, v0  }
0x5e: {  	v43 =	vld [tilespmem:s11+$0x3000];
	v0 =	vadd.s32 v38, v0  }
0x5f: {  	v44 =	vld [tilespmem:s11+$0x3400];
	v0 =	vadd.s32 v39, v0  }
0x60: {  	v45 =	vld [tilespmem:s11+$0x3800];
	v0 =	vadd.s32 v40, v0  }
0x61: {  	v46 =	vld [tilespmem:s11+$0x3C00];
	v0 =	vadd.s32 v41, v0  }
0x62: {  	v47 =	vld [tilespmem:s11+$0x4000];
	v0 =	vadd.s32 v42, v0  }
0x63: {  	v48 =	vld [tilespmem:s11+$0x4400];
	v0 =	vadd.s32 v43, v0  }
0x64: {  	v49 =	vld [tilespmem:s11+$0x4800];
	v0 =	vadd.s32 v44, v0  }
0x65: {  	v50 =	vld [tilespmem:s11+$0x4C00];
	v0 =	vadd.s32 v45, v0  }
0x66: {  	v51 =	vld [tilespmem:s11+$0x5000];
	v0 =	vadd.s32 v46, v0  }
0x67: {  	v52 =	vld [tilespmem:s11+$0x5400];
	v0 =	vadd.s32 v47, v0  }
0x68: {  	v53 =	vld [tilespmem:s11+$0x5800];
	v0 =	vadd.s32 v48, v0  }
0x69: {  	v54 =	vld [tilespmem:s11+$0x5C00];
	v0 =	vadd.s32 v49, v0  }
0x6a: {  	v55 =	vld [tilespmem:s11+$0x6000];
	v0 =	vadd.s32 v50, v0  }
0x6b: {  	v56 =	vld [tilespmem:s11+$0x6400];
	v0 =	vadd.s32 v51, v0  }
0x6c: {  	v57 =	vld [tilespmem:s11+$0x6800];
	v0 =	vadd.s32 v52, v0  }
0x6d: {  	v58 =	vld [tilespmem:s11+$0x6C00];
	v0 =	vadd.s32 v53, v0  }
0x6e: {  	v59 =	vld [tilespmem:s11+$0x7000];
	v0 =	vadd.s32 v54, v0  }
0x6f: {  	v60 =	vld [tilespmem:s11+$0x7400];
	v0 =	vadd.s32 v55, v0  }
0x70: {  	v61 =	vld [tilespmem:s11+$0x7800];
	v0 =	vadd.s32 v56, v0  }
0x71: {  	v62 =	vld [tilespmem:s11+$0x7C00];
	v0 =	vadd.s32 v57, v0  }
0x72: {  	v0 =	vadd.s32 v58, v0  }
0x73: {  	v0 =	vadd.s32 v59, v0  }
0x74: {  	v0 =	vadd.s32 v60, v0  }
0x75: {  	v0 =	vadd.s32 v61, v0  }
0x76: {  	v0 =	vadd.s32 v62, v0  }
0x77: {  	s10 =	simm.s32 $0x0;
	[tilespmem:s11+$0x8000] =	vst v0  }
0x78: {  	v0 =	vld [tilespmem:s10+$0x8000];
	_ =	sdelay $0x4  }
0x79: {  	(xrf0) =	vadd.scan.msk.s32 $0xffff, v0;
	_ =	sdelay $0x5  }
0x7a: {  	v0, _, _ =	vpop (xrf0)  }
0x7b: {  	(v2sf) =	vpush v0, $0xF  }
0x7c: {  	s9 =	simm.s32 $0x0  }
0x7d: {  	v63 =	vadd.s32 s9, v0  }
0x7e: {  	s11 =	simm.s32 $0x80;
	[tilespmem:s10+$0x8000] =	vst v63;
	s10 =	simm.s32 $0x10  }
.LBB2_5:
0x7f: {  	p0 =	sne.s32 s11, $0xFC0;
	v0 =	vld [tilespmem:s10+$0x8000];
	_ =	sdelay $0x4  }
0x80: {  	(xrf0) =	vadd.scan.msk.s32 $0xffff, v0;
	_ =	sdelay $0x5  }
.Ltmp2:
0x81: {  	v0, _, _ =	vpop (xrf0);
	s12 =	spop (v2sf);
	(pc) =	sbr.rel @p0 .LBB2_5-.Ltmp2, $4  }
0x82: {  	(v2sf) =	vpush v0, $0xF;
	s9 =	sadd.s32 s9, s12  }
0x83: {  	v0 =	vadd.s32 s9, v0  }
0x84: {  	[tilespmem:s10+$0x8000] =	vst v0  }
0x85: {  	s10 =	sshra.s32 s11, $0x2;
	s11 =	sadd.s32 $0x40, s11  }
0x86: {  	v0 =	vld [tilespmem:s10+$0x8000];
	_ =	sdelay $0x4  }
0x87: {  	(xrf0) =	vadd.scan.msk.s32 $0xffff, v0;
	_ =	sdelay $0x5  }
0x88: {  	v0, _, _ =	vpop (xrf0)  }
0x89: {  	(v2sf) =	vpush v0, $0xF;
	_ =	sdelay $0x8  }
0x8a: {  	s11 =	spop (v2sf)  }
0x8b: {  	s9 =	sadd.s32 s9, s11  }
0x8c: {  	s8 =	sadd.s32 $0x1, s8;
	v0 =	vadd.s32 s9, v0  }
0x8d: {  	p0 =	sne.s32 s8, s4;
	[tilespmem:s10+$0x8000] =	vst v0  }
0x8e: {  	[hbm4b:s2+s5] =	stream.linear.scatter [tilespmem:s7], [sflag:$0x1], $0x400, $0x38;
	[tilespmem:$0x8400] =	vst v63  }
.Ltmp3:
0x8f: {  	_ = 	snop;
	(pc) =	sbr.rel @p0 .LBB2_2-.Ltmp3, $4  }
0x90: {  	s31 =	spop (v2sf)  }
0x91: {  	_ =	swait.ge [sflag:s6], $0x400  }
0x92: {  	[sflag:s6] =	ssyncset.done $0x0  }
0x93: {  	[sflag:s6] =	ssyncadd.s32 $0xFFFFFC00  }
.LBB2_7:
0x94: {  	_ =	sfence.sel $0x180000  }
0x95: {  	[bflag:$0x0] =	sbarrier.arrive $0xFFFF  }
0x96: {  	p0 =	sne.s32 s0, $0x0;
	_ =	strace $0x9000004D  }
0x97: {  	s0 =	sadd.s32 @!p0 $0x100000, s1;
	[bflag:$0x2] =	sbarrier.arrive $0xFFFF  }
0x98: {  	[sflag:s0] =	ssyncadd.tile.s32 @!p0 $0x1;
	_ =	shalt  }
.Lfunc_end2:
_tile_overlayer_lowered:
.L_overlay_start_2:
0x99: {  	(tag) =	ssettag $0x2  }
0x9a: {  	s0 =	rddreg [dreg:$0x0];
	s2 =	stileid.u32  }
0x9b: {  	s1 =	rddreg [dreg:$0x1];
	p0 =	sne.s32 s2, $0x0  }
0x9c: {  	s3 =	rddreg [dreg:$0x2];
	[bflag:$0x3] =	sbarrier.arrive $0xFFFF;
	s2 =	simm.s32 @!p0 $0x1C01  }
0x9d: {  	[timem:s3], [sflag:s2] =	dma.local @!p0 [hbm:s0], s1  }
0x9e: {  	s0 =	simm.s32 @!p0 $0x1  }
0x9f: {  	_ =	swait.ge @!p0 [sflag:s0], s1  }
0xa0: {  	s1 =	ssub.s32 @!p0 $0x0, s1;
	[sflag:s0] =	ssyncset.done @!p0 $0x0  }
0xa1: {  	[sflag:s0] =	ssyncadd.s32 @!p0 s1  }
0xa2: {  	[bflag:$0x3] =	sbarrier.arrive $0xFFFF  }
0xa3: {  	_ =	shalt  }

// kernel: sparse-core-data-format-call.cloned.1.call-start
scs
called_computation_lowered:
.L_overlay_start_0:
0x0: {  	s2 =	sld [smem:$0x3FD9]  }
0x1: {  	s3 =	sld [smem:$0x3FFE];
	_ =	sdelay $0x1  }
0x2: {  	s1 =	srdreg.scid  }
0x3: {  	s0 =	sand.u32 $0x1, s1  }
0x4: {  	s18 =	sshll.u32 s0, $0xA;
	s2 =	sadd.s32 s3, s2  }
0x5: {  	s2 =	sadd.s32 s2, s18  }
0x6: {  	[smem:$0x3FC7] =	sst s2  }
0x7: {  	_ = 	snop  }
0x8: {  	s2 =	sld [smem:$0x3FC9];
	(tm) =	ssettm $0x1  }
0x9: {  	s19 =	sld [smem:$0x3FFB];
	_ =	sdelay $0x3  }
0xa: {  	_ =	strace s19  }
0xb: {  	s3 =	sld [smem:$0x3FFC];
	_ =	sdelay $0x3  }
0xc: {  	_ =	strace s3  }
0xd: {  	s3 =	sld [smem:$0x3FFD];
	_ =	sdelay $0x3  }
0xe: {  	_ =	strace s3  }
0xf: {  	_ =	strace $0x8FFFFFFF  }
0x10: {  	s20 =	sld [smem:$0x3FDB];
	_ =	sdelay $0x1  }
0x11: {  	s4 =	simm.s32 $_scs_section_size  }
0x12: {  	s5 =	simm.s32 $_size__tile_overlayer_lowered;
	s6 =	simm.s32 $_tile_overlayer_lowered  }
0x13: {  	s23 =	simm.s32 $0x1BFF;
	s22 =	sshll.u32 s6, $0x1;
	s3 =	sadd.s32 s4, s20  }
0x14: {  	s7 =	simm.s32 $0x0;
	s21 =	sshll.u32 s5, $0x1;
	s5 =	sadd.s32 s22, s3  }
0x15: {  	[timem:s7], [sflag:s23] =	dma.local [hbm:s5], s21  }
0x16: {  	_ =	swait.ge [sflag:s23], s21  }
0x17: {  	s4 =	ssub.s32 $0x0, s21;
	[sflag:s23] =	ssyncset.done $0x0  }
0x18: {  	[sflag:s23] =	ssyncadd.s32 s4;
	_ =	sdelay $0x1  }
0x19: {  	s24 =	simm.s32 $0x1B8B  }
0x1a: {  	_ =	swait.ge [sflag:s24], $0x1  }
0x1b: {  	[sflag:s24] =	ssyncset.done $0x0  }
0x1c: {  	s26 =	simm.s32 $0x1B8E;
	s25 =	sld [smem:$0x3FFE];
	[sflag:s24] =	ssyncadd.s32 $0xFFFFFFFF  }
0x1d: {  	s27 =	simm.s32 $execute0_lowered;
	[smem:$0x3FD2] =	sst s26  }
0x1e: {  	s5 =	sshll.u32 s27, $0x1;
	_ =	strace $0x80000046;
	[dreg:$0x1] =	wrdreg $0xFFFFFFFF  }
0x1f: {  	s28 =	simm.s32 $_size_execute0_lowered;
	s3 =	sadd.s32 s3, s5;
	[dreg:$0x0] =	wrdreg $0x0  }
0x20: {  	s5 =	sshll.u32 s28, $0x1;
	[dreg:$0x2] =	wrdreg s3  }
0x21: {  	[dreg:$0x3] =	wrdreg s5  }
0x22: {  	[dreg:$0x4] =	wrdreg $0xC0  }
0x23: {  	_ =	task [dreg:s7], $0x5FFFF  }
0x24: {  	[dreg:$0x1] =	wrdreg $0xFFFFFFFF  }
0x25: {  	[dreg:$0x0] =	wrdreg $0x60  }
0x26: {  	[dreg:$0x2] =	wrdreg s2  }
0x27: {  	[dreg:$0x3] =	wrdreg s25  }
0x28: {  	[dreg:$0x4] =	wrdreg $0x9  }
0x29: {  	_ =	task.clear_ibuf [dreg:s7], $0x5FFFF;
	_ =	strace $0x90000046  }
0x2a: {  	s29 =	simm.s32 $0x9;
	_ =	strace $0x80000048  }
0x2b: {  	_ =	swait.ge [sflag:s29], $0x1  }
0x2c: {  	[sflag:s29] =	ssyncadd.s32 $0xFFFFFFFF  }
0x2d: {  	_ =	strace $0x90000048  }
0x2e: {  	_ =	sfence  }
0x2f: {  	s30 =	sld [smem:$0x0];
	_ =	sdelay $0x2  }
0x30: {  	s31 =	sshll.u32 s1, $0xD;
	s1 =	sshrl.u32 s1, $0x2  }
0x31: {  	s3 =	sand.u32 $0x4000, s31;
	s1 =	sadd.s32 s1, s30  }
0x32: {  	s0 =	sor.u32 s3, s0;
	s1 =	sshll.u32 s1, $0x11  }
0x33: {  	s0 =	sor.u32 s1, s0  }
0x34: {  	s0 =	sadd.s32 $0x8F2B, s0  }
0x35: {  	[sflag:s0] =	ssyncadd.remote.s32 $0x1  }
0x36: {  	_ =	sfence.sel $0xFFFF  }
0x37: {  	[dreg:$0x0] =	wrdreg $0xFFFFFFFF;
	(pc) =	sbr.abs _section_cstart, $3  }
0x38: {  	[dreg:$0x1] =	wrdreg $0xFFFFFFFF  }
0x39: {  	_ =	task.clear_ibuf [dreg:s7], $0x2FFFF;
	_ =	strace $0x9FFFFFFF  }
0x3a: {  	(tm) =	ssettm $0x7FFFFFFF  }
0x3b: {  	_ =	shalt  }
tec
execute0_lowered:
.L_overlay_start_1:
0x0: {  	(tag) =	ssettag $0x1  }
0x1: {  	s0 =	srdreg.scid  }
0x2: {  	s1 =	sshll.u32 s0, $0x4  }
0x3: {  	s2 =	rddreg [dreg:$0x0];
	s0 =	stileid.u32;
	s1 =	sand.u32 $0x10, s1  }
0x4: {  	s4 =	rddreg [dreg:$0x1];
	s7 =	simm.s32 $0x1;
	s1 =	sor.u32 s0, s1  }
0x5: {  	s8 =	simm.s32 $0x2;
	s9 =	simm.s32 $0x0;
	s3 =	sshll.u32 s1, $0x3  }
0x6: {  	s12 =	simm.s32 $0x0;
	s11 =	simm.s32 $0x0;
	s6 =	ssub.s32 $0x2000, s3  }
.Ltmp0:
0x7: {  	s4 =	sadd.s32 $0xC00, s4;
	s5 =	sand.u32 $0xF8, s6;
	(pc) =	sbr.rel .LBB1_1-.Ltmp0, $4  }
0x8: {  	s1 =	rddreg [dreg:$0x2];
	_ =	strace $0x80000047;
	p0 =	sne.s32 s5, $0x0  }
0x9: {  	s6 =	sshrl.u32 s6, $0x8;
	s5 =	simm.s32 $0x1;
	s7 =	simm.s32 @!p0 $0x0  }
0xa: {  	s10 =	smov.u32 s3;
	[sflag:s5] =	ssyncpa.u1 $0x0;
	s6 =	sadd.s32 s7, s6  }
0xb: {  	[sflag:s8] =	ssyncpa.u1 $0x0;
	s8 =	simm.s32 $0x0;
	s7 =	sadd.s32 $0x1, s6  }
.LBB1_9:
0xc: {  	s14 =	sadd.s32 $0x100, s10  }
0xd: {  	p1 =	sgt.s32 s14, $0x1FFF  }
0xe: {  	s14 =	smov.u32 @p1 s3;
	p1 =	sne.s32 s11, s7  }
.Ltmp1:
0xf: {  	p0 =	slt.u32 s11, $0x2;
	(pc) =	sbr.rel @!p1 .LBB1_10-.Ltmp1, $4  }
0x10: {  	s13 =	simm.s32 @!p0 $0x2  }
0x11: {  	s15 =	sadd.s32 $0x1, s11;
	_ =	swait.ge @!p0 [sflag:s13], $0x4000  }
0x12: {  	s12 =	smov.u32 s10;
	s9 =	sadd.s32 $0x4000, s9;
	[sflag:s13] =	ssyncset.done @!p0 $0x0  }
0x13: {  	s11 =	smov.u32 s15;
	s10 =	smov.u32 s14;
	[sflag:s13] =	ssyncadd.s32 @!p0 $0xFFFFC000  }
.LBB1_1:
0x14: {  	p0 =	sge.u32 s11, s6  }
0x15: {  	s13 =	sxor.u32 @!p0 $0xFFFFFFFF, s11  }
0x16: {  	s31 =	sadd.s32 $0xFFFFFFFF, s11;
	s14 =	sshll.u32 @!p0 s10, $0x8;
	s13 =	sshll.u32 @!p0 s13, $0xE  }
0x17: {  	s15 =	simm.s32 @!p0 $0x0;
	s14 =	sadd.s32 @!p0 s2, s14;
	s13 =	sand.u32 @!p0 $0x4000, s13  }
0x18: {  	[tilespmem:s13], [sflag:$0x1] =	stream.linear.gather @!p0 [hbm4b:s14+s15], $0x4000, $0x38;
	[tilespmem:$0x10000] =	vst v63  }
0x19: {  	p0 =	sge.u32 s31, s6  }
.Ltmp2:
0x1a: {  	_ = 	snop;
	(pc) =	sbr.rel @p0 .LBB1_9-.Ltmp2, $1  }
0x1b: {  	_ =	sdelay $0x3  }
0x1c: {  	s13 =	sshll.u32 s9, $0x2;
	_ =	swait.ge [sflag:s5], $0x4000;
	s14 =	sshll.u32 s11, $0xE  }
0x1d: {  	s16 =	simm.s32 $0x0;
	s17 =	simm.s32 $0x0;
	s15 =	sand.u32 $0x10000, s13  }
0x1e: {  	[sflag:s5] =	ssyncset.done $0x0;
	s31 =	sand.u32 $0x4000, s14;
	s14 =	sshrl.u32 s15, $0x2  }
0x1f: {  	[sflag:s5] =	ssyncadd.s32 $0xFFFFC000;
	s13 =	sor.u32 $0x8000, s31;
	s15 =	sor.u32 $0x8000, s14  }
.LBB1_3:
0x20: {  	s18 =	sshra.s32 s16, $0x2  }
0x21: {  	v0 =	vmov s18;
	_ =	sdelay $0x3  }
0x22: {  	p1 =	por $0x1, $0x1;
	s18 =	simm.s32 $0x0  }
.LBB1_4:
0x23: {  	_ = 	snop  }
0x24: {  	s19 =	sshll.u32 s18, $0xA  }
0x25: {  	s19 =	sand.u32 $0x3FFFFC00, s19  }
0x26: {  	s19 =	sadd.s32 s19, s14  }
0x27: {  	v5 =	vld.idx.msk [tilespmem:v0+s19+$0x70 ss:$0x1], $0xffff  }
0x28: {  	v6 =	vld.idx.msk [tilespmem:v0+s19+$0x10 ss:$0x1], $0xffff  }
0x29: {  	v7 =	vld.idx.msk [tilespmem:v0+s19+$0x20 ss:$0x1], $0xffff  }
0x2a: {  	s31 =	sshll.u32 s18, $0x7;
	v1 =	vld.idx.msk [tilespmem:v0+s19+$0x30 ss:$0x1], $0xffff  }
0x2b: {  	s18 =	sand.u32 $0x3FFFFF80, s31;
	v2 =	vld.idx.msk [tilespmem:v0+s19+$0x40 ss:$0x1], $0xffff  }
0x2c: {  	s18 =	sadd.s32 s18, s15;
	v3 =	vld.idx.msk [tilespmem:v0+s19+$0x50 ss:$0x1], $0xffff  }
0x2d: {  	v4 =	vld.idx.msk [tilespmem:v0+s19+$0x60 ss:$0x1], $0xffff;
	[tilespmem:v0+s18+$0x70 ss:$0x1] =	vst.idx.msk $0xffff, v5  }
0x2e: {  	v5 =	vld.idx.msk [tilespmem:v0+s19+$0x0 ss:$0x1], $0xffff;
	[tilespmem:v0+s18+$0x10 ss:$0x1] =	vst.idx.msk $0xffff, v6;
	s19 =	sadd.s32 $0x80, s19  }
0x2f: {  	p0 =	por p1, p1;
	s20 =	simm.s32 $0x6;
	[tilespmem:v0+s18+$0x20 ss:$0x1] =	vst.idx.msk $0xffff, v7;
	v6 =	vld.idx.msk [tilespmem:v0+s19+$0x70 ss:$0x1], $0xffff  }
.LBB1_5:
0x30: {  	p1 =	sne.s32 s20, $0x1;
	v7 =	vld.idx.msk [tilespmem:v0+s19+$0x10 ss:$0x1], $0xffff;
	[tilespmem:v0+s18+$0x30 ss:$0x1] =	vst.idx.msk $0xffff, v1  }
0x31: {  	v8 =	vld.idx.msk [tilespmem:v0+s19+$0x20 ss:$0x1], $0xffff;
	[tilespmem:v0+s18+$0x40 ss:$0x1] =	vst.idx.msk $0xffff, v2  }
0x32: {  	v1 =	vld.idx.msk [tilespmem:v0+s19+$0x30 ss:$0x1], $0xffff;
	[tilespmem:v0+s18+$0x50 ss:$0x1] =	vst.idx.msk $0xffff, v3  }
.Ltmp3:
0x33: {  	v2 =	vld.idx.msk [tilespmem:v0+s19+$0x40 ss:$0x1], $0xffff;
	[tilespmem:v0+s18+$0x60 ss:$0x1] =	vst.idx.msk $0xffff, v4;
	(pc) =	sbr.rel @p1 .LBB1_5-.Ltmp3, $4  }
0x34: {  	v3 =	vld.idx.msk [tilespmem:v0+s19+$0x50 ss:$0x1], $0xffff;
	[tilespmem:v0+s18+$0x0 ss:$0x1] =	vst.idx.msk $0xffff, v5;
	s18 =	sadd.s32 $0x100, s18  }
0x35: {  	v4 =	vld.idx.msk [tilespmem:v0+s19+$0x60 ss:$0x1], $0xffff;
	[tilespmem:v0+s18+$0x70 ss:$0x1] =	vst.idx.msk $0xffff, v6  }
0x36: {  	v5 =	vld.idx.msk [tilespmem:v0+s19+$0x0 ss:$0x1], $0xffff;
	[tilespmem:v0+s18+$0x10 ss:$0x1] =	vst.idx.msk $0xffff, v7;
	s19 =	sadd.s32 $0x80, s19  }
0x37: {  	s20 =	sadd.s32 $0xFFFFFFFF, s20;
	v6 =	vld.idx.msk [tilespmem:v0+s19+$0x70 ss:$0x1], $0xffff;
	[tilespmem:v0+s18+$0x20 ss:$0x1] =	vst.idx.msk $0xffff, v8  }
0x38: {  	_ =	sdelay $0x3  }
0x39: {  	[tilespmem:v0+s18+$0x30 ss:$0x1] =	vst.idx.msk $0xffff, v1  }
0x3a: {  	v1 =	vld.idx.msk [tilespmem:v0+s19+$0x10 ss:$0x1], $0xffff;
	[tilespmem:v0+s18+$0x40 ss:$0x1] =	vst.idx.msk $0xffff, v2  }
0x3b: {  	v2 =	vld.idx.msk [tilespmem:v0+s19+$0x20 ss:$0x1], $0xffff;
	[tilespmem:v0+s18+$0x50 ss:$0x1] =	vst.idx.msk $0xffff, v3  }
0x3c: {  	v61 =	vld.idx.msk [tilespmem:v0+s19+$0x40 ss:$0x1], $0xffff;
	[tilespmem:v0+s18+$0x60 ss:$0x1] =	vst.idx.msk $0xffff, v4  }
0x3d: {  	s31 =	sadd.s32 $0x100, s18;
	v62 =	vld.idx.msk [tilespmem:v0+s19+$0x50 ss:$0x1], $0xffff;
	[tilespmem:v0+s18+$0x0 ss:$0x1] =	vst.idx.msk $0xffff, v5  }
0x3e: {  	v63 =	vld.idx.msk [tilespmem:v0+s19+$0x60 ss:$0x1], $0xffff;
	[tilespmem:v0+s31+$0x70 ss:$0x1] =	vst.idx.msk $0xffff, v6  }
0x3f: {  	v3 =	vld.idx.msk [tilespmem:v0+s19+$0x30 ss:$0x1], $0xffff;
	[tilespmem:v0+s31+$0x10 ss:$0x1] =	vst.idx.msk $0xffff, v1  }
0x40: {  	v1 =	vld.idx.msk [tilespmem:v0+s19+$0x0 ss:$0x1], $0xffff;
	[tilespmem:v0+s31+$0x20 ss:$0x1] =	vst.idx.msk $0xffff, v2  }
.Ltmp4:
0x41: {  	[tilespmem:v0+s31+$0x40 ss:$0x1] =	vst.idx.msk $0xffff, v61;
	(pc) =	sbr.rel @p0 .LBB1_4-.Ltmp4, $4  }
0x42: {  	[tilespmem:v0+s31+$0x50 ss:$0x1] =	vst.idx.msk $0xffff, v62  }
0x43: {  	[tilespmem:v0+s31+$0x60 ss:$0x1] =	vst.idx.msk $0xffff, v63  }
0x44: {  	[tilespmem:v0+s31+$0x30 ss:$0x1] =	vst.idx.msk $0xffff, v3  }
0x45: {  	p1 =	por $0x0, $0x0;
	s18 =	simm.s32 $0x1;
	[tilespmem:v0+s31+$0x0 ss:$0x1] =	vst.idx.msk $0xffff, v1  }
0x46: {  	s17 =	sadd.s32 $0x1, s17  }
0x47: {  	p0 =	sne.s32 s17, $0x8  }
.Ltmp5:
0x48: {  	_ = 	snop;
	(pc) =	sbr.rel @p0 .LBB1_3-.Ltmp5, $2  }
0x49: {  	_ =	sdelay $0x2  }
0x4a: {  	s16 =	sadd.s32 $0x2000, s16  }
.Ltmp6:
0x4b: {  	(pc) =	sbr.rel .LBB1_9-.Ltmp6, $4  }
0x4c: {  	_ = 	snop  }
0x4d: {  	s12 =	sshll.u32 s12, $0x8  }
0x4e: {  	s12 =	sadd.s32 s4, s12  }
0x4f: {  	[hbm4b:s12+s8] =	stream.linear.scatter [tilespmem:s13], [sflag:$0x2], $0x4000, $0x38;
	[tilespmem:$0x10000] =	vst v63  }
.LBB1_10:
0x50: {  	_ =	sfence.sel $0x180000  }
0x51: {  	s2 =	simm.s32 $0x1;
	[bflag:$0x0] =	sbarrier.arrive $0xFFFF  }
0x52: {  	s31 =	simm.s32 $0x2;
	[sflag:s2] =	ssyncpa.u1 $0x1  }
0x53: {  	[sflag:s31] =	ssyncpa.u1 $0x1  }
0x54: {  	p0 =	sne.s32 s0, $0x0;
	_ =	strace $0x90000047  }
0x55: {  	s0 =	sadd.s32 @!p0 $0x100000, s1;
	[bflag:$0x2] =	sbarrier.arrive $0xFFFF  }
0x56: {  	[sflag:s0] =	ssyncadd.tile.s32 @!p0 $0x1;
	_ =	shalt  }
.Lfunc_end1:
_tile_overlayer_lowered:
.L_overlay_start_2:
0x57: {  	(tag) =	ssettag $0x2  }
0x58: {  	s0 =	rddreg [dreg:$0x0];
	s2 =	stileid.u32  }
0x59: {  	s1 =	rddreg [dreg:$0x1];
	p0 =	sne.s32 s2, $0x0  }
0x5a: {  	s3 =	rddreg [dreg:$0x2];
	[bflag:$0x3] =	sbarrier.arrive $0xFFFF;
	s2 =	simm.s32 @!p0 $0x1C01  }
0x5b: {  	[timem:s3], [sflag:s2] =	dma.local @!p0 [hbm:s0], s1  }
0x5c: {  	s0 =	simm.s32 @!p0 $0x1  }
0x5d: {  	_ =	swait.ge @!p0 [sflag:s0], s1  }
0x5e: {  	s1 =	ssub.s32 @!p0 $0x0, s1;
	[sflag:s0] =	ssyncset.done @!p0 $0x0  }
0x5f: {  	[sflag:s0] =	ssyncadd.s32 @!p0 s1  }
0x60: {  	[bflag:$0x3] =	sbarrier.arrive $0xFFFF  }
0x61: {  	_ =	shalt  }

</sc_bundles>
